<compile_context>
chip_gen: v7x
topology: tpu7x:2x2x1
jax: 0.10.2.dev20260603
libtpu: 0.0.44.dev20260713+nightly
codegen_flags: <defaults>
</compile_context>

<pallas_src>
import functools

import jax
import jax.numpy as jnp
from jax import lax
from jax.experimental import pallas as pl
from jax.experimental.pallas import tpu as pltpu
from jax.experimental.pallas import tpu_sc as plsc

NC = 2
NS = 16
CHUNK = 128
EXPORT_CHUNK = 128
LANES = 16


def _sc_edge_kernel(d_feat, cpw, npad, mode, spmem_table=False):
    rows_pt = npad // NS
    cpw_eff = 2 * cpw if mode == "split" else cpw
    mesh = plsc.VectorSubcoreMesh(core_axis_name="c", subcore_axis_name="s")

    scratch = [
        pltpu.VMEM((cpw_eff, CHUNK), jnp.int32),
        pltpu.VMEM((4, CHUNK, d_feat), jnp.float32),
        pltpu.VMEM((EXPORT_CHUNK, d_feat), jnp.float32),
        pltpu.VMEM_SHARED((npad, d_feat), jnp.float32),
        [pltpu.SemaphoreType.DMA] * 4,
    ]
    if mode != "deg":
        scratch = [pltpu.VMEM((cpw_eff, CHUNK), jnp.int32)] + scratch
        if spmem_table:
            scratch = scratch + [
                pltpu.VMEM_SHARED((npad, d_feat), jnp.float32)]

    def body(*refs):
        table_sh = None
        if mode == "deg":
            (dst_hbm, out_hbm, dst_v, rows_v, stage_v, acc_sh, sem) = refs
        elif spmem_table:
            (table_hbm, src_hbm, dst_hbm, out_hbm,
             src_v, dst_v, rows_v, stage_v, acc_sh, sem, table_sh) = refs
        else:
            (table_hbm, src_hbm, dst_hbm, out_hbm,
             src_v, dst_v, rows_v, stage_v, acc_sh, sem) = refs
        cid = lax.axis_index("c")
        sid = lax.axis_index("s")

        zero16 = jnp.zeros((LANES,), jnp.float32)

        def zero_stage(i, carry):
            for j in range(d_feat // LANES):
                stage_v[i, pl.ds(j * LANES, LANES)] = zero16
            return carry
        lax.fori_loop(0, EXPORT_CHUNK, zero_stage, 0)

        if mode == "deg":
            one16 = jnp.full((LANES,), 1.0, jnp.float32)

            def fill_ones(i, carry):
                for j in range(d_feat // LANES):
                    rows_v[0, i, pl.ds(j * LANES, LANES)] = one16
                return carry
            lax.fori_loop(0, CHUNK, fill_ones, 0)

        def zero_acc(i, carry):
            r0 = sid * rows_pt + i * EXPORT_CHUNK
            pltpu.sync_copy(stage_v, acc_sh.at[pl.ds(r0, EXPORT_CHUNK)])
            return carry
        lax.fori_loop(0, rows_pt // EXPORT_CHUNK, zero_acc, 0)

        if table_sh is not None:
            def load_table(i, carry):
                r0 = sid * rows_pt + i * EXPORT_CHUNK
                h0 = cid * npad + r0 if mode == "split" else r0
                pltpu.sync_copy(table_hbm.at[pl.ds(h0, EXPORT_CHUNK)], stage_v)
                pltpu.sync_copy(stage_v, table_sh.at[pl.ds(r0, EXPORT_CHUNK)])
                return carry
            lax.fori_loop(0, rows_pt // EXPORT_CHUNK, load_table, 0)

        src_plane = 0 if spmem_table else cid
        if mode == "split":
            pltpu.sync_copy(dst_hbm.at[sid], dst_v)
            pltpu.sync_copy(src_hbm.at[src_plane, sid], src_v)
        else:
            col = cid * cpw
            pltpu.sync_copy(dst_hbm.at[sid, pl.ds(col, cpw)], dst_v)
            if mode == "partial":
                pltpu.sync_copy(src_hbm.at[0, sid, pl.ds(col, cpw)], src_v)

        plsc.subcore_barrier()

        if mode == "deg":
            def edge_body(j, carry):
                pltpu.sync_copy(rows_v.at[0], acc_sh.at[dst_v.at[j]], add=True)
                return carry
            lax.fori_loop(0, cpw_eff, edge_body, 0)
        else:
            table = table_sh if table_sh is not None else table_hbm

            def edge_group(g, carry):
                descs = []
                for b in range(4):
                    j = 4 * g + b
                    descs.append(pltpu.async_copy(
                        table.at[src_v.at[j]], rows_v.at[b], sem[b]))
                for b in range(4):
                    j = 4 * g + b
                    descs[b].wait()
                    pltpu.sync_copy(rows_v.at[b], acc_sh.at[dst_v.at[j]],
                                    add=True)
                return carry
            lax.fori_loop(0, cpw_eff // 4, edge_group, 0)

        plsc.subcore_barrier()

        def export(i, carry):
            r0 = sid * rows_pt + i * EXPORT_CHUNK
            pltpu.sync_copy(acc_sh.at[pl.ds(r0, EXPORT_CHUNK)], stage_v)
            pltpu.sync_copy(stage_v, out_hbm.at[cid, pl.ds(r0, EXPORT_CHUNK)])
            return carry
        lax.fori_loop(0, rows_pt // EXPORT_CHUNK, export, 0)

    return functools.partial(
        pl.kernel,
        out_type=jax.ShapeDtypeStruct((NC, npad, d_feat), jnp.float32),
        mesh=mesh,
        scratch_types=scratch,
        compiler_params=pltpu.CompilerParams(use_tc_tiling_on_sc=False),
    )(body)


BLK = 512
_DOT = dict(preferred_element_type=jnp.float32, precision=lax.Precision.HIGHEST)


def _tc_scale_matmul(x_ref, w1_ref, d_ref, out_ref):
    dis = lax.rsqrt(d_ref[0, :, :1] + d_ref[1, :, :1] + 1.0)
    h = jnp.dot(x_ref[:, :], w1_ref[:, :], **_DOT) * dis
    half = h.shape[1] // 2
    out_ref[0, :, :] = h[:, :half]
    out_ref[1, :, :] = h[:, half:]


def _tc_mid(h_ref, g_ref, d_ref, b1_ref, w2_ref, wo_ref, out_ref):
    dis = lax.rsqrt(d_ref[0, :, :1] + d_ref[1, :, :1] + 1.0)
    agg = jnp.concatenate([g_ref[0, :, :] + h_ref[0, :, :],
                           g_ref[1, :, :] + h_ref[1, :, :]], axis=1)
    z = jnp.maximum(dis * agg + b1_ref[:, :], 0.0)
    h2 = jnp.dot(jnp.dot(z, w2_ref[:, :], **_DOT), wo_ref[:, :], **_DOT)
    out_ref[:, :] = h2 * dis


def _tc_head(q_ref, h2p_ref, d_ref, b2_ref, wo_ref, bo_ref,
             out_ref, *, cpad, nclass):
    dis = lax.rsqrt(d_ref[0, :, :1] + d_ref[1, :, :1] + 1.0)
    bias = jnp.dot(b2_ref[:, :], wo_ref[:, :], **_DOT) + bo_ref[:, :]
    u = dis * (q_ref[0, :, :] + q_ref[1, :, :] + h2p_ref[:, :]) + bias
    col = lax.broadcasted_iota(jnp.int32, (BLK, cpad), 1)
    valid = col < nclass
    um = jnp.where(valid, u, jnp.float32(-1e30))
    m = jnp.max(um, axis=1, keepdims=True)
    e = jnp.where(valid, jnp.exp(um - m), 0.0)
    s = jnp.sum(e, axis=1, keepdims=True)
    out_ref[:, :] = u - m - jnp.log(s)


def _row_spec(width):
    return pl.BlockSpec((BLK, width), lambda i: (i, 0))


def _stack_spec(width):
    return pl.BlockSpec((NC, BLK, width), lambda i: (0, i, 0))


def _full_spec(shape):
    return pl.BlockSpec(shape, lambda i: (0,) * len(shape))


def kernel(x, edge_index, W1, b1, W2, b2, Wo, bo):
    n_nodes, d_feat = x.shape
    n_hid = W1.shape[1]
    half = n_hid // 2
    n_class = Wo.shape[1]
    cpad = ((n_class + LANES - 1) // LANES) * LANES
    align = NS * EXPORT_CHUNK
    npad = ((n_nodes + 1 + align - 1) // align) * align
    n_edges = edge_index.shape[1]
    cpw = (n_edges + NC * NS * CHUNK - 1) // (NC * NS * CHUNK)
    cpw = ((cpw + 3) // 4) * 4
    e_pad = NC * NS * CHUNK * cpw

    src = edge_index[0].astype(jnp.int32)
    dst = edge_index[1].astype(jnp.int32)
    spare = npad - n_nodes
    fill = n_nodes + jnp.arange(e_pad - n_edges, dtype=jnp.int32) % spare
    src_flat = jnp.concatenate([src, fill]).reshape(NS, NC * cpw, CHUNK)
    dst_slab = jnp.concatenate([dst, fill]).reshape(NS, NC * cpw, CHUNK)
    src_slab = jnp.stack([src_flat, src_flat + npad])

    x_pad = jnp.pad(x, ((0, npad - n_nodes), (0, 0)))
    wo_pad = jnp.pad(Wo, ((0, 0), (0, cpad - n_class)))
    bo_pad = jnp.pad(bo, (0, cpad - n_class)).reshape(1, cpad)
    b1_2d = b1.reshape(1, n_hid)
    b2_2d = b2.reshape(1, n_hid)

    grid = (npad // BLK,)

    degp = _sc_edge_kernel(LANES, cpw, npad, "deg")(dst_slab)

    hs = pl.pallas_call(
        _tc_scale_matmul,
        grid=grid,
        in_specs=[_row_spec(d_feat), _full_spec((d_feat, n_hid)),
                  _stack_spec(LANES)],
        out_specs=_stack_spec(half),
        out_shape=jax.ShapeDtypeStruct((NC, npad, half), jnp.float32),
    )(x_pad, W1, degp)

    table = hs.reshape(NC * npad, half)
    agg = _sc_edge_kernel(half, cpw, npad, "split")(table, src_slab, dst_slab)

    h2p = pl.pallas_call(
        _tc_mid,
        grid=grid,
        in_specs=[_stack_spec(half), _stack_spec(half),
                  _stack_spec(LANES), _full_spec((1, n_hid)),
                  _full_spec((n_hid, n_hid)), _full_spec((n_hid, cpad))],
        out_specs=_row_spec(cpad),
        out_shape=jax.ShapeDtypeStruct((npad, cpad), jnp.float32),
    )(hs, agg, degp, b1_2d, W2, wo_pad)

    agg2p = _sc_edge_kernel(cpad, cpw, npad, "partial", spmem_table=True)(
        h2p, src_slab, dst_slab)

    out = pl.pallas_call(
        functools.partial(_tc_head, cpad=cpad, nclass=n_class),
        grid=grid,
        in_specs=[_stack_spec(cpad), _row_spec(cpad),
                  _stack_spec(LANES), _full_spec((1, n_hid)),
                  _full_spec((n_hid, cpad)), _full_spec((1, cpad))],
        out_specs=_row_spec(cpad),
        out_shape=jax.ShapeDtypeStruct((npad, cpad), jnp.float32),
    )(agg2p, h2p, degp, b2_2d, wo_pad, bo_pad)

    return out[:n_nodes, :n_class]

# --- scband reference (transcript-rebuilt; emitter-appended) ---
"""Pipeline reference for scband-co-g-47467978556198 (READ-ONLY COPY).

The authoritative reference and input builder live on the scoring server;
editing this copy changes nothing except your own understanding.
"""

import jax, jax.numpy as jnp
import numpy as np

N_NODES = 10000
N_EDGES = 320000
D_FEAT = 128
N_HID = 128
N_CLASS = 40


def setup_inputs(seed: int = 0) -> dict:
    key = jax.random.key(seed)
    ks = jax.random.split(key, 8)
    x = jax.random.normal(ks[0], (N_NODES, D_FEAT), dtype=jnp.float32)
    edge_index = jax.random.randint(ks[1], (2, N_EDGES), 0, N_NODES, dtype=jnp.int64 if jax.config.jax_enable_x64 else jnp.int32)
    s1 = 1.0 / np.sqrt(D_FEAT)
    s2 = 1.0 / np.sqrt(N_HID)
    W1 = jax.random.uniform(ks[2], (D_FEAT, N_HID), dtype=jnp.float32, minval=-s1, maxval=s1)
    b1 = jnp.zeros((N_HID,), dtype=jnp.float32)
    W2 = jax.random.uniform(ks[3], (N_HID, N_HID), dtype=jnp.float32, minval=-s2, maxval=s2)
    b2 = jnp.zeros((N_HID,), dtype=jnp.float32)
    Wo = jax.random.uniform(ks[4], (N_HID, N_CLASS), dtype=jnp.float32, minval=-s2, maxval=s2)
    bo = jax.random.uniform(ks[5], (N_CLASS,), dtype=jnp.float32, minval=-s2, maxval=s2)
    return {"x": x, "edge_index": edge_index, "W1": W1, "b1": b1, "W2": W2, "b2": b2, "Wo": Wo, "bo": bo}


def _gcn_conv(h, src, dst, norm, W, b, num_nodes):
    # h: [N, d_in]; standard GCNConv: linear transform then normalized sum aggregation
    h = h @ W
    msg = h[src] * norm[:, None]
    out = jax.ops.segment_sum(msg, dst, num_segments=num_nodes)
    return out + b


def reference(x, edge_index, W1, b1, W2, b2, Wo, bo):
    num_nodes = x.shape[0]
    src = edge_index[0]
    dst = edge_index[1]
    # add self-loops
    loop = jnp.arange(num_nodes, dtype=src.dtype)
    src = jnp.concatenate([src, loop])
    dst = jnp.concatenate([dst, loop])
    # symmetric normalization deg^{-1/2} (by dst in-degree, as in PyG GCNConv)
    ones = jnp.ones(src.shape[0], dtype=jnp.float32)
    deg = jax.ops.segment_sum(ones, dst, num_segments=num_nodes)
    deg_inv_sqrt = jnp.where(deg > 0, 1.0 / jnp.sqrt(deg), 0.0)
    norm = deg_inv_sqrt[src] * deg_inv_sqrt[dst]
    # GCN.forward (model_s): conv1 -> relu -> (dropout, eval: identity) -> conv2 -> linear -> log_softmax
    h = _gcn_conv(x, src, dst, norm, W1, b1, num_nodes)
    h = jax.nn.relu(h)
    h = _gcn_conv(h, src, dst, norm, W2, b2, num_nodes)
    logits = h @ Wo + bo
    return jax.nn.log_softmax(logits, axis=1)

if __name__ == "__main__":
    import jax
    _d = setup_inputs()
    print(jax.jit(kernel)(*tuple(_d.values())))

</pallas_src>

<mosaic_0001>
#map = affine_map<(d0, d1) -> (0, 0, 0)>
module attributes {stable_mosaic.version = 14 : i64} {
  func.func @body(%arg0: i32, %arg1: i32, %arg2: memref<16x160x128xi32, #tpu.memory_space<hbm>>, %arg3: memref<2x10240x16xf32, #tpu.memory_space<hbm>>, %arg4: memref<80x128xi32, #tpu.memory_space<vmem>>, %arg5: memref<4x128x16xf32, #tpu.memory_space<vmem>>, %arg6: memref<128x16xf32, #tpu.memory_space<vmem>>, %arg7: memref<10240x16xf32, #tpu.memory_space<vmem_shared>>, %arg8: memref<!tpu.dma_semaphore, #tpu.memory_space<semaphore_mem>>, %arg9: memref<!tpu.dma_semaphore, #tpu.memory_space<semaphore_mem>>, %arg10: memref<!tpu.dma_semaphore, #tpu.memory_space<semaphore_mem>>, %arg11: memref<!tpu.dma_semaphore, #tpu.memory_space<semaphore_mem>>) attributes {dimension_semantics = [#tpu.dimension_semantics<core_parallel>, #tpu.dimension_semantics<subcore_parallel>], iteration_bounds = array<i64: 2, 16>, scalar_prefetch = 0 : i64, scratch_operands = 8 : i64, tpu.core_type = #tpu.core_type<sc_vector_subcore>, window_params = [{transform_indices = #map}, {transform_indices = #map}]} {
    %broadcast_in_dim3A = arith.constant 0.000000e+00 : f32
    %broadcast_in_dim3A_0 = vector.broadcast %broadcast_in_dim3A : f32 to vector<16xf32>
    %scan3A = arith.constant 0 : i32
    %scan3A_1 = arith.constant 0 : i32
    %scan3A_2 = arith.constant 128 : i32
    %scan3A_3 = arith.addi %scan3A_1, %scan3A_2 : i32
    %scan3A_4 = arith.constant 1 : i32
    scf.for %scan3A_34 = %scan3A_1 to %scan3A_3 step %scan3A_4  : i32 {
      %swap3A = arith.index_cast %scan3A_34 : i32 to index
      %swap3A_35 = arith.constant 0 : index
      %swap3A_36 = tpu.vector_load %arg6[%swap3A, %swap3A_35] {strides = array<i32>} : memref<128x16xf32, #tpu.memory_space<vmem>>, vector<1x16xf32>,
      %swap3A_37 = vector.shape_cast %swap3A_36 : vector<1x16xf32> to vector<16xf32>
      %swap3A_38 = vector.shape_cast %broadcast_in_dim3A_0 : vector<16xf32> to vector<1x16xf32>
      tpu.vector_store %arg6[%swap3A, %swap3A_35], %swap3A_38 {strides = array<i32>} : memref<128x16xf32, #tpu.memory_space<vmem>>, vector<1x16xf32>,
    }
    %scan3A_5 = arith.constant 128 : i32
    %broadcast_in_dim3A_6 = arith.constant 1.000000e+00 : f32
    %broadcast_in_dim3A_7 = vector.broadcast %broadcast_in_dim3A_6 : f32 to vector<16xf32>
    %scan3A_8 = arith.constant 0 : i32
    %scan3A_9 = arith.constant 0 : i32
    %scan3A_10 = arith.constant 128 : i32
    %scan3A_11 = arith.addi %scan3A_9, %scan3A_10 : i32
    %scan3A_12 = arith.constant 1 : i32
    scf.for %scan3A_34 = %scan3A_9 to %scan3A_11 step %scan3A_12  : i32 {
      %swap3A = arith.constant 0 : i32
      %swap3A_35 = arith.index_cast %swap3A : i32 to index
      %swap3A_36 = arith.index_cast %scan3A_34 : i32 to index
      %swap3A_37 = arith.constant 0 : index
      %swap3A_38 = tpu.vector_load %arg5[%swap3A_35, %swap3A_36, %swap3A_37] {strides = array<i32>} : memref<4x128x16xf32, #tpu.memory_space<vmem>>, vector<1x1x16xf32>,
      %swap3A_39 = vector.shape_cast %swap3A_38 : vector<1x1x16xf32> to vector<16xf32>
      %swap3A_40 = vector.shape_cast %broadcast_in_dim3A_7 : vector<16xf32> to vector<1x1x16xf32>
      tpu.vector_store %arg5[%swap3A_35, %swap3A_36, %swap3A_37], %swap3A_40 {strides = array<i32>} : memref<4x128x16xf32, #tpu.memory_space<vmem>>, vector<1x1x16xf32>,
    }
    %scan3A_13 = arith.constant 128 : i32
    %scan3A_14 = arith.constant 0 : i32
    %scan3A_15 = arith.constant 0 : i32
    %scan3A_16 = arith.constant 5 : i32
    %scan3A_17 = arith.addi %scan3A_15, %scan3A_16 : i32
    %scan3A_18 = arith.constant 1 : i32
    scf.for %scan3A_34 = %scan3A_15 to %scan3A_17 step %scan3A_18  : i32 {
      %mul3A_35 = arith.constant 640 : i32
      %mul3A_36 = arith.muli %arg1, %mul3A_35 : i32
      %mul3A_37 = arith.constant 128 : i32
      %mul3A_38 = arith.muli %scan3A_34, %mul3A_37 : i32
      %add3A = arith.addi %mul3A_36, %mul3A_38 : i32
      "tpu.region"() ({
        %run_scoped3A = tpu.sem_alloc : memref<!tpu.dma_semaphore, #tpu.memory_space<semaphore_mem>>
        %dma_start3A = arith.constant 0 : i32
        %dma_start3A_39 = tpu.memref_slice %arg7[%add3A, %dma_start3A] : memref<10240x16xf32, #tpu.memory_space<vmem_shared>> -> memref<128x16xf32, #tpu.memory_space<vmem_shared>>
        %dma_start3A_40 = arith.constant 0 : i32
        %dma_start3A_41 = tpu.memref_slice %arg7[%add3A, %dma_start3A_40] : memref<10240x16xf32, #tpu.memory_space<vmem_shared>> -> memref<128x16xf32, #tpu.memory_space<vmem_shared>>
        tpu.enqueue_dma source(%arg6 : memref<128x16xf32, #tpu.memory_space<vmem>>) target(%dma_start3A_41 : memref<128x16xf32, #tpu.memory_space<vmem_shared>>) target_semaphore(%run_scoped3A : memref<!tpu.dma_semaphore, #tpu.memory_space<semaphore_mem>>)
        %dma_wait3A = arith.constant 0 : i32
        %dma_wait3A_42 = tpu.memref_slice %arg7[%add3A, %dma_wait3A] : memref<10240x16xf32, #tpu.memory_space<vmem_shared>> -> memref<128x16xf32, #tpu.memory_space<vmem_shared>>
        %dma_wait3A_43 = arith.constant 0 : i32
        %dma_wait3A_44 = tpu.memref_slice %arg7[%add3A, %dma_wait3A_43] : memref<10240x16xf32, #tpu.memory_space<vmem_shared>> -> memref<128x16xf32, #tpu.memory_space<vmem_shared>>
        tpu.wait_dma2 semaphore(%run_scoped3A : memref<!tpu.dma_semaphore, #tpu.memory_space<semaphore_mem>>) src(%arg6 : memref<128x16xf32, #tpu.memory_space<vmem>>) dst(%dma_wait3A_44 : memref<128x16xf32, #tpu.memory_space<vmem_shared>>)
        tpu.yield
      }) : () -> ()
    }
    %scan3A_19 = arith.constant 5 : i32
    %mul3A = arith.constant 80 : i32
    %mul3A_20 = arith.muli %arg0, %mul3A : i32
    "tpu.region"() ({
      %run_scoped3A = tpu.sem_alloc : memref<!tpu.dma_semaphore, #tpu.memory_space<semaphore_mem>>
      %dma_start3A = arith.constant 0 : i32
      %dma_start3A_34 = tpu.memref_slice %arg2[%arg1, %mul3A_20, %dma_start3A] : memref<16x160x128xi32, #tpu.memory_space<hbm>> -> memref<1x80x128xi32, #tpu.memory_space<hbm>>
      %dma_start3A_35 = tpu.memref_squeeze %dma_start3A_34 : memref<1x80x128xi32, #tpu.memory_space<hbm>> -> memref<80x128xi32, #tpu.memory_space<hbm>>
      %dma_start3A_36 = arith.constant 0 : i32
      %dma_start3A_37 = tpu.memref_slice %arg2[%arg1, %mul3A_20, %dma_start3A_36] : memref<16x160x128xi32, #tpu.memory_space<hbm>> -> memref<1x80x128xi32, #tpu.memory_space<hbm>>
      %dma_start3A_38 = tpu.memref_squeeze %dma_start3A_37 : memref<1x80x128xi32, #tpu.memory_space<hbm>> -> memref<80x128xi32, #tpu.memory_space<hbm>>
      tpu.enqueue_dma source(%dma_start3A_38 : memref<80x128xi32, #tpu.memory_space<hbm>>) target(%arg4 : memref<80x128xi32, #tpu.memory_space<vmem>>) target_semaphore(%run_scoped3A : memref<!tpu.dma_semaphore, #tpu.memory_space<semaphore_mem>>)
      %dma_wait3A = arith.constant 0 : i32
      %dma_wait3A_39 = tpu.memref_slice %arg2[%arg1, %mul3A_20, %dma_wait3A] : memref<16x160x128xi32, #tpu.memory_space<hbm>> -> memref<1x80x128xi32, #tpu.memory_space<hbm>>
      %dma_wait3A_40 = tpu.memref_squeeze %dma_wait3A_39 : memref<1x80x128xi32, #tpu.memory_space<hbm>> -> memref<80x128xi32, #tpu.memory_space<hbm>>
      %dma_wait3A_41 = arith.constant 0 : i32
      %dma_wait3A_42 = tpu.memref_slice %arg2[%arg1, %mul3A_20, %dma_wait3A_41] : memref<16x160x128xi32, #tpu.memory_space<hbm>> -> memref<1x80x128xi32, #tpu.memory_space<hbm>>
      %dma_wait3A_43 = tpu.memref_squeeze %dma_wait3A_42 : memref<1x80x128xi32, #tpu.memory_space<hbm>> -> memref<80x128xi32, #tpu.memory_space<hbm>>
      tpu.wait_dma2 semaphore(%run_scoped3A : memref<!tpu.dma_semaphore, #tpu.memory_space<semaphore_mem>>) src(%dma_wait3A_43 : memref<80x128xi32, #tpu.memory_space<hbm>>) dst(%arg4 : memref<80x128xi32, #tpu.memory_space<vmem>>)
      tpu.yield
    }) : () -> ()
    %barrier3A = arith.constant 0 : index
    tpu.barrier barrier_id(%barrier3A)
    %scan3A_21 = arith.constant 0 : i32
    %scan3A_22 = arith.constant 0 : i32
    %scan3A_23 = arith.constant 80 : i32
    %scan3A_24 = arith.addi %scan3A_22, %scan3A_23 : i32
    %scan3A_25 = arith.constant 1 : i32
    scf.for %scan3A_34 = %scan3A_22 to %scan3A_24 step %scan3A_25  : i32 {
      %run_scoped3A = arith.constant 0 : i32
      "tpu.region"() ({
        %run_scoped3A_35 = tpu.sem_alloc : memref<!tpu.dma_semaphore, #tpu.memory_space<semaphore_mem>>
        %dma_start3A = arith.constant 0 : i32
        %dma_start3A_36 = arith.constant 0 : i32
        %dma_start3A_37 = tpu.memref_slice %arg5[%run_scoped3A, %dma_start3A, %dma_start3A_36] : memref<4x128x16xf32, #tpu.memory_space<vmem>> -> memref<1x128x16xf32, #tpu.memory_space<vmem>>
        %dma_start3A_38 = tpu.memref_squeeze %dma_start3A_37 : memref<1x128x16xf32, #tpu.memory_space<vmem>> -> memref<128x16xf32, #tpu.memory_space<vmem>>
        %dma_start3A_39 = arith.constant 0 : i32
        %dma_start3A_40 = tpu.memref_slice %arg4[%scan3A_34, %dma_start3A_39] : memref<80x128xi32, #tpu.memory_space<vmem>> -> memref<1x128xi32, #tpu.memory_space<vmem>>
        %dma_start3A_41 = tpu.memref_squeeze %dma_start3A_40 : memref<1x128xi32, #tpu.memory_space<vmem>> -> memref<128xi32, #tpu.memory_space<vmem>>
        %dma_start3A_42 = arith.constant 0 : i32
        %dma_start3A_43 = arith.constant 0 : i32
        %dma_start3A_44 = tpu.memref_slice %arg7[%dma_start3A_42, %dma_start3A_43] : memref<10240x16xf32, #tpu.memory_space<vmem_shared>> -> memref<10240x16xf32, #tpu.memory_space<vmem_shared>>
        tpu.enqueue_indirect_dma source(%dma_start3A_38 : memref<128x16xf32, #tpu.memory_space<vmem>>) target(%dma_start3A_44 : memref<10240x16xf32, #tpu.memory_space<vmem_shared>>) offsets(%dma_start3A_41 : memref<128xi32, #tpu.memory_space<vmem>>) semaphore(%run_scoped3A_35 : memref<!tpu.dma_semaphore, #tpu.memory_space<semaphore_mem>>) {add = true}
        %dma_wait3A = arith.constant 0 : i32
        %dma_wait3A_45 = arith.constant 0 : i32
        %dma_wait3A_46 = tpu.memref_slice %arg5[%run_scoped3A, %dma_wait3A, %dma_wait3A_45] : memref<4x128x16xf32, #tpu.memory_space<vmem>> -> memref<1x128x16xf32, #tpu.memory_space<vmem>>
        %dma_wait3A_47 = tpu.memref_squeeze %dma_wait3A_46 : memref<1x128x16xf32, #tpu.memory_space<vmem>> -> memref<128x16xf32, #tpu.memory_space<vmem>>
        %dma_wait3A_48 = arith.constant 0 : i32
        %dma_wait3A_49 = tpu.memref_slice %arg4[%scan3A_34, %dma_wait3A_48] : memref<80x128xi32, #tpu.memory_space<vmem>> -> memref<1x128xi32, #tpu.memory_space<vmem>>
        %dma_wait3A_50 = tpu.memref_squeeze %dma_wait3A_49 : memref<1x128xi32, #tpu.memory_space<vmem>> -> memref<128xi32, #tpu.memory_space<vmem>>
        %dma_wait3A_51 = arith.constant 0 : i32
        %dma_wait3A_52 = arith.constant 0 : i32
        %dma_wait3A_53 = tpu.memref_slice %arg7[%dma_wait3A_51, %dma_wait3A_52] : memref<10240x16xf32, #tpu.memory_space<vmem_shared>> -> memref<10240x16xf32, #tpu.memory_space<vmem_shared>>
        tpu.wait_indirect_dma semaphore(%run_scoped3A_35 : memref<!tpu.dma_semaphore, #tpu.memory_space<semaphore_mem>>) src(%dma_wait3A_47 : memref<128x16xf32, #tpu.memory_space<vmem>>) dst(%dma_wait3A_53 : memref<10240x16xf32, #tpu.memory_space<vmem_shared>>)
        tpu.yield
      }) : () -> ()
    }
    %scan3A_26 = arith.constant 80 : i32
    %barrier3A_27 = arith.constant 0 : index
    tpu.barrier barrier_id(%barrier3A_27)
    %scan3A_28 = arith.constant 0 : i32
    %scan3A_29 = arith.constant 0 : i32
    %scan3A_30 = arith.constant 5 : i32
    %scan3A_31 = arith.addi %scan3A_29, %scan3A_30 : i32
    %scan3A_32 = arith.constant 1 : i32
    scf.for %scan3A_34 = %scan3A_29 to %scan3A_31 step %scan3A_32  : i32 {
      %mul3A_35 = arith.constant 640 : i32
      %mul3A_36 = arith.muli %arg1, %mul3A_35 : i32
      %mul3A_37 = arith.constant 128 : i32
      %mul3A_38 = arith.muli %scan3A_34, %mul3A_37 : i32
      %add3A = arith.addi %mul3A_36, %mul3A_38 : i32
      "tpu.region"() ({
        %run_scoped3A = tpu.sem_alloc : memref<!tpu.dma_semaphore, #tpu.memory_space<semaphore_mem>>
        %dma_start3A = arith.constant 0 : i32
        %dma_start3A_39 = tpu.memref_slice %arg7[%add3A, %dma_start3A] : memref<10240x16xf32, #tpu.memory_space<vmem_shared>> -> memref<128x16xf32, #tpu.memory_space<vmem_shared>>
        %dma_start3A_40 = arith.constant 0 : i32
        %dma_start3A_41 = tpu.memref_slice %arg7[%add3A, %dma_start3A_40] : memref<10240x16xf32, #tpu.memory_space<vmem_shared>> -> memref<128x16xf32, #tpu.memory_space<vmem_shared>>
        tpu.enqueue_dma source(%dma_start3A_41 : memref<128x16xf32, #tpu.memory_space<vmem_shared>>) target(%arg6 : memref<128x16xf32, #tpu.memory_space<vmem>>) target_semaphore(%run_scoped3A : memref<!tpu.dma_semaphore, #tpu.memory_space<semaphore_mem>>)
        %dma_wait3A = arith.constant 0 : i32
        %dma_wait3A_42 = tpu.memref_slice %arg7[%add3A, %dma_wait3A] : memref<10240x16xf32, #tpu.memory_space<vmem_shared>> -> memref<128x16xf32, #tpu.memory_space<vmem_shared>>
        %dma_wait3A_43 = arith.constant 0 : i32
        %dma_wait3A_44 = tpu.memref_slice %arg7[%add3A, %dma_wait3A_43] : memref<10240x16xf32, #tpu.memory_space<vmem_shared>> -> memref<128x16xf32, #tpu.memory_space<vmem_shared>>
        tpu.wait_dma2 semaphore(%run_scoped3A : memref<!tpu.dma_semaphore, #tpu.memory_space<semaphore_mem>>) src(%dma_wait3A_44 : memref<128x16xf32, #tpu.memory_space<vmem_shared>>) dst(%arg6 : memref<128x16xf32, #tpu.memory_space<vmem>>)
        tpu.yield
      }) : () -> ()
      "tpu.region"() ({
        %run_scoped3A = tpu.sem_alloc : memref<!tpu.dma_semaphore, #tpu.memory_space<semaphore_mem>>
        %dma_start3A = arith.constant 0 : i32
        %dma_start3A_39 = tpu.memref_slice %arg3[%arg0, %add3A, %dma_start3A] : memref<2x10240x16xf32, #tpu.memory_space<hbm>> -> memref<1x128x16xf32, #tpu.memory_space<hbm>>
        %dma_start3A_40 = tpu.memref_squeeze %dma_start3A_39 : memref<1x128x16xf32, #tpu.memory_space<hbm>> -> memref<128x16xf32, #tpu.memory_space<hbm>>
        %dma_start3A_41 = arith.constant 0 : i32
        %dma_start3A_42 = tpu.memref_slice %arg3[%arg0, %add3A, %dma_start3A_41] : memref<2x10240x16xf32, #tpu.memory_space<hbm>> -> memref<1x128x16xf32, #tpu.memory_space<hbm>>
        %dma_start3A_43 = tpu.memref_squeeze %dma_start3A_42 : memref<1x128x16xf32, #tpu.memory_space<hbm>> -> memref<128x16xf32, #tpu.memory_space<hbm>>
        tpu.enqueue_dma source(%arg6 : memref<128x16xf32, #tpu.memory_space<vmem>>) target(%dma_start3A_43 : memref<128x16xf32, #tpu.memory_space<hbm>>) target_semaphore(%run_scoped3A : memref<!tpu.dma_semaphore, #tpu.memory_space<semaphore_mem>>)
        %dma_wait3A = arith.constant 0 : i32
        %dma_wait3A_44 = tpu.memref_slice %arg3[%arg0, %add3A, %dma_wait3A] : memref<2x10240x16xf32, #tpu.memory_space<hbm>> -> memref<1x128x16xf32, #tpu.memory_space<hbm>>
        %dma_wait3A_45 = tpu.memref_squeeze %dma_wait3A_44 : memref<1x128x16xf32, #tpu.memory_space<hbm>> -> memref<128x16xf32, #tpu.memory_space<hbm>>
        %dma_wait3A_46 = arith.constant 0 : i32
        %dma_wait3A_47 = tpu.memref_slice %arg3[%arg0, %add3A, %dma_wait3A_46] : memref<2x10240x16xf32, #tpu.memory_space<hbm>> -> memref<1x128x16xf32, #tpu.memory_space<hbm>>
        %dma_wait3A_48 = tpu.memref_squeeze %dma_wait3A_47 : memref<1x128x16xf32, #tpu.memory_space<hbm>> -> memref<128x16xf32, #tpu.memory_space<hbm>>
        tpu.wait_dma2 semaphore(%run_scoped3A : memref<!tpu.dma_semaphore, #tpu.memory_space<semaphore_mem>>) src(%arg6 : memref<128x16xf32, #tpu.memory_space<vmem>>) dst(%dma_wait3A_48 : memref<128x16xf32, #tpu.memory_space<hbm>>)
        tpu.yield
      }) : () -> ()
    }
    %scan3A_33 = arith.constant 5 : i32
    return
  }
}

#map = affine_map<(d0, d1) -> (0, 0)>
#map1 = affine_map<(d0, d1) -> (0, 0, 0, 0)>
#map2 = affine_map<(d0, d1) -> (0, 0, 0)>
module attributes {stable_mosaic.version = 14 : i64} {
  func.func @body(%arg0: i32, %arg1: i32, %arg2: memref<20480x64xf32, #tpu.memory_space<hbm>>, %arg3: memref<2x16x160x128xi32, #tpu.memory_space<hbm>>, %arg4: memref<16x160x128xi32, #tpu.memory_space<hbm>>, %arg5: memref<2x10240x64xf32, #tpu.memory_space<hbm>>, %arg6: memref<160x128xi32, #tpu.memory_space<vmem>>, %arg7: memref<160x128xi32, #tpu.memory_space<vmem>>, %arg8: memref<4x128x64xf32, #tpu.memory_space<vmem>>, %arg9: memref<128x64xf32, #tpu.memory_space<vmem>>, %arg10: memref<10240x64xf32, #tpu.memory_space<vmem_shared>>, %arg11: memref<!tpu.dma_semaphore, #tpu.memory_space<semaphore_mem>>, %arg12: memref<!tpu.dma_semaphore, #tpu.memory_space<semaphore_mem>>, %arg13: memref<!tpu.dma_semaphore, #tpu.memory_space<semaphore_mem>>, %arg14: memref<!tpu.dma_semaphore, #tpu.memory_space<semaphore_mem>>) attributes {dimension_semantics = [#tpu.dimension_semantics<core_parallel>, #tpu.dimension_semantics<subcore_parallel>], iteration_bounds = array<i64: 2, 16>, scalar_prefetch = 0 : i64, scratch_operands = 9 : i64, tpu.core_type = #tpu.core_type<sc_vector_subcore>, window_params = [{transform_indices = #map}, {transform_indices = #map1}, {transform_indices = #map2}, {transform_indices = #map2}]} {
    %broadcast_in_dim3A = arith.constant 0.000000e+00 : f32
    %broadcast_in_dim3A_0 = vector.broadcast %broadcast_in_dim3A : f32 to vector<16xf32>
    %scan3A = arith.constant 0 : i32
    %scan3A_1 = arith.constant 0 : i32
    %scan3A_2 = arith.constant 128 : i32
    %scan3A_3 = arith.addi %scan3A_1, %scan3A_2 : i32
    %scan3A_4 = arith.constant 1 : i32
    scf.for %scan3A_25 = %scan3A_1 to %scan3A_3 step %scan3A_4  : i32 {
      %swap3A = arith.index_cast %scan3A_25 : i32 to index
      %swap3A_26 = arith.constant 0 : index
      %swap3A_27 = tpu.vector_load %arg9[%swap3A, %swap3A_26] {strides = array<i32>} : memref<128x64xf32, #tpu.memory_space<vmem>>, vector<1x16xf32>,
      %swap3A_28 = vector.shape_cast %swap3A_27 : vector<1x16xf32> to vector<16xf32>
      %swap3A_29 = vector.shape_cast %broadcast_in_dim3A_0 : vector<16xf32> to vector<1x16xf32>
      tpu.vector_store %arg9[%swap3A, %swap3A_26], %swap3A_29 {strides = array<i32>} : memref<128x64xf32, #tpu.memory_space<vmem>>, vector<1x16xf32>,
      %swap3A_30 = arith.index_cast %scan3A_25 : i32 to index
      %swap3A_31 = arith.constant 16 : index
      %swap3A_32 = tpu.vector_load %arg9[%swap3A_30, %swap3A_31] {strides = array<i32>} : memref<128x64xf32, #tpu.memory_space<vmem>>, vector<1x16xf32>,
      %swap3A_33 = vector.shape_cast %swap3A_32 : vector<1x16xf32> to vector<16xf32>
      %swap3A_34 = vector.shape_cast %broadcast_in_dim3A_0 : vector<16xf32> to vector<1x16xf32>
      tpu.vector_store %arg9[%swap3A_30, %swap3A_31], %swap3A_34 {strides = array<i32>} : memref<128x64xf32, #tpu.memory_space<vmem>>, vector<1x16xf32>,
      %swap3A_35 = arith.index_cast %scan3A_25 : i32 to index
      %swap3A_36 = arith.constant 32 : index
      %swap3A_37 = tpu.vector_load %arg9[%swap3A_35, %swap3A_36] {strides = array<i32>} : memref<128x64xf32, #tpu.memory_space<vmem>>, vector<1x16xf32>,
      %swap3A_38 = vector.shape_cast %swap3A_37 : vector<1x16xf32> to vector<16xf32>
      %swap3A_39 = vector.shape_cast %broadcast_in_dim3A_0 : vector<16xf32> to vector<1x16xf32>
      tpu.vector_store %arg9[%swap3A_35, %swap3A_36], %swap3A_39 {strides = array<i32>} : memref<128x64xf32, #tpu.memory_space<vmem>>, vector<1x16xf32>,
      %swap3A_40 = arith.index_cast %scan3A_25 : i32 to index
      %swap3A_41 = arith.constant 48 : index
      %swap3A_42 = tpu.vector_load %arg9[%swap3A_40, %swap3A_41] {strides = array<i32>} : memref<128x64xf32, #tpu.memory_space<vmem>>, vector<1x16xf32>,
      %swap3A_43 = vector.shape_cast %swap3A_42 : vector<1x16xf32> to vector<16xf32>
      %swap3A_44 = vector.shape_cast %broadcast_in_dim3A_0 : vector<16xf32> to vector<1x16xf32>
      tpu.vector_store %arg9[%swap3A_40, %swap3A_41], %swap3A_44 {strides = array<i32>} : memref<128x64xf32, #tpu.memory_space<vmem>>, vector<1x16xf32>,
    }
    %scan3A_5 = arith.constant 128 : i32
    %scan3A_6 = arith.constant 0 : i32
    %scan3A_7 = arith.constant 0 : i32
    %scan3A_8 = arith.constant 5 : i32
    %scan3A_9 = arith.addi %scan3A_7, %scan3A_8 : i32
    %scan3A_10 = arith.constant 1 : i32
    scf.for %scan3A_25 = %scan3A_7 to %scan3A_9 step %scan3A_10  : i32 {
      %mul3A = arith.constant 640 : i32
      %mul3A_26 = arith.muli %arg1, %mul3A : i32
      %mul3A_27 = arith.constant 128 : i32
      %mul3A_28 = arith.muli %scan3A_25, %mul3A_27 : i32
      %add3A = arith.addi %mul3A_26, %mul3A_28 : i32
      "tpu.region"() ({
        %run_scoped3A = tpu.sem_alloc : memref<!tpu.dma_semaphore, #tpu.memory_space<semaphore_mem>>
        %dma_start3A = arith.constant 0 : i32
        %dma_start3A_29 = tpu.memref_slice %arg10[%add3A, %dma_start3A] : memref<10240x64xf32, #tpu.memory_space<vmem_shared>> -> memref<128x64xf32, #tpu.memory_space<vmem_shared>>
        %dma_start3A_30 = arith.constant 0 : i32
        %dma_start3A_31 = tpu.memref_slice %arg10[%add3A, %dma_start3A_30] : memref<10240x64xf32, #tpu.memory_space<vmem_shared>> -> memref<128x64xf32, #tpu.memory_space<vmem_shared>>
        tpu.enqueue_dma source(%arg9 : memref<128x64xf32, #tpu.memory_space<vmem>>) target(%dma_start3A_31 : memref<128x64xf32, #tpu.memory_space<vmem_shared>>) target_semaphore(%run_scoped3A : memref<!tpu.dma_semaphore, #tpu.memory_space<semaphore_mem>>)
        %dma_wait3A = arith.constant 0 : i32
        %dma_wait3A_32 = tpu.memref_slice %arg10[%add3A, %dma_wait3A] : memref<10240x64xf32, #tpu.memory_space<vmem_shared>> -> memref<128x64xf32, #tpu.memory_space<vmem_shared>>
        %dma_wait3A_33 = arith.constant 0 : i32
        %dma_wait3A_34 = tpu.memref_slice %arg10[%add3A, %dma_wait3A_33] : memref<10240x64xf32, #tpu.memory_space<vmem_shared>> -> memref<128x64xf32, #tpu.memory_space<vmem_shared>>
        tpu.wait_dma2 semaphore(%run_scoped3A : memref<!tpu.dma_semaphore, #tpu.memory_space<semaphore_mem>>) src(%arg9 : memref<128x64xf32, #tpu.memory_space<vmem>>) dst(%dma_wait3A_34 : memref<128x64xf32, #tpu.memory_space<vmem_shared>>)
        tpu.yield
      }) : () -> ()
    }
    %scan3A_11 = arith.constant 5 : i32
    "tpu.region"() ({
      %run_scoped3A = tpu.sem_alloc : memref<!tpu.dma_semaphore, #tpu.memory_space<semaphore_mem>>
      %dma_start3A = arith.constant 0 : i32
      %dma_start3A_25 = arith.constant 0 : i32
      %dma_start3A_26 = tpu.memref_slice %arg4[%arg1, %dma_start3A, %dma_start3A_25] : memref<16x160x128xi32, #tpu.memory_space<hbm>> -> memref<1x160x128xi32, #tpu.memory_space<hbm>>
      %dma_start3A_27 = tpu.memref_squeeze %dma_start3A_26 : memref<1x160x128xi32, #tpu.memory_space<hbm>> -> memref<160x128xi32, #tpu.memory_space<hbm>>
      %dma_start3A_28 = arith.constant 0 : i32
      %dma_start3A_29 = arith.constant 0 : i32
      %dma_start3A_30 = tpu.memref_slice %arg4[%arg1, %dma_start3A_28, %dma_start3A_29] : memref<16x160x128xi32, #tpu.memory_space<hbm>> -> memref<1x160x128xi32, #tpu.memory_space<hbm>>
      %dma_start3A_31 = tpu.memref_squeeze %dma_start3A_30 : memref<1x160x128xi32, #tpu.memory_space<hbm>> -> memref<160x128xi32, #tpu.memory_space<hbm>>
      tpu.enqueue_dma source(%dma_start3A_31 : memref<160x128xi32, #tpu.memory_space<hbm>>) target(%arg7 : memref<160x128xi32, #tpu.memory_space<vmem>>) target_semaphore(%run_scoped3A : memref<!tpu.dma_semaphore, #tpu.memory_space<semaphore_mem>>)
      %dma_wait3A = arith.constant 0 : i32
      %dma_wait3A_32 = arith.constant 0 : i32
      %dma_wait3A_33 = tpu.memref_slice %arg4[%arg1, %dma_wait3A, %dma_wait3A_32] : memref<16x160x128xi32, #tpu.memory_space<hbm>> -> memref<1x160x128xi32, #tpu.memory_space<hbm>>
      %dma_wait3A_34 = tpu.memref_squeeze %dma_wait3A_33 : memref<1x160x128xi32, #tpu.memory_space<hbm>> -> memref<160x128xi32, #tpu.memory_space<hbm>>
      %dma_wait3A_35 = arith.constant 0 : i32
      %dma_wait3A_36 = arith.constant 0 : i32
      %dma_wait3A_37 = tpu.memref_slice %arg4[%arg1, %dma_wait3A_35, %dma_wait3A_36] : memref<16x160x128xi32, #tpu.memory_space<hbm>> -> memref<1x160x128xi32, #tpu.memory_space<hbm>>
      %dma_wait3A_38 = tpu.memref_squeeze %dma_wait3A_37 : memref<1x160x128xi32, #tpu.memory_space<hbm>> -> memref<160x128xi32, #tpu.memory_space<hbm>>
      tpu.wait_dma2 semaphore(%run_scoped3A : memref<!tpu.dma_semaphore, #tpu.memory_space<semaphore_mem>>) src(%dma_wait3A_38 : memref<160x128xi32, #tpu.memory_space<hbm>>) dst(%arg7 : memref<160x128xi32, #tpu.memory_space<vmem>>)
      tpu.yield
    }) : () -> ()
    "tpu.region"() ({
      %run_scoped3A = tpu.sem_alloc : memref<!tpu.dma_semaphore, #tpu.memory_space<semaphore_mem>>
      %dma_start3A = arith.constant 0 : i32
      %dma_start3A_25 = arith.constant 0 : i32
      %dma_start3A_26 = tpu.memref_slice %arg3[%arg0, %arg1, %dma_start3A, %dma_start3A_25] : memref<2x16x160x128xi32, #tpu.memory_space<hbm>> -> memref<1x1x160x128xi32, #tpu.memory_space<hbm>>
      %dma_start3A_27 = tpu.memref_squeeze %dma_start3A_26 : memref<1x1x160x128xi32, #tpu.memory_space<hbm>> -> memref<160x128xi32, #tpu.memory_space<hbm>>
      %dma_start3A_28 = arith.constant 0 : i32
      %dma_start3A_29 = arith.constant 0 : i32
      %dma_start3A_30 = tpu.memref_slice %arg3[%arg0, %arg1, %dma_start3A_28, %dma_start3A_29] : memref<2x16x160x128xi32, #tpu.memory_space<hbm>> -> memref<1x1x160x128xi32, #tpu.memory_space<hbm>>
      %dma_start3A_31 = tpu.memref_squeeze %dma_start3A_30 : memref<1x1x160x128xi32, #tpu.memory_space<hbm>> -> memref<160x128xi32, #tpu.memory_space<hbm>>
      tpu.enqueue_dma source(%dma_start3A_31 : memref<160x128xi32, #tpu.memory_space<hbm>>) target(%arg6 : memref<160x128xi32, #tpu.memory_space<vmem>>) target_semaphore(%run_scoped3A : memref<!tpu.dma_semaphore, #tpu.memory_space<semaphore_mem>>)
      %dma_wait3A = arith.constant 0 : i32
      %dma_wait3A_32 = arith.constant 0 : i32
      %dma_wait3A_33 = tpu.memref_slice %arg3[%arg0, %arg1, %dma_wait3A, %dma_wait3A_32] : memref<2x16x160x128xi32, #tpu.memory_space<hbm>> -> memref<1x1x160x128xi32, #tpu.memory_space<hbm>>
      %dma_wait3A_34 = tpu.memref_squeeze %dma_wait3A_33 : memref<1x1x160x128xi32, #tpu.memory_space<hbm>> -> memref<160x128xi32, #tpu.memory_space<hbm>>
      %dma_wait3A_35 = arith.constant 0 : i32
      %dma_wait3A_36 = arith.constant 0 : i32
      %dma_wait3A_37 = tpu.memref_slice %arg3[%arg0, %arg1, %dma_wait3A_35, %dma_wait3A_36] : memref<2x16x160x128xi32, #tpu.memory_space<hbm>> -> memref<1x1x160x128xi32, #tpu.memory_space<hbm>>
      %dma_wait3A_38 = tpu.memref_squeeze %dma_wait3A_37 : memref<1x1x160x128xi32, #tpu.memory_space<hbm>> -> memref<160x128xi32, #tpu.memory_space<hbm>>
      tpu.wait_dma2 semaphore(%run_scoped3A : memref<!tpu.dma_semaphore, #tpu.memory_space<semaphore_mem>>) src(%dma_wait3A_38 : memref<160x128xi32, #tpu.memory_space<hbm>>) dst(%arg6 : memref<160x128xi32, #tpu.memory_space<vmem>>)
      tpu.yield
    }) : () -> ()
    %barrier3A = arith.constant 0 : index
    tpu.barrier barrier_id(%barrier3A)
    %scan3A_12 = arith.constant 0 : i32
    %scan3A_13 = arith.constant 0 : i32
    %scan3A_14 = arith.constant 40 : i32
    %scan3A_15 = arith.addi %scan3A_13, %scan3A_14 : i32
    %scan3A_16 = arith.constant 1 : i32
    scf.for %scan3A_25 = %scan3A_13 to %scan3A_15 step %scan3A_16  : i32 {
      %mul3A = arith.constant 4 : i32
      %mul3A_26 = arith.muli %mul3A, %scan3A_25 : i32
      %add3A = arith.constant 0 : i32
      %add3A_27 = arith.addi %mul3A_26, %add3A : i32
      %dma_start3A = arith.constant 0 : i32
      %dma_start3A_28 = arith.constant 0 : i32
      %dma_start3A_29 = arith.constant 0 : i32
      %dma_start3A_30 = tpu.memref_slice %arg8[%dma_start3A, %dma_start3A_28, %dma_start3A_29] : memref<4x128x64xf32, #tpu.memory_space<vmem>> -> memref<1x128x64xf32, #tpu.memory_space<vmem>>
      %dma_start3A_31 = tpu.memref_squeeze %dma_start3A_30 : memref<1x128x64xf32, #tpu.memory_space<vmem>> -> memref<128x64xf32, #tpu.memory_space<vmem>>
      %dma_start3A_32 = arith.constant 0 : i32
      %dma_start3A_33 = tpu.memref_slice %arg6[%add3A_27, %dma_start3A_32] : memref<160x128xi32, #tpu.memory_space<vmem>> -> memref<1x128xi32, #tpu.memory_space<vmem>>
      %dma_start3A_34 = tpu.memref_squeeze %dma_start3A_33 : memref<1x128xi32, #tpu.memory_space<vmem>> -> memref<128xi32, #tpu.memory_space<vmem>>
      %dma_start3A_35 = arith.constant 0 : i32
      %dma_start3A_36 = arith.constant 0 : i32
      %dma_start3A_37 = tpu.memref_slice %arg2[%dma_start3A_35, %dma_start3A_36] : memref<20480x64xf32, #tpu.memory_space<hbm>> -> memref<20480x64xf32, #tpu.memory_space<hbm>>
      tpu.enqueue_indirect_dma source(%dma_start3A_37 : memref<20480x64xf32, #tpu.memory_space<hbm>>) target(%dma_start3A_31 : memref<128x64xf32, #tpu.memory_space<vmem>>) offsets(%dma_start3A_34 : memref<128xi32, #tpu.memory_space<vmem>>) semaphore(%arg11 : memref<!tpu.dma_semaphore, #tpu.memory_space<semaphore_mem>>)
      %mul3A_38 = arith.constant 4 : i32
      %mul3A_39 = arith.muli %mul3A_38, %scan3A_25 : i32
      %add3A_40 = arith.constant 1 : i32
      %add3A_41 = arith.addi %mul3A_39, %add3A_40 : i32
      %dma_start3A_42 = arith.constant 1 : i32
      %dma_start3A_43 = arith.constant 0 : i32
      %dma_start3A_44 = arith.constant 0 : i32
      %dma_start3A_45 = tpu.memref_slice %arg8[%dma_start3A_42, %dma_start3A_43, %dma_start3A_44] : memref<4x128x64xf32, #tpu.memory_space<vmem>> -> memref<1x128x64xf32, #tpu.memory_space<vmem>>
      %dma_start3A_46 = tpu.memref_squeeze %dma_start3A_45 : memref<1x128x64xf32, #tpu.memory_space<vmem>> -> memref<128x64xf32, #tpu.memory_space<vmem>>
      %dma_start3A_47 = arith.constant 0 : i32
      %dma_start3A_48 = tpu.memref_slice %arg6[%add3A_41, %dma_start3A_47] : memref<160x128xi32, #tpu.memory_space<vmem>> -> memref<1x128xi32, #tpu.memory_space<vmem>>
      %dma_start3A_49 = tpu.memref_squeeze %dma_start3A_48 : memref<1x128xi32, #tpu.memory_space<vmem>> -> memref<128xi32, #tpu.memory_space<vmem>>
      %dma_start3A_50 = arith.constant 0 : i32
      %dma_start3A_51 = arith.constant 0 : i32
      %dma_start3A_52 = tpu.memref_slice %arg2[%dma_start3A_50, %dma_start3A_51] : memref<20480x64xf32, #tpu.memory_space<hbm>> -> memref<20480x64xf32, #tpu.memory_space<hbm>>
      tpu.enqueue_indirect_dma source(%dma_start3A_52 : memref<20480x64xf32, #tpu.memory_space<hbm>>) target(%dma_start3A_46 : memref<128x64xf32, #tpu.memory_space<vmem>>) offsets(%dma_start3A_49 : memref<128xi32, #tpu.memory_space<vmem>>) semaphore(%arg12 : memref<!tpu.dma_semaphore, #tpu.memory_space<semaphore_mem>>)
      %mul3A_53 = arith.constant 4 : i32
      %mul3A_54 = arith.muli %mul3A_53, %scan3A_25 : i32
      %add3A_55 = arith.constant 2 : i32
      %add3A_56 = arith.addi %mul3A_54, %add3A_55 : i32
      %dma_start3A_57 = arith.constant 2 : i32
      %dma_start3A_58 = arith.constant 0 : i32
      %dma_start3A_59 = arith.constant 0 : i32
      %dma_start3A_60 = tpu.memref_slice %arg8[%dma_start3A_57, %dma_start3A_58, %dma_start3A_59] : memref<4x128x64xf32, #tpu.memory_space<vmem>> -> memref<1x128x64xf32, #tpu.memory_space<vmem>>
      %dma_start3A_61 = tpu.memref_squeeze %dma_start3A_60 : memref<1x128x64xf32, #tpu.memory_space<vmem>> -> memref<128x64xf32, #tpu.memory_space<vmem>>
      %dma_start3A_62 = arith.constant 0 : i32
      %dma_start3A_63 = tpu.memref_slice %arg6[%add3A_56, %dma_start3A_62] : memref<160x128xi32, #tpu.memory_space<vmem>> -> memref<1x128xi32, #tpu.memory_space<vmem>>
      %dma_start3A_64 = tpu.memref_squeeze %dma_start3A_63 : memref<1x128xi32, #tpu.memory_space<vmem>> -> memref<128xi32, #tpu.memory_space<vmem>>
      %dma_start3A_65 = arith.constant 0 : i32
      %dma_start3A_66 = arith.constant 0 : i32
      %dma_start3A_67 = tpu.memref_slice %arg2[%dma_start3A_65, %dma_start3A_66] : memref<20480x64xf32, #tpu.memory_space<hbm>> -> memref<20480x64xf32, #tpu.memory_space<hbm>>
      tpu.enqueue_indirect_dma source(%dma_start3A_67 : memref<20480x64xf32, #tpu.memory_space<hbm>>) target(%dma_start3A_61 : memref<128x64xf32, #tpu.memory_space<vmem>>) offsets(%dma_start3A_64 : memref<128xi32, #tpu.memory_space<vmem>>) semaphore(%arg13 : memref<!tpu.dma_semaphore, #tpu.memory_space<semaphore_mem>>)
      %mul3A_68 = arith.constant 4 : i32
      %mul3A_69 = arith.muli %mul3A_68, %scan3A_25 : i32
      %add3A_70 = arith.constant 3 : i32
      %add3A_71 = arith.addi %mul3A_69, %add3A_70 : i32
      %dma_start3A_72 = arith.constant 3 : i32
      %dma_start3A_73 = arith.constant 0 : i32
      %dma_start3A_74 = arith.constant 0 : i32
      %dma_start3A_75 = tpu.memref_slice %arg8[%dma_start3A_72, %dma_start3A_73, %dma_start3A_74] : memref<4x128x64xf32, #tpu.memory_space<vmem>> -> memref<1x128x64xf32, #tpu.memory_space<vmem>>
      %dma_start3A_76 = tpu.memref_squeeze %dma_start3A_75 : memref<1x128x64xf32, #tpu.memory_space<vmem>> -> memref<128x64xf32, #tpu.memory_space<vmem>>
      %dma_start3A_77 = arith.constant 0 : i32
      %dma_start3A_78 = tpu.memref_slice %arg6[%add3A_71, %dma_start3A_77] : memref<160x128xi32, #tpu.memory_space<vmem>> -> memref<1x128xi32, #tpu.memory_space<vmem>>
      %dma_start3A_79 = tpu.memref_squeeze %dma_start3A_78 : memref<1x128xi32, #tpu.memory_space<vmem>> -> memref<128xi32, #tpu.memory_space<vmem>>
      %dma_start3A_80 = arith.constant 0 : i32
      %dma_start3A_81 = arith.constant 0 : i32
      %dma_start3A_82 = tpu.memref_slice %arg2[%dma_start3A_80, %dma_start3A_81] : memref<20480x64xf32, #tpu.memory_space<hbm>> -> memref<20480x64xf32, #tpu.memory_space<hbm>>
      tpu.enqueue_indirect_dma source(%dma_start3A_82 : memref<20480x64xf32, #tpu.memory_space<hbm>>) target(%dma_start3A_76 : memref<128x64xf32, #tpu.memory_space<vmem>>) offsets(%dma_start3A_79 : memref<128xi32, #tpu.memory_space<vmem>>) semaphore(%arg14 : memref<!tpu.dma_semaphore, #tpu.memory_space<semaphore_mem>>)
      %mul3A_83 = arith.constant 4 : i32
      %mul3A_84 = arith.muli %mul3A_83, %scan3A_25 : i32
      %add3A_85 = arith.constant 0 : i32
      %add3A_86 = arith.addi %mul3A_84, %add3A_85 : i32
      %dma_wait3A = arith.constant 0 : i32
      %dma_wait3A_87 = arith.constant 0 : i32
      %dma_wait3A_88 = arith.constant 0 : i32
      %dma_wait3A_89 = tpu.memref_slice %arg8[%dma_wait3A, %dma_wait3A_87, %dma_wait3A_88] : memref<4x128x64xf32, #tpu.memory_space<vmem>> -> memref<1x128x64xf32, #tpu.memory_space<vmem>>
      %dma_wait3A_90 = tpu.memref_squeeze %dma_wait3A_89 : memref<1x128x64xf32, #tpu.memory_space<vmem>> -> memref<128x64xf32, #tpu.memory_space<vmem>>
      %dma_wait3A_91 = arith.constant 0 : i32
      %dma_wait3A_92 = tpu.memref_slice %arg6[%add3A_27, %dma_wait3A_91] : memref<160x128xi32, #tpu.memory_space<vmem>> -> memref<1x128xi32, #tpu.memory_space<vmem>>
      %dma_wait3A_93 = tpu.memref_squeeze %dma_wait3A_92 : memref<1x128xi32, #tpu.memory_space<vmem>> -> memref<128xi32, #tpu.memory_space<vmem>>
      %dma_wait3A_94 = arith.constant 0 : i32
      %dma_wait3A_95 = arith.constant 0 : i32
      %dma_wait3A_96 = tpu.memref_slice %arg2[%dma_wait3A_94, %dma_wait3A_95] : memref<20480x64xf32, #tpu.memory_space<hbm>> -> memref<20480x64xf32, #tpu.memory_space<hbm>>
      tpu.wait_indirect_dma semaphore(%arg11 : memref<!tpu.dma_semaphore, #tpu.memory_space<semaphore_mem>>) src(%dma_wait3A_96 : memref<20480x64xf32, #tpu.memory_space<hbm>>) dst(%dma_wait3A_90 : memref<128x64xf32, #tpu.memory_space<vmem>>)
      %run_scoped3A = arith.constant 0 : i32
      "tpu.region"() ({
        %run_scoped3A_145 = tpu.sem_alloc : memref<!tpu.dma_semaphore, #tpu.memory_space<semaphore_mem>>
        %dma_start3A_146 = arith.constant 0 : i32
        %dma_start3A_147 = arith.constant 0 : i32
        %dma_start3A_148 = tpu.memref_slice %arg8[%run_scoped3A, %dma_start3A_146, %dma_start3A_147] : memref<4x128x64xf32, #tpu.memory_space<vmem>> -> memref<1x128x64xf32, #tpu.memory_space<vmem>>
        %dma_start3A_149 = tpu.memref_squeeze %dma_start3A_148 : memref<1x128x64xf32, #tpu.memory_space<vmem>> -> memref<128x64xf32, #tpu.memory_space<vmem>>
        %dma_start3A_150 = arith.constant 0 : i32
        %dma_start3A_151 = tpu.memref_slice %arg7[%add3A_86, %dma_start3A_150] : memref<160x128xi32, #tpu.memory_space<vmem>> -> memref<1x128xi32, #tpu.memory_space<vmem>>
        %dma_start3A_152 = tpu.memref_squeeze %dma_start3A_151 : memref<1x128xi32, #tpu.memory_space<vmem>> -> memref<128xi32, #tpu.memory_space<vmem>>
        %dma_start3A_153 = arith.constant 0 : i32
        %dma_start3A_154 = arith.constant 0 : i32
        %dma_start3A_155 = tpu.memref_slice %arg10[%dma_start3A_153, %dma_start3A_154] : memref<10240x64xf32, #tpu.memory_space<vmem_shared>> -> memref<10240x64xf32, #tpu.memory_space<vmem_shared>>
        tpu.enqueue_indirect_dma source(%dma_start3A_149 : memref<128x64xf32, #tpu.memory_space<vmem>>) target(%dma_start3A_155 : memref<10240x64xf32, #tpu.memory_space<vmem_shared>>) offsets(%dma_start3A_152 : memref<128xi32, #tpu.memory_space<vmem>>) semaphore(%run_scoped3A_145 : memref<!tpu.dma_semaphore, #tpu.memory_space<semaphore_mem>>) {add = true}
        %dma_wait3A_156 = arith.constant 0 : i32
        %dma_wait3A_157 = arith.constant 0 : i32
        %dma_wait3A_158 = tpu.memref_slice %arg8[%run_scoped3A, %dma_wait3A_156, %dma_wait3A_157] : memref<4x128x64xf32, #tpu.memory_space<vmem>> -> memref<1x128x64xf32, #tpu.memory_space<vmem>>
        %dma_wait3A_159 = tpu.memref_squeeze %dma_wait3A_158 : memref<1x128x64xf32, #tpu.memory_space<vmem>> -> memref<128x64xf32, #tpu.memory_space<vmem>>
        %dma_wait3A_160 = arith.constant 0 : i32
        %dma_wait3A_161 = tpu.memref_slice %arg7[%add3A_86, %dma_wait3A_160] : memref<160x128xi32, #tpu.memory_space<vmem>> -> memref<1x128xi32, #tpu.memory_space<vmem>>
        %dma_wait3A_162 = tpu.memref_squeeze %dma_wait3A_161 : memref<1x128xi32, #tpu.memory_space<vmem>> -> memref<128xi32, #tpu.memory_space<vmem>>
        %dma_wait3A_163 = arith.constant 0 : i32
        %dma_wait3A_164 = arith.constant 0 : i32
        %dma_wait3A_165 = tpu.memref_slice %arg10[%dma_wait3A_163, %dma_wait3A_164] : memref<10240x64xf32, #tpu.memory_space<vmem_shared>> -> memref<10240x64xf32, #tpu.memory_space<vmem_shared>>
        tpu.wait_indirect_dma semaphore(%run_scoped3A_145 : memref<!tpu.dma_semaphore, #tpu.memory_space<semaphore_mem>>) src(%dma_wait3A_159 : memref<128x64xf32, #tpu.memory_space<vmem>>) dst(%dma_wait3A_165 : memref<10240x64xf32, #tpu.memory_space<vmem_shared>>)
        tpu.yield
      }) : () -> ()
      %mul3A_97 = arith.constant 4 : i32
      %mul3A_98 = arith.muli %mul3A_97, %scan3A_25 : i32
      %add3A_99 = arith.constant 1 : i32
      %add3A_100 = arith.addi %mul3A_98, %add3A_99 : i32
      %dma_wait3A_101 = arith.constant 1 : i32
      %dma_wait3A_102 = arith.constant 0 : i32
      %dma_wait3A_103 = arith.constant 0 : i32
      %dma_wait3A_104 = tpu.memref_slice %arg8[%dma_wait3A_101, %dma_wait3A_102, %dma_wait3A_103] : memref<4x128x64xf32, #tpu.memory_space<vmem>> -> memref<1x128x64xf32, #tpu.memory_space<vmem>>
      %dma_wait3A_105 = tpu.memref_squeeze %dma_wait3A_104 : memref<1x128x64xf32, #tpu.memory_space<vmem>> -> memref<128x64xf32, #tpu.memory_space<vmem>>
      %dma_wait3A_106 = arith.constant 0 : i32
      %dma_wait3A_107 = tpu.memref_slice %arg6[%add3A_41, %dma_wait3A_106] : memref<160x128xi32, #tpu.memory_space<vmem>> -> memref<1x128xi32, #tpu.memory_space<vmem>>
      %dma_wait3A_108 = tpu.memref_squeeze %dma_wait3A_107 : memref<1x128xi32, #tpu.memory_space<vmem>> -> memref<128xi32, #tpu.memory_space<vmem>>
      %dma_wait3A_109 = arith.constant 0 : i32
      %dma_wait3A_110 = arith.constant 0 : i32
      %dma_wait3A_111 = tpu.memref_slice %arg2[%dma_wait3A_109, %dma_wait3A_110] : memref<20480x64xf32, #tpu.memory_space<hbm>> -> memref<20480x64xf32, #tpu.memory_space<hbm>>
      tpu.wait_indirect_dma semaphore(%arg12 : memref<!tpu.dma_semaphore, #tpu.memory_space<semaphore_mem>>) src(%dma_wait3A_111 : memref<20480x64xf32, #tpu.memory_space<hbm>>) dst(%dma_wait3A_105 : memref<128x64xf32, #tpu.memory_space<vmem>>)
      %run_scoped3A_112 = arith.constant 1 : i32
      "tpu.region"() ({
        %run_scoped3A_145 = tpu.sem_alloc : memref<!tpu.dma_semaphore, #tpu.memory_space<semaphore_mem>>
        %dma_start3A_146 = arith.constant 0 : i32
        %dma_start3A_147 = arith.constant 0 : i32
        %dma_start3A_148 = tpu.memref_slice %arg8[%run_scoped3A_112, %dma_start3A_146, %dma_start3A_147] : memref<4x128x64xf32, #tpu.memory_space<vmem>> -> memref<1x128x64xf32, #tpu.memory_space<vmem>>
        %dma_start3A_149 = tpu.memref_squeeze %dma_start3A_148 : memref<1x128x64xf32, #tpu.memory_space<vmem>> -> memref<128x64xf32, #tpu.memory_space<vmem>>
        %dma_start3A_150 = arith.constant 0 : i32
        %dma_start3A_151 = tpu.memref_slice %arg7[%add3A_100, %dma_start3A_150] : memref<160x128xi32, #tpu.memory_space<vmem>> -> memref<1x128xi32, #tpu.memory_space<vmem>>
        %dma_start3A_152 = tpu.memref_squeeze %dma_start3A_151 : memref<1x128xi32, #tpu.memory_space<vmem>> -> memref<128xi32, #tpu.memory_space<vmem>>
        %dma_start3A_153 = arith.constant 0 : i32
        %dma_start3A_154 = arith.constant 0 : i32
        %dma_start3A_155 = tpu.memref_slice %arg10[%dma_start3A_153, %dma_start3A_154] : memref<10240x64xf32, #tpu.memory_space<vmem_shared>> -> memref<10240x64xf32, #tpu.memory_space<vmem_shared>>
        tpu.enqueue_indirect_dma source(%dma_start3A_149 : memref<128x64xf32, #tpu.memory_space<vmem>>) target(%dma_start3A_155 : memref<10240x64xf32, #tpu.memory_space<vmem_shared>>) offsets(%dma_start3A_152 : memref<128xi32, #tpu.memory_space<vmem>>) semaphore(%run_scoped3A_145 : memref<!tpu.dma_semaphore, #tpu.memory_space<semaphore_mem>>) {add = true}
        %dma_wait3A_156 = arith.constant 0 : i32
        %dma_wait3A_157 = arith.constant 0 : i32
        %dma_wait3A_158 = tpu.memref_slice %arg8[%run_scoped3A_112, %dma_wait3A_156, %dma_wait3A_157] : memref<4x128x64xf32, #tpu.memory_space<vmem>> -> memref<1x128x64xf32, #tpu.memory_space<vmem>>
        %dma_wait3A_159 = tpu.memref_squeeze %dma_wait3A_158 : memref<1x128x64xf32, #tpu.memory_space<vmem>> -> memref<128x64xf32, #tpu.memory_space<vmem>>
        %dma_wait3A_160 = arith.constant 0 : i32
        %dma_wait3A_161 = tpu.memref_slice %arg7[%add3A_100, %dma_wait3A_160] : memref<160x128xi32, #tpu.memory_space<vmem>> -> memref<1x128xi32, #tpu.memory_space<vmem>>
        %dma_wait3A_162 = tpu.memref_squeeze %dma_wait3A_161 : memref<1x128xi32, #tpu.memory_space<vmem>> -> memref<128xi32, #tpu.memory_space<vmem>>
        %dma_wait3A_163 = arith.constant 0 : i32
        %dma_wait3A_164 = arith.constant 0 : i32
        %dma_wait3A_165 = tpu.memref_slice %arg10[%dma_wait3A_163, %dma_wait3A_164] : memref<10240x64xf32, #tpu.memory_space<vmem_shared>> -> memref<10240x64xf32, #tpu.memory_space<vmem_shared>>
        tpu.wait_indirect_dma semaphore(%run_scoped3A_145 : memref<!tpu.dma_semaphore, #tpu.memory_space<semaphore_mem>>) src(%dma_wait3A_159 : memref<128x64xf32, #tpu.memory_space<vmem>>) dst(%dma_wait3A_165 : memref<10240x64xf32, #tpu.memory_space<vmem_shared>>)
        tpu.yield
      }) : () -> ()
      %mul3A_113 = arith.constant 4 : i32
      %mul3A_114 = arith.muli %mul3A_113, %scan3A_25 : i32
      %add3A_115 = arith.constant 2 : i32
      %add3A_116 = arith.addi %mul3A_114, %add3A_115 : i32
      %dma_wait3A_117 = arith.constant 2 : i32
      %dma_wait3A_118 = arith.constant 0 : i32
      %dma_wait3A_119 = arith.constant 0 : i32
      %dma_wait3A_120 = tpu.memref_slice %arg8[%dma_wait3A_117, %dma_wait3A_118, %dma_wait3A_119] : memref<4x128x64xf32, #tpu.memory_space<vmem>> -> memref<1x128x64xf32, #tpu.memory_space<vmem>>
      %dma_wait3A_121 = tpu.memref_squeeze %dma_wait3A_120 : memref<1x128x64xf32, #tpu.memory_space<vmem>> -> memref<128x64xf32, #tpu.memory_space<vmem>>
      %dma_wait3A_122 = arith.constant 0 : i32
      %dma_wait3A_123 = tpu.memref_slice %arg6[%add3A_56, %dma_wait3A_122] : memref<160x128xi32, #tpu.memory_space<vmem>> -> memref<1x128xi32, #tpu.memory_space<vmem>>
      %dma_wait3A_124 = tpu.memref_squeeze %dma_wait3A_123 : memref<1x128xi32, #tpu.memory_space<vmem>> -> memref<128xi32, #tpu.memory_space<vmem>>
      %dma_wait3A_125 = arith.constant 0 : i32
      %dma_wait3A_126 = arith.constant 0 : i32
      %dma_wait3A_127 = tpu.memref_slice %arg2[%dma_wait3A_125, %dma_wait3A_126] : memref<20480x64xf32, #tpu.memory_space<hbm>> -> memref<20480x64xf32, #tpu.memory_space<hbm>>
      tpu.wait_indirect_dma semaphore(%arg13 : memref<!tpu.dma_semaphore, #tpu.memory_space<semaphore_mem>>) src(%dma_wait3A_127 : memref<20480x64xf32, #tpu.memory_space<hbm>>) dst(%dma_wait3A_121 : memref<128x64xf32, #tpu.memory_space<vmem>>)
      %run_scoped3A_128 = arith.constant 2 : i32
      "tpu.region"() ({
        %run_scoped3A_145 = tpu.sem_alloc : memref<!tpu.dma_semaphore, #tpu.memory_space<semaphore_mem>>
        %dma_start3A_146 = arith.constant 0 : i32
        %dma_start3A_147 = arith.constant 0 : i32
        %dma_start3A_148 = tpu.memref_slice %arg8[%run_scoped3A_128, %dma_start3A_146, %dma_start3A_147] : memref<4x128x64xf32, #tpu.memory_space<vmem>> -> memref<1x128x64xf32, #tpu.memory_space<vmem>>
        %dma_start3A_149 = tpu.memref_squeeze %dma_start3A_148 : memref<1x128x64xf32, #tpu.memory_space<vmem>> -> memref<128x64xf32, #tpu.memory_space<vmem>>
        %dma_start3A_150 = arith.constant 0 : i32
        %dma_start3A_151 = tpu.memref_slice %arg7[%add3A_116, %dma_start3A_150] : memref<160x128xi32, #tpu.memory_space<vmem>> -> memref<1x128xi32, #tpu.memory_space<vmem>>
        %dma_start3A_152 = tpu.memref_squeeze %dma_start3A_151 : memref<1x128xi32, #tpu.memory_space<vmem>> -> memref<128xi32, #tpu.memory_space<vmem>>
        %dma_start3A_153 = arith.constant 0 : i32
        %dma_start3A_154 = arith.constant 0 : i32
        %dma_start3A_155 = tpu.memref_slice %arg10[%dma_start3A_153, %dma_start3A_154] : memref<10240x64xf32, #tpu.memory_space<vmem_shared>> -> memref<10240x64xf32, #tpu.memory_space<vmem_shared>>
        tpu.enqueue_indirect_dma source(%dma_start3A_149 : memref<128x64xf32, #tpu.memory_space<vmem>>) target(%dma_start3A_155 : memref<10240x64xf32, #tpu.memory_space<vmem_shared>>) offsets(%dma_start3A_152 : memref<128xi32, #tpu.memory_space<vmem>>) semaphore(%run_scoped3A_145 : memref<!tpu.dma_semaphore, #tpu.memory_space<semaphore_mem>>) {add = true}
        %dma_wait3A_156 = arith.constant 0 : i32
        %dma_wait3A_157 = arith.constant 0 : i32
        %dma_wait3A_158 = tpu.memref_slice %arg8[%run_scoped3A_128, %dma_wait3A_156, %dma_wait3A_157] : memref<4x128x64xf32, #tpu.memory_space<vmem>> -> memref<1x128x64xf32, #tpu.memory_space<vmem>>
        %dma_wait3A_159 = tpu.memref_squeeze %dma_wait3A_158 : memref<1x128x64xf32, #tpu.memory_space<vmem>> -> memref<128x64xf32, #tpu.memory_space<vmem>>
        %dma_wait3A_160 = arith.constant 0 : i32
        %dma_wait3A_161 = tpu.memref_slice %arg7[%add3A_116, %dma_wait3A_160] : memref<160x128xi32, #tpu.memory_space<vmem>> -> memref<1x128xi32, #tpu.memory_space<vmem>>
        %dma_wait3A_162 = tpu.memref_squeeze %dma_wait3A_161 : memref<1x128xi32, #tpu.memory_space<vmem>> -> memref<128xi32, #tpu.memory_space<vmem>>
        %dma_wait3A_163 = arith.constant 0 : i32
        %dma_wait3A_164 = arith.constant 0 : i32
        %dma_wait3A_165 = tpu.memref_slice %arg10[%dma_wait3A_163, %dma_wait3A_164] : memref<10240x64xf32, #tpu.memory_space<vmem_shared>> -> memref<10240x64xf32, #tpu.memory_space<vmem_shared>>
        tpu.wait_indirect_dma semaphore(%run_scoped3A_145 : memref<!tpu.dma_semaphore, #tpu.memory_space<semaphore_mem>>) src(%dma_wait3A_159 : memref<128x64xf32, #tpu.memory_space<vmem>>) dst(%dma_wait3A_165 : memref<10240x64xf32, #tpu.memory_space<vmem_shared>>)
        tpu.yield
      }) : () -> ()
      %mul3A_129 = arith.constant 4 : i32
      %mul3A_130 = arith.muli %mul3A_129, %scan3A_25 : i32
      %add3A_131 = arith.constant 3 : i32
      %add3A_132 = arith.addi %mul3A_130, %add3A_131 : i32
      %dma_wait3A_133 = arith.constant 3 : i32
      %dma_wait3A_134 = arith.constant 0 : i32
      %dma_wait3A_135 = arith.constant 0 : i32
      %dma_wait3A_136 = tpu.memref_slice %arg8[%dma_wait3A_133, %dma_wait3A_134, %dma_wait3A_135] : memref<4x128x64xf32, #tpu.memory_space<vmem>> -> memref<1x128x64xf32, #tpu.memory_space<vmem>>
      %dma_wait3A_137 = tpu.memref_squeeze %dma_wait3A_136 : memref<1x128x64xf32, #tpu.memory_space<vmem>> -> memref<128x64xf32, #tpu.memory_space<vmem>>
      %dma_wait3A_138 = arith.constant 0 : i32
      %dma_wait3A_139 = tpu.memref_slice %arg6[%add3A_71, %dma_wait3A_138] : memref<160x128xi32, #tpu.memory_space<vmem>> -> memref<1x128xi32, #tpu.memory_space<vmem>>
      %dma_wait3A_140 = tpu.memref_squeeze %dma_wait3A_139 : memref<1x128xi32, #tpu.memory_space<vmem>> -> memref<128xi32, #tpu.memory_space<vmem>>
      %dma_wait3A_141 = arith.constant 0 : i32
      %dma_wait3A_142 = arith.constant 0 : i32
      %dma_wait3A_143 = tpu.memref_slice %arg2[%dma_wait3A_141, %dma_wait3A_142] : memref<20480x64xf32, #tpu.memory_space<hbm>> -> memref<20480x64xf32, #tpu.memory_space<hbm>>
      tpu.wait_indirect_dma semaphore(%arg14 : memref<!tpu.dma_semaphore, #tpu.memory_space<semaphore_mem>>) src(%dma_wait3A_143 : memref<20480x64xf32, #tpu.memory_space<hbm>>) dst(%dma_wait3A_137 : memref<128x64xf32, #tpu.memory_space<vmem>>)
      %run_scoped3A_144 = arith.constant 3 : i32
      "tpu.region"() ({
        %run_scoped3A_145 = tpu.sem_alloc : memref<!tpu.dma_semaphore, #tpu.memory_space<semaphore_mem>>
        %dma_start3A_146 = arith.constant 0 : i32
        %dma_start3A_147 = arith.constant 0 : i32
        %dma_start3A_148 = tpu.memref_slice %arg8[%run_scoped3A_144, %dma_start3A_146, %dma_start3A_147] : memref<4x128x64xf32, #tpu.memory_space<vmem>> -> memref<1x128x64xf32, #tpu.memory_space<vmem>>
        %dma_start3A_149 = tpu.memref_squeeze %dma_start3A_148 : memref<1x128x64xf32, #tpu.memory_space<vmem>> -> memref<128x64xf32, #tpu.memory_space<vmem>>
        %dma_start3A_150 = arith.constant 0 : i32
        %dma_start3A_151 = tpu.memref_slice %arg7[%add3A_132, %dma_start3A_150] : memref<160x128xi32, #tpu.memory_space<vmem>> -> memref<1x128xi32, #tpu.memory_space<vmem>>
        %dma_start3A_152 = tpu.memref_squeeze %dma_start3A_151 : memref<1x128xi32, #tpu.memory_space<vmem>> -> memref<128xi32, #tpu.memory_space<vmem>>
        %dma_start3A_153 = arith.constant 0 : i32
        %dma_start3A_154 = arith.constant 0 : i32
        %dma_start3A_155 = tpu.memref_slice %arg10[%dma_start3A_153, %dma_start3A_154] : memref<10240x64xf32, #tpu.memory_space<vmem_shared>> -> memref<10240x64xf32, #tpu.memory_space<vmem_shared>>
        tpu.enqueue_indirect_dma source(%dma_start3A_149 : memref<128x64xf32, #tpu.memory_space<vmem>>) target(%dma_start3A_155 : memref<10240x64xf32, #tpu.memory_space<vmem_shared>>) offsets(%dma_start3A_152 : memref<128xi32, #tpu.memory_space<vmem>>) semaphore(%run_scoped3A_145 : memref<!tpu.dma_semaphore, #tpu.memory_space<semaphore_mem>>) {add = true}
        %dma_wait3A_156 = arith.constant 0 : i32
        %dma_wait3A_157 = arith.constant 0 : i32
        %dma_wait3A_158 = tpu.memref_slice %arg8[%run_scoped3A_144, %dma_wait3A_156, %dma_wait3A_157] : memref<4x128x64xf32, #tpu.memory_space<vmem>> -> memref<1x128x64xf32, #tpu.memory_space<vmem>>
        %dma_wait3A_159 = tpu.memref_squeeze %dma_wait3A_158 : memref<1x128x64xf32, #tpu.memory_space<vmem>> -> memref<128x64xf32, #tpu.memory_space<vmem>>
        %dma_wait3A_160 = arith.constant 0 : i32
        %dma_wait3A_161 = tpu.memref_slice %arg7[%add3A_132, %dma_wait3A_160] : memref<160x128xi32, #tpu.memory_space<vmem>> -> memref<1x128xi32, #tpu.memory_space<vmem>>
        %dma_wait3A_162 = tpu.memref_squeeze %dma_wait3A_161 : memref<1x128xi32, #tpu.memory_space<vmem>> -> memref<128xi32, #tpu.memory_space<vmem>>
        %dma_wait3A_163 = arith.constant 0 : i32
        %dma_wait3A_164 = arith.constant 0 : i32
        %dma_wait3A_165 = tpu.memref_slice %arg10[%dma_wait3A_163, %dma_wait3A_164] : memref<10240x64xf32, #tpu.memory_space<vmem_shared>> -> memref<10240x64xf32, #tpu.memory_space<vmem_shared>>
        tpu.wait_indirect_dma semaphore(%run_scoped3A_145 : memref<!tpu.dma_semaphore, #tpu.memory_space<semaphore_mem>>) src(%dma_wait3A_159 : memref<128x64xf32, #tpu.memory_space<vmem>>) dst(%dma_wait3A_165 : memref<10240x64xf32, #tpu.memory_space<vmem_shared>>)
        tpu.yield
      }) : () -> ()
    }
    %scan3A_17 = arith.constant 40 : i32
    %barrier3A_18 = arith.constant 0 : index
    tpu.barrier barrier_id(%barrier3A_18)
    %scan3A_19 = arith.constant 0 : i32
    %scan3A_20 = arith.constant 0 : i32
    %scan3A_21 = arith.constant 5 : i32
    %scan3A_22 = arith.addi %scan3A_20, %scan3A_21 : i32
    %scan3A_23 = arith.constant 1 : i32
    scf.for %scan3A_25 = %scan3A_20 to %scan3A_22 step %scan3A_23  : i32 {
      %mul3A = arith.constant 640 : i32
      %mul3A_26 = arith.muli %arg1, %mul3A : i32
      %mul3A_27 = arith.constant 128 : i32
      %mul3A_28 = arith.muli %scan3A_25, %mul3A_27 : i32
      %add3A = arith.addi %mul3A_26, %mul3A_28 : i32
      "tpu.region"() ({
        %run_scoped3A = tpu.sem_alloc : memref<!tpu.dma_semaphore, #tpu.memory_space<semaphore_mem>>
        %dma_start3A = arith.constant 0 : i32
        %dma_start3A_29 = tpu.memref_slice %arg10[%add3A, %dma_start3A] : memref<10240x64xf32, #tpu.memory_space<vmem_shared>> -> memref<128x64xf32, #tpu.memory_space<vmem_shared>>
        %dma_start3A_30 = arith.constant 0 : i32
        %dma_start3A_31 = tpu.memref_slice %arg10[%add3A, %dma_start3A_30] : memref<10240x64xf32, #tpu.memory_space<vmem_shared>> -> memref<128x64xf32, #tpu.memory_space<vmem_shared>>
        tpu.enqueue_dma source(%dma_start3A_31 : memref<128x64xf32, #tpu.memory_space<vmem_shared>>) target(%arg9 : memref<128x64xf32, #tpu.memory_space<vmem>>) target_semaphore(%run_scoped3A : memref<!tpu.dma_semaphore, #tpu.memory_space<semaphore_mem>>)
        %dma_wait3A = arith.constant 0 : i32
        %dma_wait3A_32 = tpu.memref_slice %arg10[%add3A, %dma_wait3A] : memref<10240x64xf32, #tpu.memory_space<vmem_shared>> -> memref<128x64xf32, #tpu.memory_space<vmem_shared>>
        %dma_wait3A_33 = arith.constant 0 : i32
        %dma_wait3A_34 = tpu.memref_slice %arg10[%add3A, %dma_wait3A_33] : memref<10240x64xf32, #tpu.memory_space<vmem_shared>> -> memref<128x64xf32, #tpu.memory_space<vmem_shared>>
        tpu.wait_dma2 semaphore(%run_scoped3A : memref<!tpu.dma_semaphore, #tpu.memory_space<semaphore_mem>>) src(%dma_wait3A_34 : memref<128x64xf32, #tpu.memory_space<vmem_shared>>) dst(%arg9 : memref<128x64xf32, #tpu.memory_space<vmem>>)
        tpu.yield
      }) : () -> ()
      "tpu.region"() ({
        %run_scoped3A = tpu.sem_alloc : memref<!tpu.dma_semaphore, #tpu.memory_space<semaphore_mem>>
        %dma_start3A = arith.constant 0 : i32
        %dma_start3A_29 = tpu.memref_slice %arg5[%arg0, %add3A, %dma_start3A] : memref<2x10240x64xf32, #tpu.memory_space<hbm>> -> memref<1x128x64xf32, #tpu.memory_space<hbm>>
        %dma_start3A_30 = tpu.memref_squeeze %dma_start3A_29 : memref<1x128x64xf32, #tpu.memory_space<hbm>> -> memref<128x64xf32, #tpu.memory_space<hbm>>
        %dma_start3A_31 = arith.constant 0 : i32
        %dma_start3A_32 = tpu.memref_slice %arg5[%arg0, %add3A, %dma_start3A_31] : memref<2x10240x64xf32, #tpu.memory_space<hbm>> -> memref<1x128x64xf32, #tpu.memory_space<hbm>>
        %dma_start3A_33 = tpu.memref_squeeze %dma_start3A_32 : memref<1x128x64xf32, #tpu.memory_space<hbm>> -> memref<128x64xf32, #tpu.memory_space<hbm>>
        tpu.enqueue_dma source(%arg9 : memref<128x64xf32, #tpu.memory_space<vmem>>) target(%dma_start3A_33 : memref<128x64xf32, #tpu.memory_space<hbm>>) target_semaphore(%run_scoped3A : memref<!tpu.dma_semaphore, #tpu.memory_space<semaphore_mem>>)
        %dma_wait3A = arith.constant 0 : i32
        %dma_wait3A_34 = tpu.memref_slice %arg5[%arg0, %add3A, %dma_wait3A] : memref<2x10240x64xf32, #tpu.memory_space<hbm>> -> memref<1x128x64xf32, #tpu.memory_space<hbm>>
        %dma_wait3A_35 = tpu.memref_squeeze %dma_wait3A_34 : memref<1x128x64xf32, #tpu.memory_space<hbm>> -> memref<128x64xf32, #tpu.memory_space<hbm>>
        %dma_wait3A_36 = arith.constant 0 : i32
        %dma_wait3A_37 = tpu.memref_slice %arg5[%arg0, %add3A, %dma_wait3A_36] : memref<2x10240x64xf32, #tpu.memory_space<hbm>> -> memref<1x128x64xf32, #tpu.memory_space<hbm>>
        %dma_wait3A_38 = tpu.memref_squeeze %dma_wait3A_37 : memref<1x128x64xf32, #tpu.memory_space<hbm>> -> memref<128x64xf32, #tpu.memory_space<hbm>>
        tpu.wait_dma2 semaphore(%run_scoped3A : memref<!tpu.dma_semaphore, #tpu.memory_space<semaphore_mem>>) src(%arg9 : memref<128x64xf32, #tpu.memory_space<vmem>>) dst(%dma_wait3A_38 : memref<128x64xf32, #tpu.memory_space<hbm>>)
        tpu.yield
      }) : () -> ()
    }
    %scan3A_24 = arith.constant 5 : i32
    return
  }
}

#map = affine_map<(d0, d1) -> (0, 0)>
#map1 = affine_map<(d0, d1) -> (0, 0, 0, 0)>
#map2 = affine_map<(d0, d1) -> (0, 0, 0)>
module attributes {stable_mosaic.version = 14 : i64} {
  func.func @body(%arg0: i32, %arg1: i32, %arg2: memref<10240x48xf32, #tpu.memory_space<hbm>>, %arg3: memref<2x16x160x128xi32, #tpu.memory_space<hbm>>, %arg4: memref<16x160x128xi32, #tpu.memory_space<hbm>>, %arg5: memref<2x10240x48xf32, #tpu.memory_space<hbm>>, %arg6: memref<80x128xi32, #tpu.memory_space<vmem>>, %arg7: memref<80x128xi32, #tpu.memory_space<vmem>>, %arg8: memref<4x128x48xf32, #tpu.memory_space<vmem>>, %arg9: memref<128x48xf32, #tpu.memory_space<vmem>>, %arg10: memref<10240x48xf32, #tpu.memory_space<vmem_shared>>, %arg11: memref<!tpu.dma_semaphore, #tpu.memory_space<semaphore_mem>>, %arg12: memref<!tpu.dma_semaphore, #tpu.memory_space<semaphore_mem>>, %arg13: memref<!tpu.dma_semaphore, #tpu.memory_space<semaphore_mem>>, %arg14: memref<!tpu.dma_semaphore, #tpu.memory_space<semaphore_mem>>, %arg15: memref<10240x48xf32, #tpu.memory_space<vmem_shared>>) attributes {dimension_semantics = [#tpu.dimension_semantics<core_parallel>, #tpu.dimension_semantics<subcore_parallel>], iteration_bounds = array<i64: 2, 16>, scalar_prefetch = 0 : i64, scratch_operands = 10 : i64, tpu.core_type = #tpu.core_type<sc_vector_subcore>, window_params = [{transform_indices = #map}, {transform_indices = #map1}, {transform_indices = #map2}, {transform_indices = #map2}]} {
    %broadcast_in_dim3A = arith.constant 0.000000e+00 : f32
    %broadcast_in_dim3A_0 = vector.broadcast %broadcast_in_dim3A : f32 to vector<16xf32>
    %scan3A = arith.constant 0 : i32
    %scan3A_1 = arith.constant 0 : i32
    %scan3A_2 = arith.constant 128 : i32
    %scan3A_3 = arith.addi %scan3A_1, %scan3A_2 : i32
    %scan3A_4 = arith.constant 1 : i32
    scf.for %scan3A_32 = %scan3A_1 to %scan3A_3 step %scan3A_4  : i32 {
      %swap3A = arith.index_cast %scan3A_32 : i32 to index
      %swap3A_33 = arith.constant 0 : index
      %swap3A_34 = tpu.vector_load %arg9[%swap3A, %swap3A_33] {strides = array<i32>} : memref<128x48xf32, #tpu.memory_space<vmem>>, vector<1x16xf32>,
      %swap3A_35 = vector.shape_cast %swap3A_34 : vector<1x16xf32> to vector<16xf32>
      %swap3A_36 = vector.shape_cast %broadcast_in_dim3A_0 : vector<16xf32> to vector<1x16xf32>
      tpu.vector_store %arg9[%swap3A, %swap3A_33], %swap3A_36 {strides = array<i32>} : memref<128x48xf32, #tpu.memory_space<vmem>>, vector<1x16xf32>,
      %swap3A_37 = arith.index_cast %scan3A_32 : i32 to index
      %swap3A_38 = arith.constant 16 : index
      %swap3A_39 = tpu.vector_load %arg9[%swap3A_37, %swap3A_38] {strides = array<i32>} : memref<128x48xf32, #tpu.memory_space<vmem>>, vector<1x16xf32>,
      %swap3A_40 = vector.shape_cast %swap3A_39 : vector<1x16xf32> to vector<16xf32>
      %swap3A_41 = vector.shape_cast %broadcast_in_dim3A_0 : vector<16xf32> to vector<1x16xf32>
      tpu.vector_store %arg9[%swap3A_37, %swap3A_38], %swap3A_41 {strides = array<i32>} : memref<128x48xf32, #tpu.memory_space<vmem>>, vector<1x16xf32>,
      %swap3A_42 = arith.index_cast %scan3A_32 : i32 to index
      %swap3A_43 = arith.constant 32 : index
      %swap3A_44 = tpu.vector_load %arg9[%swap3A_42, %swap3A_43] {strides = array<i32>} : memref<128x48xf32, #tpu.memory_space<vmem>>, vector<1x16xf32>,
      %swap3A_45 = vector.shape_cast %swap3A_44 : vector<1x16xf32> to vector<16xf32>
      %swap3A_46 = vector.shape_cast %broadcast_in_dim3A_0 : vector<16xf32> to vector<1x16xf32>
      tpu.vector_store %arg9[%swap3A_42, %swap3A_43], %swap3A_46 {strides = array<i32>} : memref<128x48xf32, #tpu.memory_space<vmem>>, vector<1x16xf32>,
    }
    %scan3A_5 = arith.constant 128 : i32
    %scan3A_6 = arith.constant 0 : i32
    %scan3A_7 = arith.constant 0 : i32
    %scan3A_8 = arith.constant 5 : i32
    %scan3A_9 = arith.addi %scan3A_7, %scan3A_8 : i32
    %scan3A_10 = arith.constant 1 : i32
    scf.for %scan3A_32 = %scan3A_7 to %scan3A_9 step %scan3A_10  : i32 {
      %mul3A_33 = arith.constant 640 : i32
      %mul3A_34 = arith.muli %arg1, %mul3A_33 : i32
      %mul3A_35 = arith.constant 128 : i32
      %mul3A_36 = arith.muli %scan3A_32, %mul3A_35 : i32
      %add3A = arith.addi %mul3A_34, %mul3A_36 : i32
      "tpu.region"() ({
        %run_scoped3A_37 = tpu.sem_alloc : memref<!tpu.dma_semaphore, #tpu.memory_space<semaphore_mem>>
        %dma_start3A = arith.constant 0 : i32
        %dma_start3A_38 = tpu.memref_slice %arg10[%add3A, %dma_start3A] : memref<10240x48xf32, #tpu.memory_space<vmem_shared>> -> memref<128x48xf32, #tpu.memory_space<vmem_shared>>
        %dma_start3A_39 = arith.constant 0 : i32
        %dma_start3A_40 = tpu.memref_slice %arg10[%add3A, %dma_start3A_39] : memref<10240x48xf32, #tpu.memory_space<vmem_shared>> -> memref<128x48xf32, #tpu.memory_space<vmem_shared>>
        tpu.enqueue_dma source(%arg9 : memref<128x48xf32, #tpu.memory_space<vmem>>) target(%dma_start3A_40 : memref<128x48xf32, #tpu.memory_space<vmem_shared>>) target_semaphore(%run_scoped3A_37 : memref<!tpu.dma_semaphore, #tpu.memory_space<semaphore_mem>>)
        %dma_wait3A = arith.constant 0 : i32
        %dma_wait3A_41 = tpu.memref_slice %arg10[%add3A, %dma_wait3A] : memref<10240x48xf32, #tpu.memory_space<vmem_shared>> -> memref<128x48xf32, #tpu.memory_space<vmem_shared>>
        %dma_wait3A_42 = arith.constant 0 : i32
        %dma_wait3A_43 = tpu.memref_slice %arg10[%add3A, %dma_wait3A_42] : memref<10240x48xf32, #tpu.memory_space<vmem_shared>> -> memref<128x48xf32, #tpu.memory_space<vmem_shared>>
        tpu.wait_dma2 semaphore(%run_scoped3A_37 : memref<!tpu.dma_semaphore, #tpu.memory_space<semaphore_mem>>) src(%arg9 : memref<128x48xf32, #tpu.memory_space<vmem>>) dst(%dma_wait3A_43 : memref<128x48xf32, #tpu.memory_space<vmem_shared>>)
        tpu.yield
      }) : () -> ()
    }
    %scan3A_11 = arith.constant 5 : i32
    %scan3A_12 = arith.constant 0 : i32
    %scan3A_13 = arith.constant 0 : i32
    %scan3A_14 = arith.constant 5 : i32
    %scan3A_15 = arith.addi %scan3A_13, %scan3A_14 : i32
    %scan3A_16 = arith.constant 1 : i32
    scf.for %scan3A_32 = %scan3A_13 to %scan3A_15 step %scan3A_16  : i32 {
      %mul3A_33 = arith.constant 640 : i32
      %mul3A_34 = arith.muli %arg1, %mul3A_33 : i32
      %mul3A_35 = arith.constant 128 : i32
      %mul3A_36 = arith.muli %scan3A_32, %mul3A_35 : i32
      %add3A = arith.addi %mul3A_34, %mul3A_36 : i32
      "tpu.region"() ({
        %run_scoped3A_37 = tpu.sem_alloc : memref<!tpu.dma_semaphore, #tpu.memory_space<semaphore_mem>>
        %dma_start3A = arith.constant 0 : i32
        %dma_start3A_38 = tpu.memref_slice %arg2[%add3A, %dma_start3A] : memref<10240x48xf32, #tpu.memory_space<hbm>> -> memref<128x48xf32, #tpu.memory_space<hbm>>
        %dma_start3A_39 = arith.constant 0 : i32
        %dma_start3A_40 = tpu.memref_slice %arg2[%add3A, %dma_start3A_39] : memref<10240x48xf32, #tpu.memory_space<hbm>> -> memref<128x48xf32, #tpu.memory_space<hbm>>
        tpu.enqueue_dma source(%dma_start3A_40 : memref<128x48xf32, #tpu.memory_space<hbm>>) target(%arg9 : memref<128x48xf32, #tpu.memory_space<vmem>>) target_semaphore(%run_scoped3A_37 : memref<!tpu.dma_semaphore, #tpu.memory_space<semaphore_mem>>)
        %dma_wait3A = arith.constant 0 : i32
        %dma_wait3A_41 = tpu.memref_slice %arg2[%add3A, %dma_wait3A] : memref<10240x48xf32, #tpu.memory_space<hbm>> -> memref<128x48xf32, #tpu.memory_space<hbm>>
        %dma_wait3A_42 = arith.constant 0 : i32
        %dma_wait3A_43 = tpu.memref_slice %arg2[%add3A, %dma_wait3A_42] : memref<10240x48xf32, #tpu.memory_space<hbm>> -> memref<128x48xf32, #tpu.memory_space<hbm>>
        tpu.wait_dma2 semaphore(%run_scoped3A_37 : memref<!tpu.dma_semaphore, #tpu.memory_space<semaphore_mem>>) src(%dma_wait3A_43 : memref<128x48xf32, #tpu.memory_space<hbm>>) dst(%arg9 : memref<128x48xf32, #tpu.memory_space<vmem>>)
        tpu.yield
      }) : () -> ()
      "tpu.region"() ({
        %run_scoped3A_37 = tpu.sem_alloc : memref<!tpu.dma_semaphore, #tpu.memory_space<semaphore_mem>>
        %dma_start3A = arith.constant 0 : i32
        %dma_start3A_38 = tpu.memref_slice %arg15[%add3A, %dma_start3A] : memref<10240x48xf32, #tpu.memory_space<vmem_shared>> -> memref<128x48xf32, #tpu.memory_space<vmem_shared>>
        %dma_start3A_39 = arith.constant 0 : i32
        %dma_start3A_40 = tpu.memref_slice %arg15[%add3A, %dma_start3A_39] : memref<10240x48xf32, #tpu.memory_space<vmem_shared>> -> memref<128x48xf32, #tpu.memory_space<vmem_shared>>
        tpu.enqueue_dma source(%arg9 : memref<128x48xf32, #tpu.memory_space<vmem>>) target(%dma_start3A_40 : memref<128x48xf32, #tpu.memory_space<vmem_shared>>) target_semaphore(%run_scoped3A_37 : memref<!tpu.dma_semaphore, #tpu.memory_space<semaphore_mem>>)
        %dma_wait3A = arith.constant 0 : i32
        %dma_wait3A_41 = tpu.memref_slice %arg15[%add3A, %dma_wait3A] : memref<10240x48xf32, #tpu.memory_space<vmem_shared>> -> memref<128x48xf32, #tpu.memory_space<vmem_shared>>
        %dma_wait3A_42 = arith.constant 0 : i32
        %dma_wait3A_43 = tpu.memref_slice %arg15[%add3A, %dma_wait3A_42] : memref<10240x48xf32, #tpu.memory_space<vmem_shared>> -> memref<128x48xf32, #tpu.memory_space<vmem_shared>>
        tpu.wait_dma2 semaphore(%run_scoped3A_37 : memref<!tpu.dma_semaphore, #tpu.memory_space<semaphore_mem>>) src(%arg9 : memref<128x48xf32, #tpu.memory_space<vmem>>) dst(%dma_wait3A_43 : memref<128x48xf32, #tpu.memory_space<vmem_shared>>)
        tpu.yield
      }) : () -> ()
    }
    %scan3A_17 = arith.constant 5 : i32
    %mul3A = arith.constant 80 : i32
    %mul3A_18 = arith.muli %arg0, %mul3A : i32
    "tpu.region"() ({
      %run_scoped3A_32 = tpu.sem_alloc : memref<!tpu.dma_semaphore, #tpu.memory_space<semaphore_mem>>
      %dma_start3A = arith.constant 0 : i32
      %dma_start3A_33 = tpu.memref_slice %arg4[%arg1, %mul3A_18, %dma_start3A] : memref<16x160x128xi32, #tpu.memory_space<hbm>> -> memref<1x80x128xi32, #tpu.memory_space<hbm>>
      %dma_start3A_34 = tpu.memref_squeeze %dma_start3A_33 : memref<1x80x128xi32, #tpu.memory_space<hbm>> -> memref<80x128xi32, #tpu.memory_space<hbm>>
      %dma_start3A_35 = arith.constant 0 : i32
      %dma_start3A_36 = tpu.memref_slice %arg4[%arg1, %mul3A_18, %dma_start3A_35] : memref<16x160x128xi32, #tpu.memory_space<hbm>> -> memref<1x80x128xi32, #tpu.memory_space<hbm>>
      %dma_start3A_37 = tpu.memref_squeeze %dma_start3A_36 : memref<1x80x128xi32, #tpu.memory_space<hbm>> -> memref<80x128xi32, #tpu.memory_space<hbm>>
      tpu.enqueue_dma source(%dma_start3A_37 : memref<80x128xi32, #tpu.memory_space<hbm>>) target(%arg7 : memref<80x128xi32, #tpu.memory_space<vmem>>) target_semaphore(%run_scoped3A_32 : memref<!tpu.dma_semaphore, #tpu.memory_space<semaphore_mem>>)
      %dma_wait3A = arith.constant 0 : i32
      %dma_wait3A_38 = tpu.memref_slice %arg4[%arg1, %mul3A_18, %dma_wait3A] : memref<16x160x128xi32, #tpu.memory_space<hbm>> -> memref<1x80x128xi32, #tpu.memory_space<hbm>>
      %dma_wait3A_39 = tpu.memref_squeeze %dma_wait3A_38 : memref<1x80x128xi32, #tpu.memory_space<hbm>> -> memref<80x128xi32, #tpu.memory_space<hbm>>
      %dma_wait3A_40 = arith.constant 0 : i32
      %dma_wait3A_41 = tpu.memref_slice %arg4[%arg1, %mul3A_18, %dma_wait3A_40] : memref<16x160x128xi32, #tpu.memory_space<hbm>> -> memref<1x80x128xi32, #tpu.memory_space<hbm>>
      %dma_wait3A_42 = tpu.memref_squeeze %dma_wait3A_41 : memref<1x80x128xi32, #tpu.memory_space<hbm>> -> memref<80x128xi32, #tpu.memory_space<hbm>>
      tpu.wait_dma2 semaphore(%run_scoped3A_32 : memref<!tpu.dma_semaphore, #tpu.memory_space<semaphore_mem>>) src(%dma_wait3A_42 : memref<80x128xi32, #tpu.memory_space<hbm>>) dst(%arg7 : memref<80x128xi32, #tpu.memory_space<vmem>>)
      tpu.yield
    }) : () -> ()
    %run_scoped3A = arith.constant 0 : i32
    "tpu.region"() ({
      %run_scoped3A_32 = tpu.sem_alloc : memref<!tpu.dma_semaphore, #tpu.memory_space<semaphore_mem>>
      %dma_start3A = arith.constant 0 : i32
      %dma_start3A_33 = tpu.memref_slice %arg3[%run_scoped3A, %arg1, %mul3A_18, %dma_start3A] : memref<2x16x160x128xi32, #tpu.memory_space<hbm>> -> memref<1x1x80x128xi32, #tpu.memory_space<hbm>>
      %dma_start3A_34 = tpu.memref_squeeze %dma_start3A_33 : memref<1x1x80x128xi32, #tpu.memory_space<hbm>> -> memref<80x128xi32, #tpu.memory_space<hbm>>
      %dma_start3A_35 = arith.constant 0 : i32
      %dma_start3A_36 = tpu.memref_slice %arg3[%run_scoped3A, %arg1, %mul3A_18, %dma_start3A_35] : memref<2x16x160x128xi32, #tpu.memory_space<hbm>> -> memref<1x1x80x128xi32, #tpu.memory_space<hbm>>
      %dma_start3A_37 = tpu.memref_squeeze %dma_start3A_36 : memref<1x1x80x128xi32, #tpu.memory_space<hbm>> -> memref<80x128xi32, #tpu.memory_space<hbm>>
      tpu.enqueue_dma source(%dma_start3A_37 : memref<80x128xi32, #tpu.memory_space<hbm>>) target(%arg6 : memref<80x128xi32, #tpu.memory_space<vmem>>) target_semaphore(%run_scoped3A_32 : memref<!tpu.dma_semaphore, #tpu.memory_space<semaphore_mem>>)
      %dma_wait3A = arith.constant 0 : i32
      %dma_wait3A_38 = tpu.memref_slice %arg3[%run_scoped3A, %arg1, %mul3A_18, %dma_wait3A] : memref<2x16x160x128xi32, #tpu.memory_space<hbm>> -> memref<1x1x80x128xi32, #tpu.memory_space<hbm>>
      %dma_wait3A_39 = tpu.memref_squeeze %dma_wait3A_38 : memref<1x1x80x128xi32, #tpu.memory_space<hbm>> -> memref<80x128xi32, #tpu.memory_space<hbm>>
      %dma_wait3A_40 = arith.constant 0 : i32
      %dma_wait3A_41 = tpu.memref_slice %arg3[%run_scoped3A, %arg1, %mul3A_18, %dma_wait3A_40] : memref<2x16x160x128xi32, #tpu.memory_space<hbm>> -> memref<1x1x80x128xi32, #tpu.memory_space<hbm>>
      %dma_wait3A_42 = tpu.memref_squeeze %dma_wait3A_41 : memref<1x1x80x128xi32, #tpu.memory_space<hbm>> -> memref<80x128xi32, #tpu.memory_space<hbm>>
      tpu.wait_dma2 semaphore(%run_scoped3A_32 : memref<!tpu.dma_semaphore, #tpu.memory_space<semaphore_mem>>) src(%dma_wait3A_42 : memref<80x128xi32, #tpu.memory_space<hbm>>) dst(%arg6 : memref<80x128xi32, #tpu.memory_space<vmem>>)
      tpu.yield
    }) : () -> ()
    %barrier3A = arith.constant 0 : index
    tpu.barrier barrier_id(%barrier3A)
    %scan3A_19 = arith.constant 0 : i32
    %scan3A_20 = arith.constant 0 : i32
    %scan3A_21 = arith.constant 20 : i32
    %scan3A_22 = arith.addi %scan3A_20, %scan3A_21 : i32
    %scan3A_23 = arith.constant 1 : i32
    scf.for %scan3A_32 = %scan3A_20 to %scan3A_22 step %scan3A_23  : i32 {
      %mul3A_33 = arith.constant 4 : i32
      %mul3A_34 = arith.muli %mul3A_33, %scan3A_32 : i32
      %add3A = arith.constant 0 : i32
      %add3A_35 = arith.addi %mul3A_34, %add3A : i32
      %dma_start3A = arith.constant 0 : i32
      %dma_start3A_36 = arith.constant 0 : i32
      %dma_start3A_37 = arith.constant 0 : i32
      %dma_start3A_38 = tpu.memref_slice %arg8[%dma_start3A, %dma_start3A_36, %dma_start3A_37] : memref<4x128x48xf32, #tpu.memory_space<vmem>> -> memref<1x128x48xf32, #tpu.memory_space<vmem>>
      %dma_start3A_39 = tpu.memref_squeeze %dma_start3A_38 : memref<1x128x48xf32, #tpu.memory_space<vmem>> -> memref<128x48xf32, #tpu.memory_space<vmem>>
      %dma_start3A_40 = arith.constant 0 : i32
      %dma_start3A_41 = tpu.memref_slice %arg6[%add3A_35, %dma_start3A_40] : memref<80x128xi32, #tpu.memory_space<vmem>> -> memref<1x128xi32, #tpu.memory_space<vmem>>
      %dma_start3A_42 = tpu.memref_squeeze %dma_start3A_41 : memref<1x128xi32, #tpu.memory_space<vmem>> -> memref<128xi32, #tpu.memory_space<vmem>>
      %dma_start3A_43 = arith.constant 0 : i32
      %dma_start3A_44 = arith.constant 0 : i32
      %dma_start3A_45 = tpu.memref_slice %arg15[%dma_start3A_43, %dma_start3A_44] : memref<10240x48xf32, #tpu.memory_space<vmem_shared>> -> memref<10240x48xf32, #tpu.memory_space<vmem_shared>>
      tpu.enqueue_indirect_dma source(%dma_start3A_45 : memref<10240x48xf32, #tpu.memory_space<vmem_shared>>) target(%dma_start3A_39 : memref<128x48xf32, #tpu.memory_space<vmem>>) offsets(%dma_start3A_42 : memref<128xi32, #tpu.memory_space<vmem>>) semaphore(%arg11 : memref<!tpu.dma_semaphore, #tpu.memory_space<semaphore_mem>>)
      %mul3A_46 = arith.constant 4 : i32
      %mul3A_47 = arith.muli %mul3A_46, %scan3A_32 : i32
      %add3A_48 = arith.constant 1 : i32
      %add3A_49 = arith.addi %mul3A_47, %add3A_48 : i32
      %dma_start3A_50 = arith.constant 1 : i32
      %dma_start3A_51 = arith.constant 0 : i32
      %dma_start3A_52 = arith.constant 0 : i32
      %dma_start3A_53 = tpu.memref_slice %arg8[%dma_start3A_50, %dma_start3A_51, %dma_start3A_52] : memref<4x128x48xf32, #tpu.memory_space<vmem>> -> memref<1x128x48xf32, #tpu.memory_space<vmem>>
      %dma_start3A_54 = tpu.memref_squeeze %dma_start3A_53 : memref<1x128x48xf32, #tpu.memory_space<vmem>> -> memref<128x48xf32, #tpu.memory_space<vmem>>
      %dma_start3A_55 = arith.constant 0 : i32
      %dma_start3A_56 = tpu.memref_slice %arg6[%add3A_49, %dma_start3A_55] : memref<80x128xi32, #tpu.memory_space<vmem>> -> memref<1x128xi32, #tpu.memory_space<vmem>>
      %dma_start3A_57 = tpu.memref_squeeze %dma_start3A_56 : memref<1x128xi32, #tpu.memory_space<vmem>> -> memref<128xi32, #tpu.memory_space<vmem>>
      %dma_start3A_58 = arith.constant 0 : i32
      %dma_start3A_59 = arith.constant 0 : i32
      %dma_start3A_60 = tpu.memref_slice %arg15[%dma_start3A_58, %dma_start3A_59] : memref<10240x48xf32, #tpu.memory_space<vmem_shared>> -> memref<10240x48xf32, #tpu.memory_space<vmem_shared>>
      tpu.enqueue_indirect_dma source(%dma_start3A_60 : memref<10240x48xf32, #tpu.memory_space<vmem_shared>>) target(%dma_start3A_54 : memref<128x48xf32, #tpu.memory_space<vmem>>) offsets(%dma_start3A_57 : memref<128xi32, #tpu.memory_space<vmem>>) semaphore(%arg12 : memref<!tpu.dma_semaphore, #tpu.memory_space<semaphore_mem>>)
      %mul3A_61 = arith.constant 4 : i32
      %mul3A_62 = arith.muli %mul3A_61, %scan3A_32 : i32
      %add3A_63 = arith.constant 2 : i32
      %add3A_64 = arith.addi %mul3A_62, %add3A_63 : i32
      %dma_start3A_65 = arith.constant 2 : i32
      %dma_start3A_66 = arith.constant 0 : i32
      %dma_start3A_67 = arith.constant 0 : i32
      %dma_start3A_68 = tpu.memref_slice %arg8[%dma_start3A_65, %dma_start3A_66, %dma_start3A_67] : memref<4x128x48xf32, #tpu.memory_space<vmem>> -> memref<1x128x48xf32, #tpu.memory_space<vmem>>
      %dma_start3A_69 = tpu.memref_squeeze %dma_start3A_68 : memref<1x128x48xf32, #tpu.memory_space<vmem>> -> memref<128x48xf32, #tpu.memory_space<vmem>>
      %dma_start3A_70 = arith.constant 0 : i32
      %dma_start3A_71 = tpu.memref_slice %arg6[%add3A_64, %dma_start3A_70] : memref<80x128xi32, #tpu.memory_space<vmem>> -> memref<1x128xi32, #tpu.memory_space<vmem>>
      %dma_start3A_72 = tpu.memref_squeeze %dma_start3A_71 : memref<1x128xi32, #tpu.memory_space<vmem>> -> memref<128xi32, #tpu.memory_space<vmem>>
      %dma_start3A_73 = arith.constant 0 : i32
      %dma_start3A_74 = arith.constant 0 : i32
      %dma_start3A_75 = tpu.memref_slice %arg15[%dma_start3A_73, %dma_start3A_74] : memref<10240x48xf32, #tpu.memory_space<vmem_shared>> -> memref<10240x48xf32, #tpu.memory_space<vmem_shared>>
      tpu.enqueue_indirect_dma source(%dma_start3A_75 : memref<10240x48xf32, #tpu.memory_space<vmem_shared>>) target(%dma_start3A_69 : memref<128x48xf32, #tpu.memory_space<vmem>>) offsets(%dma_start3A_72 : memref<128xi32, #tpu.memory_space<vmem>>) semaphore(%arg13 : memref<!tpu.dma_semaphore, #tpu.memory_space<semaphore_mem>>)
      %mul3A_76 = arith.constant 4 : i32
      %mul3A_77 = arith.muli %mul3A_76, %scan3A_32 : i32
      %add3A_78 = arith.constant 3 : i32
      %add3A_79 = arith.addi %mul3A_77, %add3A_78 : i32
      %dma_start3A_80 = arith.constant 3 : i32
      %dma_start3A_81 = arith.constant 0 : i32
      %dma_start3A_82 = arith.constant 0 : i32
      %dma_start3A_83 = tpu.memref_slice %arg8[%dma_start3A_80, %dma_start3A_81, %dma_start3A_82] : memref<4x128x48xf32, #tpu.memory_space<vmem>> -> memref<1x128x48xf32, #tpu.memory_space<vmem>>
      %dma_start3A_84 = tpu.memref_squeeze %dma_start3A_83 : memref<1x128x48xf32, #tpu.memory_space<vmem>> -> memref<128x48xf32, #tpu.memory_space<vmem>>
      %dma_start3A_85 = arith.constant 0 : i32
      %dma_start3A_86 = tpu.memref_slice %arg6[%add3A_79, %dma_start3A_85] : memref<80x128xi32, #tpu.memory_space<vmem>> -> memref<1x128xi32, #tpu.memory_space<vmem>>
      %dma_start3A_87 = tpu.memref_squeeze %dma_start3A_86 : memref<1x128xi32, #tpu.memory_space<vmem>> -> memref<128xi32, #tpu.memory_space<vmem>>
      %dma_start3A_88 = arith.constant 0 : i32
      %dma_start3A_89 = arith.constant 0 : i32
      %dma_start3A_90 = tpu.memref_slice %arg15[%dma_start3A_88, %dma_start3A_89] : memref<10240x48xf32, #tpu.memory_space<vmem_shared>> -> memref<10240x48xf32, #tpu.memory_space<vmem_shared>>
      tpu.enqueue_indirect_dma source(%dma_start3A_90 : memref<10240x48xf32, #tpu.memory_space<vmem_shared>>) target(%dma_start3A_84 : memref<128x48xf32, #tpu.memory_space<vmem>>) offsets(%dma_start3A_87 : memref<128xi32, #tpu.memory_space<vmem>>) semaphore(%arg14 : memref<!tpu.dma_semaphore, #tpu.memory_space<semaphore_mem>>)
      %mul3A_91 = arith.constant 4 : i32
      %mul3A_92 = arith.muli %mul3A_91, %scan3A_32 : i32
      %add3A_93 = arith.constant 0 : i32
      %add3A_94 = arith.addi %mul3A_92, %add3A_93 : i32
      %dma_wait3A = arith.constant 0 : i32
      %dma_wait3A_95 = arith.constant 0 : i32
      %dma_wait3A_96 = arith.constant 0 : i32
      %dma_wait3A_97 = tpu.memref_slice %arg8[%dma_wait3A, %dma_wait3A_95, %dma_wait3A_96] : memref<4x128x48xf32, #tpu.memory_space<vmem>> -> memref<1x128x48xf32, #tpu.memory_space<vmem>>
      %dma_wait3A_98 = tpu.memref_squeeze %dma_wait3A_97 : memref<1x128x48xf32, #tpu.memory_space<vmem>> -> memref<128x48xf32, #tpu.memory_space<vmem>>
      %dma_wait3A_99 = arith.constant 0 : i32
      %dma_wait3A_100 = tpu.memref_slice %arg6[%add3A_35, %dma_wait3A_99] : memref<80x128xi32, #tpu.memory_space<vmem>> -> memref<1x128xi32, #tpu.memory_space<vmem>>
      %dma_wait3A_101 = tpu.memref_squeeze %dma_wait3A_100 : memref<1x128xi32, #tpu.memory_space<vmem>> -> memref<128xi32, #tpu.memory_space<vmem>>
      %dma_wait3A_102 = arith.constant 0 : i32
      %dma_wait3A_103 = arith.constant 0 : i32
      %dma_wait3A_104 = tpu.memref_slice %arg15[%dma_wait3A_102, %dma_wait3A_103] : memref<10240x48xf32, #tpu.memory_space<vmem_shared>> -> memref<10240x48xf32, #tpu.memory_space<vmem_shared>>
      tpu.wait_indirect_dma semaphore(%arg11 : memref<!tpu.dma_semaphore, #tpu.memory_space<semaphore_mem>>) src(%dma_wait3A_104 : memref<10240x48xf32, #tpu.memory_space<vmem_shared>>) dst(%dma_wait3A_98 : memref<128x48xf32, #tpu.memory_space<vmem>>)
      %run_scoped3A_105 = arith.constant 0 : i32
      "tpu.region"() ({
        %run_scoped3A_154 = tpu.sem_alloc : memref<!tpu.dma_semaphore, #tpu.memory_space<semaphore_mem>>
        %dma_start3A_155 = arith.constant 0 : i32
        %dma_start3A_156 = arith.constant 0 : i32
        %dma_start3A_157 = tpu.memref_slice %arg8[%run_scoped3A_105, %dma_start3A_155, %dma_start3A_156] : memref<4x128x48xf32, #tpu.memory_space<vmem>> -> memref<1x128x48xf32, #tpu.memory_space<vmem>>
        %dma_start3A_158 = tpu.memref_squeeze %dma_start3A_157 : memref<1x128x48xf32, #tpu.memory_space<vmem>> -> memref<128x48xf32, #tpu.memory_space<vmem>>
        %dma_start3A_159 = arith.constant 0 : i32
        %dma_start3A_160 = tpu.memref_slice %arg7[%add3A_94, %dma_start3A_159] : memref<80x128xi32, #tpu.memory_space<vmem>> -> memref<1x128xi32, #tpu.memory_space<vmem>>
        %dma_start3A_161 = tpu.memref_squeeze %dma_start3A_160 : memref<1x128xi32, #tpu.memory_space<vmem>> -> memref<128xi32, #tpu.memory_space<vmem>>
        %dma_start3A_162 = arith.constant 0 : i32
        %dma_start3A_163 = arith.constant 0 : i32
        %dma_start3A_164 = tpu.memref_slice %arg10[%dma_start3A_162, %dma_start3A_163] : memref<10240x48xf32, #tpu.memory_space<vmem_shared>> -> memref<10240x48xf32, #tpu.memory_space<vmem_shared>>
        tpu.enqueue_indirect_dma source(%dma_start3A_158 : memref<128x48xf32, #tpu.memory_space<vmem>>) target(%dma_start3A_164 : memref<10240x48xf32, #tpu.memory_space<vmem_shared>>) offsets(%dma_start3A_161 : memref<128xi32, #tpu.memory_space<vmem>>) semaphore(%run_scoped3A_154 : memref<!tpu.dma_semaphore, #tpu.memory_space<semaphore_mem>>) {add = true}
        %dma_wait3A_165 = arith.constant 0 : i32
        %dma_wait3A_166 = arith.constant 0 : i32
        %dma_wait3A_167 = tpu.memref_slice %arg8[%run_scoped3A_105, %dma_wait3A_165, %dma_wait3A_166] : memref<4x128x48xf32, #tpu.memory_space<vmem>> -> memref<1x128x48xf32, #tpu.memory_space<vmem>>
        %dma_wait3A_168 = tpu.memref_squeeze %dma_wait3A_167 : memref<1x128x48xf32, #tpu.memory_space<vmem>> -> memref<128x48xf32, #tpu.memory_space<vmem>>
        %dma_wait3A_169 = arith.constant 0 : i32
        %dma_wait3A_170 = tpu.memref_slice %arg7[%add3A_94, %dma_wait3A_169] : memref<80x128xi32, #tpu.memory_space<vmem>> -> memref<1x128xi32, #tpu.memory_space<vmem>>
        %dma_wait3A_171 = tpu.memref_squeeze %dma_wait3A_170 : memref<1x128xi32, #tpu.memory_space<vmem>> -> memref<128xi32, #tpu.memory_space<vmem>>
        %dma_wait3A_172 = arith.constant 0 : i32
        %dma_wait3A_173 = arith.constant 0 : i32
        %dma_wait3A_174 = tpu.memref_slice %arg10[%dma_wait3A_172, %dma_wait3A_173] : memref<10240x48xf32, #tpu.memory_space<vmem_shared>> -> memref<10240x48xf32, #tpu.memory_space<vmem_shared>>
        tpu.wait_indirect_dma semaphore(%run_scoped3A_154 : memref<!tpu.dma_semaphore, #tpu.memory_space<semaphore_mem>>) src(%dma_wait3A_168 : memref<128x48xf32, #tpu.memory_space<vmem>>) dst(%dma_wait3A_174 : memref<10240x48xf32, #tpu.memory_space<vmem_shared>>)
        tpu.yield
      }) : () -> ()
      %mul3A_106 = arith.constant 4 : i32
      %mul3A_107 = arith.muli %mul3A_106, %scan3A_32 : i32
      %add3A_108 = arith.constant 1 : i32
      %add3A_109 = arith.addi %mul3A_107, %add3A_108 : i32
      %dma_wait3A_110 = arith.constant 1 : i32
      %dma_wait3A_111 = arith.constant 0 : i32
      %dma_wait3A_112 = arith.constant 0 : i32
      %dma_wait3A_113 = tpu.memref_slice %arg8[%dma_wait3A_110, %dma_wait3A_111, %dma_wait3A_112] : memref<4x128x48xf32, #tpu.memory_space<vmem>> -> memref<1x128x48xf32, #tpu.memory_space<vmem>>
      %dma_wait3A_114 = tpu.memref_squeeze %dma_wait3A_113 : memref<1x128x48xf32, #tpu.memory_space<vmem>> -> memref<128x48xf32, #tpu.memory_space<vmem>>
      %dma_wait3A_115 = arith.constant 0 : i32
      %dma_wait3A_116 = tpu.memref_slice %arg6[%add3A_49, %dma_wait3A_115] : memref<80x128xi32, #tpu.memory_space<vmem>> -> memref<1x128xi32, #tpu.memory_space<vmem>>
      %dma_wait3A_117 = tpu.memref_squeeze %dma_wait3A_116 : memref<1x128xi32, #tpu.memory_space<vmem>> -> memref<128xi32, #tpu.memory_space<vmem>>
      %dma_wait3A_118 = arith.constant 0 : i32
      %dma_wait3A_119 = arith.constant 0 : i32
      %dma_wait3A_120 = tpu.memref_slice %arg15[%dma_wait3A_118, %dma_wait3A_119] : memref<10240x48xf32, #tpu.memory_space<vmem_shared>> -> memref<10240x48xf32, #tpu.memory_space<vmem_shared>>
      tpu.wait_indirect_dma semaphore(%arg12 : memref<!tpu.dma_semaphore, #tpu.memory_space<semaphore_mem>>) src(%dma_wait3A_120 : memref<10240x48xf32, #tpu.memory_space<vmem_shared>>) dst(%dma_wait3A_114 : memref<128x48xf32, #tpu.memory_space<vmem>>)
      %run_scoped3A_121 = arith.constant 1 : i32
      "tpu.region"() ({
        %run_scoped3A_154 = tpu.sem_alloc : memref<!tpu.dma_semaphore, #tpu.memory_space<semaphore_mem>>
        %dma_start3A_155 = arith.constant 0 : i32
        %dma_start3A_156 = arith.constant 0 : i32
        %dma_start3A_157 = tpu.memref_slice %arg8[%run_scoped3A_121, %dma_start3A_155, %dma_start3A_156] : memref<4x128x48xf32, #tpu.memory_space<vmem>> -> memref<1x128x48xf32, #tpu.memory_space<vmem>>
        %dma_start3A_158 = tpu.memref_squeeze %dma_start3A_157 : memref<1x128x48xf32, #tpu.memory_space<vmem>> -> memref<128x48xf32, #tpu.memory_space<vmem>>
        %dma_start3A_159 = arith.constant 0 : i32
        %dma_start3A_160 = tpu.memref_slice %arg7[%add3A_109, %dma_start3A_159] : memref<80x128xi32, #tpu.memory_space<vmem>> -> memref<1x128xi32, #tpu.memory_space<vmem>>
        %dma_start3A_161 = tpu.memref_squeeze %dma_start3A_160 : memref<1x128xi32, #tpu.memory_space<vmem>> -> memref<128xi32, #tpu.memory_space<vmem>>
        %dma_start3A_162 = arith.constant 0 : i32
        %dma_start3A_163 = arith.constant 0 : i32
        %dma_start3A_164 = tpu.memref_slice %arg10[%dma_start3A_162, %dma_start3A_163] : memref<10240x48xf32, #tpu.memory_space<vmem_shared>> -> memref<10240x48xf32, #tpu.memory_space<vmem_shared>>
        tpu.enqueue_indirect_dma source(%dma_start3A_158 : memref<128x48xf32, #tpu.memory_space<vmem>>) target(%dma_start3A_164 : memref<10240x48xf32, #tpu.memory_space<vmem_shared>>) offsets(%dma_start3A_161 : memref<128xi32, #tpu.memory_space<vmem>>) semaphore(%run_scoped3A_154 : memref<!tpu.dma_semaphore, #tpu.memory_space<semaphore_mem>>) {add = true}
        %dma_wait3A_165 = arith.constant 0 : i32
        %dma_wait3A_166 = arith.constant 0 : i32
        %dma_wait3A_167 = tpu.memref_slice %arg8[%run_scoped3A_121, %dma_wait3A_165, %dma_wait3A_166] : memref<4x128x48xf32, #tpu.memory_space<vmem>> -> memref<1x128x48xf32, #tpu.memory_space<vmem>>
        %dma_wait3A_168 = tpu.memref_squeeze %dma_wait3A_167 : memref<1x128x48xf32, #tpu.memory_space<vmem>> -> memref<128x48xf32, #tpu.memory_space<vmem>>
        %dma_wait3A_169 = arith.constant 0 : i32
        %dma_wait3A_170 = tpu.memref_slice %arg7[%add3A_109, %dma_wait3A_169] : memref<80x128xi32, #tpu.memory_space<vmem>> -> memref<1x128xi32, #tpu.memory_space<vmem>>
        %dma_wait3A_171 = tpu.memref_squeeze %dma_wait3A_170 : memref<1x128xi32, #tpu.memory_space<vmem>> -> memref<128xi32, #tpu.memory_space<vmem>>
        %dma_wait3A_172 = arith.constant 0 : i32
        %dma_wait3A_173 = arith.constant 0 : i32
        %dma_wait3A_174 = tpu.memref_slice %arg10[%dma_wait3A_172, %dma_wait3A_173] : memref<10240x48xf32, #tpu.memory_space<vmem_shared>> -> memref<10240x48xf32, #tpu.memory_space<vmem_shared>>
        tpu.wait_indirect_dma semaphore(%run_scoped3A_154 : memref<!tpu.dma_semaphore, #tpu.memory_space<semaphore_mem>>) src(%dma_wait3A_168 : memref<128x48xf32, #tpu.memory_space<vmem>>) dst(%dma_wait3A_174 : memref<10240x48xf32, #tpu.memory_space<vmem_shared>>)
        tpu.yield
      }) : () -> ()
      %mul3A_122 = arith.constant 4 : i32
      %mul3A_123 = arith.muli %mul3A_122, %scan3A_32 : i32
      %add3A_124 = arith.constant 2 : i32
      %add3A_125 = arith.addi %mul3A_123, %add3A_124 : i32
      %dma_wait3A_126 = arith.constant 2 : i32
      %dma_wait3A_127 = arith.constant 0 : i32
      %dma_wait3A_128 = arith.constant 0 : i32
      %dma_wait3A_129 = tpu.memref_slice %arg8[%dma_wait3A_126, %dma_wait3A_127, %dma_wait3A_128] : memref<4x128x48xf32, #tpu.memory_space<vmem>> -> memref<1x128x48xf32, #tpu.memory_space<vmem>>
      %dma_wait3A_130 = tpu.memref_squeeze %dma_wait3A_129 : memref<1x128x48xf32, #tpu.memory_space<vmem>> -> memref<128x48xf32, #tpu.memory_space<vmem>>
      %dma_wait3A_131 = arith.constant 0 : i32
      %dma_wait3A_132 = tpu.memref_slice %arg6[%add3A_64, %dma_wait3A_131] : memref<80x128xi32, #tpu.memory_space<vmem>> -> memref<1x128xi32, #tpu.memory_space<vmem>>
      %dma_wait3A_133 = tpu.memref_squeeze %dma_wait3A_132 : memref<1x128xi32, #tpu.memory_space<vmem>> -> memref<128xi32, #tpu.memory_space<vmem>>
      %dma_wait3A_134 = arith.constant 0 : i32
      %dma_wait3A_135 = arith.constant 0 : i32
      %dma_wait3A_136 = tpu.memref_slice %arg15[%dma_wait3A_134, %dma_wait3A_135] : memref<10240x48xf32, #tpu.memory_space<vmem_shared>> -> memref<10240x48xf32, #tpu.memory_space<vmem_shared>>
      tpu.wait_indirect_dma semaphore(%arg13 : memref<!tpu.dma_semaphore, #tpu.memory_space<semaphore_mem>>) src(%dma_wait3A_136 : memref<10240x48xf32, #tpu.memory_space<vmem_shared>>) dst(%dma_wait3A_130 : memref<128x48xf32, #tpu.memory_space<vmem>>)
      %run_scoped3A_137 = arith.constant 2 : i32
      "tpu.region"() ({
        %run_scoped3A_154 = tpu.sem_alloc : memref<!tpu.dma_semaphore, #tpu.memory_space<semaphore_mem>>
        %dma_start3A_155 = arith.constant 0 : i32
        %dma_start3A_156 = arith.constant 0 : i32
        %dma_start3A_157 = tpu.memref_slice %arg8[%run_scoped3A_137, %dma_start3A_155, %dma_start3A_156] : memref<4x128x48xf32, #tpu.memory_space<vmem>> -> memref<1x128x48xf32, #tpu.memory_space<vmem>>
        %dma_start3A_158 = tpu.memref_squeeze %dma_start3A_157 : memref<1x128x48xf32, #tpu.memory_space<vmem>> -> memref<128x48xf32, #tpu.memory_space<vmem>>
        %dma_start3A_159 = arith.constant 0 : i32
        %dma_start3A_160 = tpu.memref_slice %arg7[%add3A_125, %dma_start3A_159] : memref<80x128xi32, #tpu.memory_space<vmem>> -> memref<1x128xi32, #tpu.memory_space<vmem>>
        %dma_start3A_161 = tpu.memref_squeeze %dma_start3A_160 : memref<1x128xi32, #tpu.memory_space<vmem>> -> memref<128xi32, #tpu.memory_space<vmem>>
        %dma_start3A_162 = arith.constant 0 : i32
        %dma_start3A_163 = arith.constant 0 : i32
        %dma_start3A_164 = tpu.memref_slice %arg10[%dma_start3A_162, %dma_start3A_163] : memref<10240x48xf32, #tpu.memory_space<vmem_shared>> -> memref<10240x48xf32, #tpu.memory_space<vmem_shared>>
        tpu.enqueue_indirect_dma source(%dma_start3A_158 : memref<128x48xf32, #tpu.memory_space<vmem>>) target(%dma_start3A_164 : memref<10240x48xf32, #tpu.memory_space<vmem_shared>>) offsets(%dma_start3A_161 : memref<128xi32, #tpu.memory_space<vmem>>) semaphore(%run_scoped3A_154 : memref<!tpu.dma_semaphore, #tpu.memory_space<semaphore_mem>>) {add = true}
        %dma_wait3A_165 = arith.constant 0 : i32
        %dma_wait3A_166 = arith.constant 0 : i32
        %dma_wait3A_167 = tpu.memref_slice %arg8[%run_scoped3A_137, %dma_wait3A_165, %dma_wait3A_166] : memref<4x128x48xf32, #tpu.memory_space<vmem>> -> memref<1x128x48xf32, #tpu.memory_space<vmem>>
        %dma_wait3A_168 = tpu.memref_squeeze %dma_wait3A_167 : memref<1x128x48xf32, #tpu.memory_space<vmem>> -> memref<128x48xf32, #tpu.memory_space<vmem>>
        %dma_wait3A_169 = arith.constant 0 : i32
        %dma_wait3A_170 = tpu.memref_slice %arg7[%add3A_125, %dma_wait3A_169] : memref<80x128xi32, #tpu.memory_space<vmem>> -> memref<1x128xi32, #tpu.memory_space<vmem>>
        %dma_wait3A_171 = tpu.memref_squeeze %dma_wait3A_170 : memref<1x128xi32, #tpu.memory_space<vmem>> -> memref<128xi32, #tpu.memory_space<vmem>>
        %dma_wait3A_172 = arith.constant 0 : i32
        %dma_wait3A_173 = arith.constant 0 : i32
        %dma_wait3A_174 = tpu.memref_slice %arg10[%dma_wait3A_172, %dma_wait3A_173] : memref<10240x48xf32, #tpu.memory_space<vmem_shared>> -> memref<10240x48xf32, #tpu.memory_space<vmem_shared>>
        tpu.wait_indirect_dma semaphore(%run_scoped3A_154 : memref<!tpu.dma_semaphore, #tpu.memory_space<semaphore_mem>>) src(%dma_wait3A_168 : memref<128x48xf32, #tpu.memory_space<vmem>>) dst(%dma_wait3A_174 : memref<10240x48xf32, #tpu.memory_space<vmem_shared>>)
        tpu.yield
      }) : () -> ()
      %mul3A_138 = arith.constant 4 : i32
      %mul3A_139 = arith.muli %mul3A_138, %scan3A_32 : i32
      %add3A_140 = arith.constant 3 : i32
      %add3A_141 = arith.addi %mul3A_139, %add3A_140 : i32
      %dma_wait3A_142 = arith.constant 3 : i32
      %dma_wait3A_143 = arith.constant 0 : i32
      %dma_wait3A_144 = arith.constant 0 : i32
      %dma_wait3A_145 = tpu.memref_slice %arg8[%dma_wait3A_142, %dma_wait3A_143, %dma_wait3A_144] : memref<4x128x48xf32, #tpu.memory_space<vmem>> -> memref<1x128x48xf32, #tpu.memory_space<vmem>>
      %dma_wait3A_146 = tpu.memref_squeeze %dma_wait3A_145 : memref<1x128x48xf32, #tpu.memory_space<vmem>> -> memref<128x48xf32, #tpu.memory_space<vmem>>
      %dma_wait3A_147 = arith.constant 0 : i32
      %dma_wait3A_148 = tpu.memref_slice %arg6[%add3A_79, %dma_wait3A_147] : memref<80x128xi32, #tpu.memory_space<vmem>> -> memref<1x128xi32, #tpu.memory_space<vmem>>
      %dma_wait3A_149 = tpu.memref_squeeze %dma_wait3A_148 : memref<1x128xi32, #tpu.memory_space<vmem>> -> memref<128xi32, #tpu.memory_space<vmem>>
      %dma_wait3A_150 = arith.constant 0 : i32
      %dma_wait3A_151 = arith.constant 0 : i32
      %dma_wait3A_152 = tpu.memref_slice %arg15[%dma_wait3A_150, %dma_wait3A_151] : memref<10240x48xf32, #tpu.memory_space<vmem_shared>> -> memref<10240x48xf32, #tpu.memory_space<vmem_shared>>
      tpu.wait_indirect_dma semaphore(%arg14 : memref<!tpu.dma_semaphore, #tpu.memory_space<semaphore_mem>>) src(%dma_wait3A_152 : memref<10240x48xf32, #tpu.memory_space<vmem_shared>>) dst(%dma_wait3A_146 : memref<128x48xf32, #tpu.memory_space<vmem>>)
      %run_scoped3A_153 = arith.constant 3 : i32
      "tpu.region"() ({
        %run_scoped3A_154 = tpu.sem_alloc : memref<!tpu.dma_semaphore, #tpu.memory_space<semaphore_mem>>
        %dma_start3A_155 = arith.constant 0 : i32
        %dma_start3A_156 = arith.constant 0 : i32
        %dma_start3A_157 = tpu.memref_slice %arg8[%run_scoped3A_153, %dma_start3A_155, %dma_start3A_156] : memref<4x128x48xf32, #tpu.memory_space<vmem>> -> memref<1x128x48xf32, #tpu.memory_space<vmem>>
        %dma_start3A_158 = tpu.memref_squeeze %dma_start3A_157 : memref<1x128x48xf32, #tpu.memory_space<vmem>> -> memref<128x48xf32, #tpu.memory_space<vmem>>
        %dma_start3A_159 = arith.constant 0 : i32
        %dma_start3A_160 = tpu.memref_slice %arg7[%add3A_141, %dma_start3A_159] : memref<80x128xi32, #tpu.memory_space<vmem>> -> memref<1x128xi32, #tpu.memory_space<vmem>>
        %dma_start3A_161 = tpu.memref_squeeze %dma_start3A_160 : memref<1x128xi32, #tpu.memory_space<vmem>> -> memref<128xi32, #tpu.memory_space<vmem>>
        %dma_start3A_162 = arith.constant 0 : i32
        %dma_start3A_163 = arith.constant 0 : i32
        %dma_start3A_164 = tpu.memref_slice %arg10[%dma_start3A_162, %dma_start3A_163] : memref<10240x48xf32, #tpu.memory_space<vmem_shared>> -> memref<10240x48xf32, #tpu.memory_space<vmem_shared>>
        tpu.enqueue_indirect_dma source(%dma_start3A_158 : memref<128x48xf32, #tpu.memory_space<vmem>>) target(%dma_start3A_164 : memref<10240x48xf32, #tpu.memory_space<vmem_shared>>) offsets(%dma_start3A_161 : memref<128xi32, #tpu.memory_space<vmem>>) semaphore(%run_scoped3A_154 : memref<!tpu.dma_semaphore, #tpu.memory_space<semaphore_mem>>) {add = true}
        %dma_wait3A_165 = arith.constant 0 : i32
        %dma_wait3A_166 = arith.constant 0 : i32
        %dma_wait3A_167 = tpu.memref_slice %arg8[%run_scoped3A_153, %dma_wait3A_165, %dma_wait3A_166] : memref<4x128x48xf32, #tpu.memory_space<vmem>> -> memref<1x128x48xf32, #tpu.memory_space<vmem>>
        %dma_wait3A_168 = tpu.memref_squeeze %dma_wait3A_167 : memref<1x128x48xf32, #tpu.memory_space<vmem>> -> memref<128x48xf32, #tpu.memory_space<vmem>>
        %dma_wait3A_169 = arith.constant 0 : i32
        %dma_wait3A_170 = tpu.memref_slice %arg7[%add3A_141, %dma_wait3A_169] : memref<80x128xi32, #tpu.memory_space<vmem>> -> memref<1x128xi32, #tpu.memory_space<vmem>>
        %dma_wait3A_171 = tpu.memref_squeeze %dma_wait3A_170 : memref<1x128xi32, #tpu.memory_space<vmem>> -> memref<128xi32, #tpu.memory_space<vmem>>
        %dma_wait3A_172 = arith.constant 0 : i32
        %dma_wait3A_173 = arith.constant 0 : i32
        %dma_wait3A_174 = tpu.memref_slice %arg10[%dma_wait3A_172, %dma_wait3A_173] : memref<10240x48xf32, #tpu.memory_space<vmem_shared>> -> memref<10240x48xf32, #tpu.memory_space<vmem_shared>>
        tpu.wait_indirect_dma semaphore(%run_scoped3A_154 : memref<!tpu.dma_semaphore, #tpu.memory_space<semaphore_mem>>) src(%dma_wait3A_168 : memref<128x48xf32, #tpu.memory_space<vmem>>) dst(%dma_wait3A_174 : memref<10240x48xf32, #tpu.memory_space<vmem_shared>>)
        tpu.yield
      }) : () -> ()
    }
    %scan3A_24 = arith.constant 20 : i32
    %barrier3A_25 = arith.constant 0 : index
    tpu.barrier barrier_id(%barrier3A_25)
    %scan3A_26 = arith.constant 0 : i32
    %scan3A_27 = arith.constant 0 : i32
    %scan3A_28 = arith.constant 5 : i32
    %scan3A_29 = arith.addi %scan3A_27, %scan3A_28 : i32
    %scan3A_30 = arith.constant 1 : i32
    scf.for %scan3A_32 = %scan3A_27 to %scan3A_29 step %scan3A_30  : i32 {
      %mul3A_33 = arith.constant 640 : i32
      %mul3A_34 = arith.muli %arg1, %mul3A_33 : i32
      %mul3A_35 = arith.constant 128 : i32
      %mul3A_36 = arith.muli %scan3A_32, %mul3A_35 : i32
      %add3A = arith.addi %mul3A_34, %mul3A_36 : i32
      "tpu.region"() ({
        %run_scoped3A_37 = tpu.sem_alloc : memref<!tpu.dma_semaphore, #tpu.memory_space<semaphore_mem>>
        %dma_start3A = arith.constant 0 : i32
        %dma_start3A_38 = tpu.memref_slice %arg10[%add3A, %dma_start3A] : memref<10240x48xf32, #tpu.memory_space<vmem_shared>> -> memref<128x48xf32, #tpu.memory_space<vmem_shared>>
        %dma_start3A_39 = arith.constant 0 : i32
        %dma_start3A_40 = tpu.memref_slice %arg10[%add3A, %dma_start3A_39] : memref<10240x48xf32, #tpu.memory_space<vmem_shared>> -> memref<128x48xf32, #tpu.memory_space<vmem_shared>>
        tpu.enqueue_dma source(%dma_start3A_40 : memref<128x48xf32, #tpu.memory_space<vmem_shared>>) target(%arg9 : memref<128x48xf32, #tpu.memory_space<vmem>>) target_semaphore(%run_scoped3A_37 : memref<!tpu.dma_semaphore, #tpu.memory_space<semaphore_mem>>)
        %dma_wait3A = arith.constant 0 : i32
        %dma_wait3A_41 = tpu.memref_slice %arg10[%add3A, %dma_wait3A] : memref<10240x48xf32, #tpu.memory_space<vmem_shared>> -> memref<128x48xf32, #tpu.memory_space<vmem_shared>>
        %dma_wait3A_42 = arith.constant 0 : i32
        %dma_wait3A_43 = tpu.memref_slice %arg10[%add3A, %dma_wait3A_42] : memref<10240x48xf32, #tpu.memory_space<vmem_shared>> -> memref<128x48xf32, #tpu.memory_space<vmem_shared>>
        tpu.wait_dma2 semaphore(%run_scoped3A_37 : memref<!tpu.dma_semaphore, #tpu.memory_space<semaphore_mem>>) src(%dma_wait3A_43 : memref<128x48xf32, #tpu.memory_space<vmem_shared>>) dst(%arg9 : memref<128x48xf32, #tpu.memory_space<vmem>>)
        tpu.yield
      }) : () -> ()
      "tpu.region"() ({
        %run_scoped3A_37 = tpu.sem_alloc : memref<!tpu.dma_semaphore, #tpu.memory_space<semaphore_mem>>
        %dma_start3A = arith.constant 0 : i32
        %dma_start3A_38 = tpu.memref_slice %arg5[%arg0, %add3A, %dma_start3A] : memref<2x10240x48xf32, #tpu.memory_space<hbm>> -> memref<1x128x48xf32, #tpu.memory_space<hbm>>
        %dma_start3A_39 = tpu.memref_squeeze %dma_start3A_38 : memref<1x128x48xf32, #tpu.memory_space<hbm>> -> memref<128x48xf32, #tpu.memory_space<hbm>>
        %dma_start3A_40 = arith.constant 0 : i32
        %dma_start3A_41 = tpu.memref_slice %arg5[%arg0, %add3A, %dma_start3A_40] : memref<2x10240x48xf32, #tpu.memory_space<hbm>> -> memref<1x128x48xf32, #tpu.memory_space<hbm>>
        %dma_start3A_42 = tpu.memref_squeeze %dma_start3A_41 : memref<1x128x48xf32, #tpu.memory_space<hbm>> -> memref<128x48xf32, #tpu.memory_space<hbm>>
        tpu.enqueue_dma source(%arg9 : memref<128x48xf32, #tpu.memory_space<vmem>>) target(%dma_start3A_42 : memref<128x48xf32, #tpu.memory_space<hbm>>) target_semaphore(%run_scoped3A_37 : memref<!tpu.dma_semaphore, #tpu.memory_space<semaphore_mem>>)
        %dma_wait3A = arith.constant 0 : i32
        %dma_wait3A_43 = tpu.memref_slice %arg5[%arg0, %add3A, %dma_wait3A] : memref<2x10240x48xf32, #tpu.memory_space<hbm>> -> memref<1x128x48xf32, #tpu.memory_space<hbm>>
        %dma_wait3A_44 = tpu.memref_squeeze %dma_wait3A_43 : memref<1x128x48xf32, #tpu.memory_space<hbm>> -> memref<128x48xf32, #tpu.memory_space<hbm>>
        %dma_wait3A_45 = arith.constant 0 : i32
        %dma_wait3A_46 = tpu.memref_slice %arg5[%arg0, %add3A, %dma_wait3A_45] : memref<2x10240x48xf32, #tpu.memory_space<hbm>> -> memref<1x128x48xf32, #tpu.memory_space<hbm>>
        %dma_wait3A_47 = tpu.memref_squeeze %dma_wait3A_46 : memref<1x128x48xf32, #tpu.memory_space<hbm>> -> memref<128x48xf32, #tpu.memory_space<hbm>>
        tpu.wait_dma2 semaphore(%run_scoped3A_37 : memref<!tpu.dma_semaphore, #tpu.memory_space<semaphore_mem>>) src(%arg9 : memref<128x48xf32, #tpu.memory_space<vmem>>) dst(%dma_wait3A_47 : memref<128x48xf32, #tpu.memory_space<hbm>>)
        tpu.yield
      }) : () -> ()
    }
    %scan3A_31 = arith.constant 5 : i32
    return
  }
}

module attributes {stable_mosaic.version = 14 : i64} {
  func.func @_tc_scale_matmul(%arg0: i32, %arg1: memref<512x128xf32, #tpu.memory_space<vmem>>, %arg2: memref<128x128xf32, #tpu.memory_space<vmem>>, %arg3: memref<2x512x16xf32, #tpu.memory_space<vmem>>, %arg4: memref<2x512x64xf32, #tpu.memory_space<vmem>>) attributes {dimension_semantics = [#tpu.dimension_semantics<arbitrary>], iteration_bounds = array<i64: 20>, scalar_prefetch = 0 : i64, scratch_operands = 0 : i64, tpu.core_type = #tpu.core_type<tc>, window_params = [{transform_indices = @transform_0, window_bounds = array<i64: 512, 128>}, {pipeline_mode = #tpu.pipeline_mode<synchronous>, transform_indices = @transform_1, window_bounds = array<i64: 128, 128>}, {transform_indices = @transform_2, window_bounds = array<i64: 2, 512, 16>}, {transform_indices = @transform_3, window_bounds = array<i64: 2, 512, 64>}]} {
    %get3A = arith.constant 0 : index
    %get3A_0 = arith.constant 0 : index
    %get3A_1 = arith.constant 0 : index
    %get3A_2 = vector.load %arg3[%get3A, %get3A_0, %get3A_1] : memref<2x512x16xf32, #tpu.memory_space<vmem>>, vector<1x512x1xf32>
    %get3A_3 = vector.shape_cast %get3A_2 : vector<1x512x1xf32> to vector<512x1xf32>
    %get3A_4 = arith.constant 1 : index
    %get3A_5 = arith.constant 0 : index
    %get3A_6 = arith.constant 0 : index
    %get3A_7 = vector.load %arg3[%get3A_4, %get3A_5, %get3A_6] : memref<2x512x16xf32, #tpu.memory_space<vmem>>, vector<1x512x1xf32>
    %get3A_8 = vector.shape_cast %get3A_7 : vector<1x512x1xf32> to vector<512x1xf32>
    %add3A = arith.addf %get3A_3, %get3A_8 : vector<512x1xf32>
    %add3A_9 = arith.constant 1.000000e+00 : f32
    %add3A_10 = vector.broadcast %add3A_9 : f32 to vector<512x1xf32>
    %add3A_11 = arith.addf %add3A, %add3A_10 : vector<512x1xf32>
    %rsqrt3A = math.rsqrt %add3A_11 : vector<512x1xf32>
    %get3A_12 = arith.constant 0 : index
    %get3A_13 = arith.constant 0 : index
    %get3A_14 = vector.load %arg1[%get3A_12, %get3A_13] : memref<512x128xf32, #tpu.memory_space<vmem>>, vector<512x128xf32>
    %get3A_15 = arith.constant 0 : index
    %get3A_16 = arith.constant 0 : index
    %get3A_17 = vector.load %arg2[%get3A_15, %get3A_16] : memref<128x128xf32, #tpu.memory_space<vmem>>, vector<128x128xf32>
    %dot_general3A = arith.constant dense<0.000000e+00> : vector<512x128xf32>
    %dot_general3A_18 = tpu.matmul %get3A_14, %get3A_17, %dot_general3A {dimension_numbers = #tpu.dot_dimension_numbers<[1], [0], [0], [1], [0, 0, 1, 1], [], []>, precision = #tpu.contract_precision<fp32>, transpose_lhs_hint = false} : vector<512x128xf32>, vector<128x128xf32>, vector<512x128xf32> -> vector<512x128xf32>
    %mul3A = vector.broadcast %rsqrt3A : vector<512x1xf32> to vector<512x128xf32>
    %mul3A_19 = arith.mulf %dot_general3A_18, %mul3A : vector<512x128xf32>
    %slice3A = vector.extract_strided_slice %mul3A_19 {offsets = [0, 0], sizes = [512, 64], strides = [1, 1]} : vector<512x128xf32> to vector<512x64xf32>
    %swap3A = arith.constant 0 : index
    %swap3A_20 = arith.constant 0 : index
    %swap3A_21 = arith.constant 0 : index
    %swap3A_22 = vector.load %arg4[%swap3A, %swap3A_20, %swap3A_21] : memref<2x512x64xf32, #tpu.memory_space<vmem>>, vector<1x512x64xf32>
    %swap3A_23 = vector.shape_cast %swap3A_22 : vector<1x512x64xf32> to vector<512x64xf32>
    %swap3A_24 = vector.shape_cast %slice3A : vector<512x64xf32> to vector<1x512x64xf32>
    tpu.vector_store %arg4[%swap3A, %swap3A_20, %swap3A_21], %swap3A_24 {strides = array<i32>} : memref<2x512x64xf32, #tpu.memory_space<vmem>>, vector<1x512x64xf32>,
    %slice3A_25 = vector.extract_strided_slice %mul3A_19 {offsets = [0, 64], sizes = [512, 64], strides = [1, 1]} : vector<512x128xf32> to vector<512x64xf32>
    %swap3A_26 = arith.constant 1 : index
    %swap3A_27 = arith.constant 0 : index
    %swap3A_28 = arith.constant 0 : index
    %swap3A_29 = vector.load %arg4[%swap3A_26, %swap3A_27, %swap3A_28] : memref<2x512x64xf32, #tpu.memory_space<vmem>>, vector<1x512x64xf32>
    %swap3A_30 = vector.shape_cast %swap3A_29 : vector<1x512x64xf32> to vector<512x64xf32>
    %swap3A_31 = vector.shape_cast %slice3A_25 : vector<512x64xf32> to vector<1x512x64xf32>
    tpu.vector_store %arg4[%swap3A_26, %swap3A_27, %swap3A_28], %swap3A_31 {strides = array<i32>} : memref<2x512x64xf32, #tpu.memory_space<vmem>>, vector<1x512x64xf32>,
    return
  }
  func.func @transform_0(%arg0: i32) -> (i32, i32) {
    %c0_i32 = arith.constant 0 : i32
    %c0_i32_0 = arith.constant 0 : i32
    return %arg0, %c0_i32 : i32, i32
  }
  func.func @transform_1(%arg0: i32) -> (i32, i32) {
    %c0_i32 = arith.constant 0 : i32
    %c0_i32_0 = arith.constant 0 : i32
    %c0_i32_1 = arith.constant 0 : i32
    return %c0_i32, %c0_i32_0 : i32, i32
  }
  func.func @transform_2(%arg0: i32) -> (i32, i32, i32) {
    %c0_i32 = arith.constant 0 : i32
    %c0_i32_0 = arith.constant 0 : i32
    %c0_i32_1 = arith.constant 0 : i32
    return %c0_i32, %arg0, %c0_i32_0 : i32, i32, i32
  }
  func.func @transform_3(%arg0: i32) -> (i32, i32, i32) {
    %c0_i32 = arith.constant 0 : i32
    %c0_i32_0 = arith.constant 0 : i32
    %c0_i32_1 = arith.constant 0 : i32
    return %c0_i32, %arg0, %c0_i32_0 : i32, i32, i32
  }
}

module attributes {stable_mosaic.version = 14 : i64} {
  func.func @_tc_mid(%arg0: i32, %arg1: memref<2x512x64xf32, #tpu.memory_space<vmem>>, %arg2: memref<2x512x64xf32, #tpu.memory_space<vmem>>, %arg3: memref<2x512x16xf32, #tpu.memory_space<vmem>>, %arg4: memref<1x128xf32, #tpu.memory_space<vmem>>, %arg5: memref<128x128xf32, #tpu.memory_space<vmem>>, %arg6: memref<128x48xf32, #tpu.memory_space<vmem>>, %arg7: memref<512x48xf32, #tpu.memory_space<vmem>>) attributes {dimension_semantics = [#tpu.dimension_semantics<arbitrary>], iteration_bounds = array<i64: 20>, scalar_prefetch = 0 : i64, scratch_operands = 0 : i64, tpu.core_type = #tpu.core_type<tc>, window_params = [{transform_indices = @transform_0, window_bounds = array<i64: 2, 512, 64>}, {transform_indices = @transform_1, window_bounds = array<i64: 2, 512, 64>}, {transform_indices = @transform_2, window_bounds = array<i64: 2, 512, 16>}, {pipeline_mode = #tpu.pipeline_mode<synchronous>, transform_indices = @transform_3, window_bounds = array<i64: 1, 128>}, {pipeline_mode = #tpu.pipeline_mode<synchronous>, transform_indices = @transform_4, window_bounds = array<i64: 128, 128>}, {pipeline_mode = #tpu.pipeline_mode<synchronous>, transform_indices = @transform_5, window_bounds = array<i64: 128, 48>}, {transform_indices = @transform_6, window_bounds = array<i64: 512, 48>}]} {
    %get3A = arith.constant 0 : index
    %get3A_0 = arith.constant 0 : index
    %get3A_1 = arith.constant 0 : index
    %get3A_2 = vector.load %arg3[%get3A, %get3A_0, %get3A_1] : memref<2x512x16xf32, #tpu.memory_space<vmem>>, vector<1x512x1xf32>
    %get3A_3 = vector.shape_cast %get3A_2 : vector<1x512x1xf32> to vector<512x1xf32>
    %get3A_4 = arith.constant 1 : index
    %get3A_5 = arith.constant 0 : index
    %get3A_6 = arith.constant 0 : index
    %get3A_7 = vector.load %arg3[%get3A_4, %get3A_5, %get3A_6] : memref<2x512x16xf32, #tpu.memory_space<vmem>>, vector<1x512x1xf32>
    %get3A_8 = vector.shape_cast %get3A_7 : vector<1x512x1xf32> to vector<512x1xf32>
    %add3A = arith.addf %get3A_3, %get3A_8 : vector<512x1xf32>
    %add3A_9 = arith.constant 1.000000e+00 : f32
    %add3A_10 = vector.broadcast %add3A_9 : f32 to vector<512x1xf32>
    %add3A_11 = arith.addf %add3A, %add3A_10 : vector<512x1xf32>
    %rsqrt3A = math.rsqrt %add3A_11 : vector<512x1xf32>
    %get3A_12 = arith.constant 0 : index
    %get3A_13 = arith.constant 0 : index
    %get3A_14 = arith.constant 0 : index
    %get3A_15 = vector.load %arg2[%get3A_12, %get3A_13, %get3A_14] : memref<2x512x64xf32, #tpu.memory_space<vmem>>, vector<1x512x64xf32>
    %get3A_16 = vector.shape_cast %get3A_15 : vector<1x512x64xf32> to vector<512x64xf32>
    %get3A_17 = arith.constant 0 : index
    %get3A_18 = arith.constant 0 : index
    %get3A_19 = arith.constant 0 : index
    %get3A_20 = vector.load %arg1[%get3A_17, %get3A_18, %get3A_19] : memref<2x512x64xf32, #tpu.memory_space<vmem>>, vector<1x512x64xf32>
    %get3A_21 = vector.shape_cast %get3A_20 : vector<1x512x64xf32> to vector<512x64xf32>
    %add3A_22 = arith.addf %get3A_16, %get3A_21 : vector<512x64xf32>
    %get3A_23 = arith.constant 1 : index
    %get3A_24 = arith.constant 0 : index
    %get3A_25 = arith.constant 0 : index
    %get3A_26 = vector.load %arg2[%get3A_23, %get3A_24, %get3A_25] : memref<2x512x64xf32, #tpu.memory_space<vmem>>, vector<1x512x64xf32>
    %get3A_27 = vector.shape_cast %get3A_26 : vector<1x512x64xf32> to vector<512x64xf32>
    %get3A_28 = arith.constant 1 : index
    %get3A_29 = arith.constant 0 : index
    %get3A_30 = arith.constant 0 : index
    %get3A_31 = vector.load %arg1[%get3A_28, %get3A_29, %get3A_30] : memref<2x512x64xf32, #tpu.memory_space<vmem>>, vector<1x512x64xf32>
    %get3A_32 = vector.shape_cast %get3A_31 : vector<1x512x64xf32> to vector<512x64xf32>
    %add3A_33 = arith.addf %get3A_27, %get3A_32 : vector<512x64xf32>
    %concatenate3A = tpu.concatenate %add3A_22, %add3A_33 in 1 : vector<512x64xf32>, vector<512x64xf32> -> vector<512x128xf32>
    %mul3A = vector.broadcast %rsqrt3A : vector<512x1xf32> to vector<512x128xf32>
    %mul3A_34 = arith.mulf %mul3A, %concatenate3A : vector<512x128xf32>
    %get3A_35 = arith.constant 0 : index
    %get3A_36 = arith.constant 0 : index
    %get3A_37 = vector.load %arg4[%get3A_35, %get3A_36] : memref<1x128xf32, #tpu.memory_space<vmem>>, vector<1x128xf32>
    %add3A_38 = vector.broadcast %get3A_37 : vector<1x128xf32> to vector<512x128xf32>
    %add3A_39 = arith.addf %mul3A_34, %add3A_38 : vector<512x128xf32>
    %max3A = arith.constant 0.000000e+00 : f32
    %max3A_40 = vector.broadcast %max3A : f32 to vector<512x128xf32>
    %max3A_41 = arith.maximumf %add3A_39, %max3A_40 : vector<512x128xf32>
    %get3A_42 = arith.constant 0 : index
    %get3A_43 = arith.constant 0 : index
    %get3A_44 = vector.load %arg5[%get3A_42, %get3A_43] : memref<128x128xf32, #tpu.memory_space<vmem>>, vector<128x128xf32>
    %dot_general3A = arith.constant dense<0.000000e+00> : vector<512x128xf32>
    %dot_general3A_45 = tpu.matmul %max3A_41, %get3A_44, %dot_general3A {dimension_numbers = #tpu.dot_dimension_numbers<[1], [0], [0], [1], [0, 0, 1, 1], [], []>, precision = #tpu.contract_precision<fp32>, transpose_lhs_hint = false} : vector<512x128xf32>, vector<128x128xf32>, vector<512x128xf32> -> vector<512x128xf32>
    %get3A_46 = arith.constant 0 : index
    %get3A_47 = arith.constant 0 : index
    %get3A_48 = vector.load %arg6[%get3A_46, %get3A_47] : memref<128x48xf32, #tpu.memory_space<vmem>>, vector<128x48xf32>
    %dot_general3A_49 = arith.constant dense<0.000000e+00> : vector<512x48xf32>
    %dot_general3A_50 = tpu.matmul %dot_general3A_45, %get3A_48, %dot_general3A_49 {dimension_numbers = #tpu.dot_dimension_numbers<[1], [0], [0], [1], [0, 0, 1, 1], [], []>, precision = #tpu.contract_precision<fp32>, transpose_lhs_hint = false} : vector<512x128xf32>, vector<128x48xf32>, vector<512x48xf32> -> vector<512x48xf32>
    %mul3A_51 = vector.broadcast %rsqrt3A : vector<512x1xf32> to vector<512x48xf32>
    %mul3A_52 = arith.mulf %dot_general3A_50, %mul3A_51 : vector<512x48xf32>
    %swap3A = arith.constant 0 : index
    %swap3A_53 = arith.constant 0 : index
    %swap3A_54 = vector.load %arg7[%swap3A, %swap3A_53] : memref<512x48xf32, #tpu.memory_space<vmem>>, vector<512x48xf32>
    tpu.vector_store %arg7[%swap3A, %swap3A_53], %mul3A_52 {strides = array<i32>} : memref<512x48xf32, #tpu.memory_space<vmem>>, vector<512x48xf32>,
    return
  }
  func.func @transform_0(%arg0: i32) -> (i32, i32, i32) {
    %c0_i32 = arith.constant 0 : i32
    %c0_i32_0 = arith.constant 0 : i32
    %c0_i32_1 = arith.constant 0 : i32
    return %c0_i32, %arg0, %c0_i32_0 : i32, i32, i32
  }
  func.func @transform_1(%arg0: i32) -> (i32, i32, i32) {
    %c0_i32 = arith.constant 0 : i32
    %c0_i32_0 = arith.constant 0 : i32
    %c0_i32_1 = arith.constant 0 : i32
    return %c0_i32, %arg0, %c0_i32_0 : i32, i32, i32
  }
  func.func @transform_2(%arg0: i32) -> (i32, i32, i32) {
    %c0_i32 = arith.constant 0 : i32
    %c0_i32_0 = arith.constant 0 : i32
    %c0_i32_1 = arith.constant 0 : i32
    return %c0_i32, %arg0, %c0_i32_0 : i32, i32, i32
  }
  func.func @transform_3(%arg0: i32) -> (i32, i32) {
    %c0_i32 = arith.constant 0 : i32
    %c0_i32_0 = arith.constant 0 : i32
    %c0_i32_1 = arith.constant 0 : i32
    return %c0_i32, %c0_i32_0 : i32, i32
  }
  func.func @transform_4(%arg0: i32) -> (i32, i32) {
    %c0_i32 = arith.constant 0 : i32
    %c0_i32_0 = arith.constant 0 : i32
    %c0_i32_1 = arith.constant 0 : i32
    return %c0_i32, %c0_i32_0 : i32, i32
  }
  func.func @transform_5(%arg0: i32) -> (i32, i32) {
    %c0_i32 = arith.constant 0 : i32
    %c0_i32_0 = arith.constant 0 : i32
    %c0_i32_1 = arith.constant 0 : i32
    return %c0_i32, %c0_i32_0 : i32, i32
  }
  func.func @transform_6(%arg0: i32) -> (i32, i32) {
    %c0_i32 = arith.constant 0 : i32
    %c0_i32_0 = arith.constant 0 : i32
    return %arg0, %c0_i32 : i32, i32
  }
}

module attributes {stable_mosaic.version = 14 : i64} {
  func.func @_tc_head(%arg0: i32, %arg1: memref<2x512x48xf32, #tpu.memory_space<vmem>>, %arg2: memref<512x48xf32, #tpu.memory_space<vmem>>, %arg3: memref<2x512x16xf32, #tpu.memory_space<vmem>>, %arg4: memref<1x128xf32, #tpu.memory_space<vmem>>, %arg5: memref<128x48xf32, #tpu.memory_space<vmem>>, %arg6: memref<1x48xf32, #tpu.memory_space<vmem>>, %arg7: memref<512x48xf32, #tpu.memory_space<vmem>>) attributes {dimension_semantics = [#tpu.dimension_semantics<arbitrary>], iteration_bounds = array<i64: 20>, scalar_prefetch = 0 : i64, scratch_operands = 0 : i64, tpu.core_type = #tpu.core_type<tc>, window_params = [{transform_indices = @transform_0, window_bounds = array<i64: 2, 512, 48>}, {transform_indices = @transform_1, window_bounds = array<i64: 512, 48>}, {transform_indices = @transform_2, window_bounds = array<i64: 2, 512, 16>}, {pipeline_mode = #tpu.pipeline_mode<synchronous>, transform_indices = @transform_3, window_bounds = array<i64: 1, 128>}, {pipeline_mode = #tpu.pipeline_mode<synchronous>, transform_indices = @transform_4, window_bounds = array<i64: 128, 48>}, {pipeline_mode = #tpu.pipeline_mode<synchronous>, transform_indices = @transform_5, window_bounds = array<i64: 1, 48>}, {transform_indices = @transform_6, window_bounds = array<i64: 512, 48>}]} {
    %get3A = arith.constant 0 : index
    %get3A_0 = arith.constant 0 : index
    %get3A_1 = arith.constant 0 : index
    %get3A_2 = vector.load %arg3[%get3A, %get3A_0, %get3A_1] : memref<2x512x16xf32, #tpu.memory_space<vmem>>, vector<1x512x1xf32>
    %get3A_3 = vector.shape_cast %get3A_2 : vector<1x512x1xf32> to vector<512x1xf32>
    %get3A_4 = arith.constant 1 : index
    %get3A_5 = arith.constant 0 : index
    %get3A_6 = arith.constant 0 : index
    %get3A_7 = vector.load %arg3[%get3A_4, %get3A_5, %get3A_6] : memref<2x512x16xf32, #tpu.memory_space<vmem>>, vector<1x512x1xf32>
    %get3A_8 = vector.shape_cast %get3A_7 : vector<1x512x1xf32> to vector<512x1xf32>
    %add3A = arith.addf %get3A_3, %get3A_8 : vector<512x1xf32>
    %add3A_9 = arith.constant 1.000000e+00 : f32
    %add3A_10 = vector.broadcast %add3A_9 : f32 to vector<512x1xf32>
    %add3A_11 = arith.addf %add3A, %add3A_10 : vector<512x1xf32>
    %rsqrt3A = math.rsqrt %add3A_11 : vector<512x1xf32>
    %get3A_12 = arith.constant 0 : index
    %get3A_13 = arith.constant 0 : index
    %get3A_14 = vector.load %arg4[%get3A_12, %get3A_13] : memref<1x128xf32, #tpu.memory_space<vmem>>, vector<1x128xf32>
    %get3A_15 = arith.constant 0 : index
    %get3A_16 = arith.constant 0 : index
    %get3A_17 = vector.load %arg5[%get3A_15, %get3A_16] : memref<128x48xf32, #tpu.memory_space<vmem>>, vector<128x48xf32>
    %dot_general3A = arith.constant dense<0.000000e+00> : vector<1x48xf32>
    %dot_general3A_18 = tpu.matmul %get3A_14, %get3A_17, %dot_general3A {dimension_numbers = #tpu.dot_dimension_numbers<[1], [0], [0], [1], [0, 0, 1, 1], [], []>, precision = #tpu.contract_precision<fp32>, transpose_lhs_hint = false} : vector<1x128xf32>, vector<128x48xf32>, vector<1x48xf32> -> vector<1x48xf32>
    %get3A_19 = arith.constant 0 : index
    %get3A_20 = arith.constant 0 : index
    %get3A_21 = vector.load %arg6[%get3A_19, %get3A_20] : memref<1x48xf32, #tpu.memory_space<vmem>>, vector<1x48xf32>
    %add3A_22 = arith.addf %dot_general3A_18, %get3A_21 : vector<1x48xf32>
    %get3A_23 = arith.constant 0 : index
    %get3A_24 = arith.constant 0 : index
    %get3A_25 = arith.constant 0 : index
    %get3A_26 = vector.load %arg1[%get3A_23, %get3A_24, %get3A_25] : memref<2x512x48xf32, #tpu.memory_space<vmem>>, vector<1x512x48xf32>
    %get3A_27 = vector.shape_cast %get3A_26 : vector<1x512x48xf32> to vector<512x48xf32>
    %get3A_28 = arith.constant 1 : index
    %get3A_29 = arith.constant 0 : index
    %get3A_30 = arith.constant 0 : index
    %get3A_31 = vector.load %arg1[%get3A_28, %get3A_29, %get3A_30] : memref<2x512x48xf32, #tpu.memory_space<vmem>>, vector<1x512x48xf32>
    %get3A_32 = vector.shape_cast %get3A_31 : vector<1x512x48xf32> to vector<512x48xf32>
    %add3A_33 = arith.addf %get3A_27, %get3A_32 : vector<512x48xf32>
    %get3A_34 = arith.constant 0 : index
    %get3A_35 = arith.constant 0 : index
    %get3A_36 = vector.load %arg2[%get3A_34, %get3A_35] : memref<512x48xf32, #tpu.memory_space<vmem>>, vector<512x48xf32>
    %add3A_37 = arith.addf %add3A_33, %get3A_36 : vector<512x48xf32>
    %mul3A = vector.broadcast %rsqrt3A : vector<512x1xf32> to vector<512x48xf32>
    %mul3A_38 = arith.mulf %mul3A, %add3A_37 : vector<512x48xf32>
    %add3A_39 = vector.broadcast %add3A_22 : vector<1x48xf32> to vector<512x48xf32>
    %add3A_40 = arith.addf %mul3A_38, %add3A_39 : vector<512x48xf32>
    %iota3A = tpu.iota {dimensions = array<i32: 1>} : vector<512x48xi32>
    %lt3A = arith.constant 40 : i32
    %lt3A_41 = vector.broadcast %lt3A : i32 to vector<512x48xi32>
    %lt3A_42 = arith.cmpi slt, %iota3A, %lt3A_41 : vector<512x48xi32>
    %jit3A = arith.constant -1.000000e+30 : f32
    %broadcast_in_dim3A = vector.broadcast %jit3A : f32 to vector<512x48xf32>
    %select_n3A = arith.select %lt3A_42, %add3A_40, %broadcast_in_dim3A : vector<512x48xi1>, vector<512x48xf32>
    %reduce_max3A = arith.constant dense<0xFF800000> : vector<512xf32>
    %reduce_max3A_43 = vector.multi_reduction <maximumf>, %select_n3A, %reduce_max3A [1] : vector<512x48xf32> to vector<512xf32>
    %broadcast_in_dim3A_44 = vector.shape_cast %reduce_max3A_43 : vector<512xf32> to vector<512x1xf32>
    %sub3A = vector.broadcast %broadcast_in_dim3A_44 : vector<512x1xf32> to vector<512x48xf32>
    %sub3A_45 = arith.subf %select_n3A, %sub3A : vector<512x48xf32>
    %exp3A = math.exp %sub3A_45 : vector<512x48xf32>
    %jit3A_46 = arith.constant 0.000000e+00 : f32
    %broadcast_in_dim3A_47 = vector.broadcast %jit3A_46 : f32 to vector<512x48xf32>
    %select_n3A_48 = arith.select %lt3A_42, %exp3A, %broadcast_in_dim3A_47 : vector<512x48xi1>, vector<512x48xf32>
    %reduce_sum3A = arith.constant dense<0.000000e+00> : vector<512xf32>
    %reduce_sum3A_49 = vector.multi_reduction <add>, %select_n3A_48, %reduce_sum3A [1] : vector<512x48xf32> to vector<512xf32>
    %broadcast_in_dim3A_50 = vector.shape_cast %reduce_sum3A_49 : vector<512xf32> to vector<512x1xf32>
    %sub3A_51 = vector.broadcast %broadcast_in_dim3A_44 : vector<512x1xf32> to vector<512x48xf32>
    %sub3A_52 = arith.subf %add3A_40, %sub3A_51 : vector<512x48xf32>
    %log3A = math.log %broadcast_in_dim3A_50 : vector<512x1xf32>
    %sub3A_53 = vector.broadcast %log3A : vector<512x1xf32> to vector<512x48xf32>
    %sub3A_54 = arith.subf %sub3A_52, %sub3A_53 : vector<512x48xf32>
    %swap3A = arith.constant 0 : index
    %swap3A_55 = arith.constant 0 : index
    %swap3A_56 = vector.load %arg7[%swap3A, %swap3A_55] : memref<512x48xf32, #tpu.memory_space<vmem>>, vector<512x48xf32>
    tpu.vector_store %arg7[%swap3A, %swap3A_55], %sub3A_54 {strides = array<i32>} : memref<512x48xf32, #tpu.memory_space<vmem>>, vector<512x48xf32>,
    return
  }
  func.func @transform_0(%arg0: i32) -> (i32, i32, i32) {
    %c0_i32 = arith.constant 0 : i32
    %c0_i32_0 = arith.constant 0 : i32
    %c0_i32_1 = arith.constant 0 : i32
    return %c0_i32, %arg0, %c0_i32_0 : i32, i32, i32
  }
  func.func @transform_1(%arg0: i32) -> (i32, i32) {
    %c0_i32 = arith.constant 0 : i32
    %c0_i32_0 = arith.constant 0 : i32
    return %arg0, %c0_i32 : i32, i32
  }
  func.func @transform_2(%arg0: i32) -> (i32, i32, i32) {
    %c0_i32 = arith.constant 0 : i32
    %c0_i32_0 = arith.constant 0 : i32
    %c0_i32_1 = arith.constant 0 : i32
    return %c0_i32, %arg0, %c0_i32_0 : i32, i32, i32
  }
  func.func @transform_3(%arg0: i32) -> (i32, i32) {
    %c0_i32 = arith.constant 0 : i32
    %c0_i32_0 = arith.constant 0 : i32
    %c0_i32_1 = arith.constant 0 : i32
    return %c0_i32, %c0_i32_0 : i32, i32
  }
  func.func @transform_4(%arg0: i32) -> (i32, i32) {
    %c0_i32 = arith.constant 0 : i32
    %c0_i32_0 = arith.constant 0 : i32
    %c0_i32_1 = arith.constant 0 : i32
    return %c0_i32, %c0_i32_0 : i32, i32
  }
  func.func @transform_5(%arg0: i32) -> (i32, i32) {
    %c0_i32 = arith.constant 0 : i32
    %c0_i32_0 = arith.constant 0 : i32
    %c0_i32_1 = arith.constant 0 : i32
    return %c0_i32, %c0_i32_0 : i32, i32
  }
  func.func @transform_6(%arg0: i32) -> (i32, i32) {
    %c0_i32 = arith.constant 0 : i32
    %c0_i32_0 = arith.constant 0 : i32
    return %arg0, %c0_i32 : i32, i32
  }
}

</mosaic_0001>

<sc_bundles>
// kernel: kernel.11.cloned.1.call-start
scs
__scs_entry_jumppad:
0x0: {  	(pc) =	sbr.rel $0x88, $3  }
0x1: {  	(tag) =	ssettag $0x0;
	lr =	simm.s32 $0x1  }
0x2: {  	[smem:$0x3F99] =	sst lr;
	_ =	strace $0xD0000000  }
0x3: {  	_ = 	snop  }
0x4: {  	_ = 	snop  }
0x5: {  	_ = 	snop  }
0x6: {  	_ = 	snop  }
0x7: {  	_ = 	snop  }
__scs_overlays_trampoline_lowered:
0x8: {  	[smem:$0x3FA8] =	sst s0  }
0x9: {  	[smem:$0x3FA9] =	sst s1  }
0xa: {  	[smem:$0x3FAA] =	sst s2  }
0xb: {  	[smem:$0x3FAB] =	sst s3  }
0xc: {  	[smem:$0x3FAC] =	sst s4  }
0xd: {  	[smem:$0x3FAD] =	sst s5  }
0xe: {  	[smem:$0x3FAE] =	sst s6  }
0xf: {  	[smem:$0x3FAF] =	sst s7  }
0x10: {  	[smem:$0x3FB0] =	sst s8  }
0x11: {  	[smem:$0x3FB1] =	sst s9;
	s0 =	simm.s32 @!p0 $0x0  }
0x12: {  	s1 =	sld [smem:$0x3F97];
	s0 =	simm.s32 @p0 $0x1  }
0x13: {  	[smem:$0x3FB2] =	sst s0;
	s0 =	simm.s32 @!p1 $0x0  }
0x14: {  	s2 =	sld [smem:$0x3F96];
	s0 =	simm.s32 @p1 $0x1  }
0x15: {  	[smem:$0x3FB3] =	sst s0;
	s0 =	simm.s32 @!p2 $0x0  }
0x16: {  	s3 =	sld [smem:$0x3FDB];
	s0 =	simm.s32 @p2 $0x1  }
0x17: {  	s4 =	simm.s32 $0x1BF5;
	[smem:$0x3FB5] =	sst s0  }
0x18: {  	s0 =	sld [smem:$0x3F98];
	_ =	swait.ge [sflag:s4], $0x0  }
0x19: {  	s7 =	sld [smem:$0x3F99]  }
0x1a: {  	s8 =	sadd.s32 $0xFFFFE003, lr  }
0x1b: {  	s9 =	sadd.s32 $0xFFFFFEF7, lr;
	s5 =	simm.s32 $0xFFFFFFFF;
	p2 =	slt.u32 s8, $0xFFFFF086  }
0x1c: {  	p1 =	slt.u32 s9, $0xF7A;
	s5 =	simm.s32 @!p2 $0x0  }
0x1d: {  	s5 =	simm.s32 @p1 $0x1;
	p0 =	seq.s32 s7, s2  }
0x1e: {  	s7 =	smul.u32 @!p0 $0xF7A, s2;
	p2 =	seq.s32 @!p0 s5, $0x0  }
0x1f: {  	s9 =	smul.u32 $0xF7A, s1;
	s8 =	simm.s32 @!p0 $0x1BF5;
	p2 =	por !p2, p0  }
0x20: {  	[sflag:s8] =	ssyncset.s32 @!p0 $0xFFFFF086;
	s6 =	sadd.s32 @!p0 s3, s7;
	s7 =	simm.s32 @!p0 $0x108  }
0x21: {  	s3 =	sadd.s32 s3, s9;
	s6 =	sadd.s32 @!p0 $0x88, s6;
	s7 =	simm.s32 @p2 $0x1082  }
0x22: {  	[simem:s7], [sflag:s8] =	dma.local @!p0 [hbm:s6], $0xF7A  }
0x23: {  	s9 =	sor.u32 $0xD0000000, s2;
	s6 =	simm.s32 $0x108;
	_ =	swait.ge @!p0 [sflag:s8], $0x0  }
0x24: {  	s3 =	sadd.s32 $0x88, s3;
	s6 =	simm.s32 @!p1 $0x1082;
	[sflag:s4] =	ssyncset.s32 $0xFFFFF086  }
0x25: {  	[simem:s6], [sflag:s4] =	dma.local [hbm:s3], $0xF7A  }
0x26: {  	[smem:$0x3F99] =	sst s1;
	(tag) =	ssettag s2;
	_ =	strace s9  }
0x27: {  	s1 =	sld [smem:$0x3FA9]  }
0x28: {  	s2 =	sld [smem:$0x3FAA]  }
0x29: {  	s4 =	sld [smem:$0x3FAC]  }
0x2a: {  	p0 =	seq.s32 s5, $0x0;
	s5 =	sld [smem:$0x3FAD]  }
0x2b: {  	s6 =	sld [smem:$0x3FAE]  }
0x2c: {  	s7 =	sld [smem:$0x3FAF]  }
0x2d: {  	s3 =	simm.s32 $0x108;
	s8 =	sld [smem:$0x3FB0]  }
0x2e: {  	s3 =	simm.s32 @!p0 $0x1082;
	s9 =	sld [smem:$0x3FB1]  }
0x2f: {  	lr =	sadd.s32 s0, s3;
	s0 =	sld [smem:$0x3FA8]  }
0x30: {  	s3 =	sld [smem:$0x3FAB]  }
0x31: {  	[smem:$0x3FB4] =	sst s10  }
0x32: {  	s10 =	sld [smem:$0x3FB2];
	_ =	sdelay $0x3  }
0x33: {  	p0 =	seq.s32 s10, $0x1;
	s10 =	sld [smem:$0x3FB4];
	_ =	sdelay $0x3  }
0x34: {  	[smem:$0x3FB4] =	sst s10  }
0x35: {  	s10 =	sld [smem:$0x3FB3];
	_ =	sdelay $0x3  }
0x36: {  	p1 =	seq.s32 s10, $0x1;
	s10 =	sld [smem:$0x3FB4];
	_ =	sdelay $0x3  }
0x37: {  	[smem:$0x3FB4] =	sst s10  }
0x38: {  	s10 =	sld [smem:$0x3FB5]  }
0x39: {  	_ = 	snop;
	(pc) =	sbr.ind lr, $3  }
0x3a: {  	_ = 	snop  }
0x3b: {  	_ = 	snop  }
0x3c: {  	p2 =	seq.s32 s10, $0x1;
	s10 =	sld [smem:$0x3FB4]  }
0x3d: {  	_ =	shalt  }
0x3e: {  	_ =	shalt  }
0x3f: {  	_ =	shalt  }
0x40: {  	_ =	shalt  }
0x41: {  	_ =	shalt  }
0x42: {  	_ =	shalt  }
0x43: {  	_ =	shalt  }
0x44: {  	_ =	shalt  }
0x45: {  	_ =	shalt  }
0x46: {  	_ =	shalt  }
0x47: {  	_ =	shalt  }
0x48: {  	_ =	shalt  }
0x49: {  	_ =	shalt  }
0x4a: {  	_ =	shalt  }
0x4b: {  	_ =	shalt  }
0x4c: {  	_ =	shalt  }
0x4d: {  	_ =	shalt  }
0x4e: {  	_ =	shalt  }
0x4f: {  	_ =	shalt  }
0x50: {  	_ =	shalt  }
0x51: {  	_ =	shalt  }
0x52: {  	_ =	shalt  }
0x53: {  	_ =	shalt  }
0x54: {  	_ =	shalt  }
0x55: {  	_ =	shalt  }
0x56: {  	_ =	shalt  }
0x57: {  	_ =	shalt  }
0x58: {  	_ =	shalt  }
0x59: {  	_ =	shalt  }
0x5a: {  	_ =	shalt  }
0x5b: {  	_ =	shalt  }
0x5c: {  	_ =	shalt  }
0x5d: {  	_ =	shalt  }
0x5e: {  	_ =	shalt  }
0x5f: {  	_ =	shalt  }
0x60: {  	_ =	shalt  }
0x61: {  	_ =	shalt  }
0x62: {  	_ =	shalt  }
0x63: {  	_ =	shalt  }
0x64: {  	_ =	shalt  }
0x65: {  	_ =	shalt  }
0x66: {  	_ =	shalt  }
0x67: {  	_ =	shalt  }
0x68: {  	_ =	shalt  }
0x69: {  	_ =	shalt  }
0x6a: {  	_ =	shalt  }
0x6b: {  	_ =	shalt  }
0x6c: {  	_ =	shalt  }
0x6d: {  	_ =	shalt  }
0x6e: {  	_ =	shalt  }
0x6f: {  	_ =	shalt  }
0x70: {  	_ =	shalt  }
0x71: {  	_ =	shalt  }
0x72: {  	_ =	shalt  }
0x73: {  	_ =	shalt  }
0x74: {  	_ =	shalt  }
0x75: {  	_ =	shalt  }
0x76: {  	_ =	shalt  }
0x77: {  	_ =	shalt  }
0x78: {  	_ =	shalt  }
0x79: {  	_ =	shalt  }
0x7a: {  	_ =	shalt  }
0x7b: {  	_ =	shalt  }
0x7c: {  	_ =	shalt  }
0x7d: {  	_ =	shalt  }
0x7e: {  	_ =	shalt  }
0x7f: {  	_ =	shalt  }
0x80: {  	_ =	shalt  }
0x81: {  	_ =	shalt  }
0x82: {  	_ =	shalt  }
0x83: {  	_ =	shalt  }
0x84: {  	_ =	shalt  }
0x85: {  	_ =	shalt  }
0x86: {  	_ =	shalt  }
0x87: {  	_ =	shalt  }
.Lfunc_end0:
.L_simem_size_0:
called_computation.1_lowered:
.L_overlay_start_0:
0x88: {  	s2 =	sld [smem:$0x3FD9]  }
0x89: {  	s3 =	sld [smem:$0x3FFE];
	_ =	sdelay $0x1  }
0x8a: {  	s1 =	srdreg.scid  }
0x8b: {  	s0 =	sand.u32 $0x1, s1  }
0x8c: {  	s17 =	sshll.u32 s0, $0xA;
	s2 =	sadd.s32 s3, s2  }
0x8d: {  	s2 =	sadd.s32 s2, s17  }
0x8e: {  	[smem:$0x3FC0] =	sst s2  }
0x8f: {  	_ = 	snop  }
0x90: {  	s2 =	sld [smem:$0x3FD0];
	(tm) =	ssettm $0x1  }
0x91: {  	s18 =	sld [smem:$0x3FFB];
	_ =	sdelay $0x3  }
0x92: {  	_ =	strace s18  }
0x93: {  	s3 =	sld [smem:$0x3FFC];
	_ =	sdelay $0x3  }
0x94: {  	_ =	strace s3  }
0x95: {  	s3 =	sld [smem:$0x3FFD];
	_ =	sdelay $0x3  }
0x96: {  	_ =	strace s3  }
0x97: {  	_ =	strace $0x8FFFFFFF  }
0x98: {  	s19 =	sld [smem:$0x3FDB];
	_ =	sdelay $0x1  }
0x99: {  	s4 =	simm.s32 $_scs_section_size  }
0x9a: {  	s5 =	simm.s32 $_size__tile_overlayer_lowered;
	s6 =	simm.s32 $_tile_overlayer_lowered  }
0x9b: {  	s22 =	simm.s32 $0x1BFF;
	s21 =	sshll.u32 s6, $0x1;
	s3 =	sadd.s32 s4, s19  }
0x9c: {  	s7 =	simm.s32 $0x0;
	s20 =	sshll.u32 s5, $0x1;
	s5 =	sadd.s32 s21, s3  }
0x9d: {  	[timem:s7], [sflag:s22] =	dma.local [hbm:s5], s20  }
0x9e: {  	_ =	swait.ge [sflag:s22], s20  }
0x9f: {  	s4 =	ssub.s32 $0x0, s20;
	[sflag:s22] =	ssyncset.done $0x0  }
0xa0: {  	[sflag:s22] =	ssyncadd.s32 s4;
	_ =	sdelay $0x1  }
0xa1: {  	s23 =	simm.s32 $0x1B8B  }
0xa2: {  	_ =	swait.ge [sflag:s23], $0x1  }
0xa3: {  	[sflag:s23] =	ssyncset.done $0x0  }
0xa4: {  	s25 =	simm.s32 $0x1B8E;
	s24 =	sld [smem:$0x3FFE];
	[sflag:s23] =	ssyncadd.s32 $0xFFFFFFFF  }
0xa5: {  	s26 =	simm.s32 $execute0_lowered;
	[smem:$0x3FD2] =	sst s25  }
0xa6: {  	s5 =	sshll.u32 s26, $0x1;
	_ =	strace $0x80000049;
	[dreg:$0x1] =	wrdreg $0xFFFFFFFF  }
0xa7: {  	s28 =	simm.s32 $_size_execute0_lowered;
	s3 =	sadd.s32 s3, s5;
	[dreg:$0x0] =	wrdreg $0x0  }
0xa8: {  	s5 =	sshll.u32 s28, $0x1;
	[dreg:$0x2] =	wrdreg s3  }
0xa9: {  	[dreg:$0x3] =	wrdreg s5  }
0xaa: {  	[dreg:$0x4] =	wrdreg $0xC0  }
0xab: {  	_ =	task [dreg:s7], $0x5FFFF  }
0xac: {  	[dreg:$0x1] =	wrdreg $0xFFFFFFFF  }
0xad: {  	[dreg:$0x0] =	wrdreg $0x60  }
0xae: {  	[dreg:$0x2] =	wrdreg s24  }
0xaf: {  	[dreg:$0x3] =	wrdreg s2  }
0xb0: {  	[dreg:$0x4] =	wrdreg $0x140000  }
0xb1: {  	[dreg:$0x5] =	wrdreg $0x9  }
0xb2: {  	_ =	task.clear_ibuf [dreg:s7], $0x6FFFF;
	_ =	strace $0x90000049  }
0xb3: {  	s29 =	simm.s32 $0x9;
	_ =	strace $0x8000004B  }
0xb4: {  	_ =	swait.ge [sflag:s29], $0x1  }
0xb5: {  	[sflag:s29] =	ssyncadd.s32 $0xFFFFFFFF  }
0xb6: {  	_ =	strace $0x9000004B  }
0xb7: {  	_ =	sfence  }
0xb8: {  	s30 =	sld [smem:$0x0];
	_ =	sdelay $0x2  }
0xb9: {  	s31 =	sshll.u32 s1, $0xD;
	s1 =	sshrl.u32 s1, $0x2  }
0xba: {  	s3 =	sand.u32 $0x4000, s31;
	s1 =	sadd.s32 s1, s30  }
0xbb: {  	s0 =	sor.u32 s3, s0;
	s1 =	sshll.u32 s1, $0x11  }
0xbc: {  	s0 =	sor.u32 s1, s0  }
0xbd: {  	s0 =	sadd.s32 $0x8F2B, s0  }
0xbe: {  	[sflag:s0] =	ssyncadd.remote.s32 $0x1  }
0xbf: {  	_ =	sfence.sel $0xFFFF  }
0xc0: {  	[dreg:$0x0] =	wrdreg $0xFFFFFFFF;
	(pc) =	sbr.abs _section_cstart, $3  }
0xc1: {  	[dreg:$0x1] =	wrdreg $0xFFFFFFFF  }
0xc2: {  	_ =	task.clear_ibuf [dreg:s7], $0x2FFFF;
	_ =	strace $0x9FFFFFFF  }
0xc3: {  	(tm) =	ssettm $0x7FFFFFFF  }
tec
execute0_lowered:
.L_overlay_start_1:
0x0: {  	(tag) =	ssettag $0x1  }
0x1: {  	s0 =	rddreg [dreg:$0x0]  }
0x2: {  	s1 =	rddreg [dreg:$0x1];
	s3 =	srdreg.scid  }
0x3: {  	s11 =	stileid.u32;
	s2 =	rddreg [dreg:$0x2]  }
0x4: {  	s28 =	simm.s32 $0xA000;
	s29 =	simm.s32 $0xC000;
	s7 =	smul.u32 $0x5000, s11  }
0x5: {  	s30 =	simm.s32 $0xE000;
	s31 =	simm.s32 $0x10000;
	s9 =	smul.u32 $0x28000, s11  }
0x6: {  	s6 =	sand.u32 $0x1, s3;
	s3 =	simm.s32 $0x0;
	s26 =	smul.u32 $0xA000, s11  }
0x7: {  	s4 =	smul.u32 $0x50000, s6;
	[smem:$0x7FF] =	sst s3;
	s8 =	ssub.s32 $0x2, s6  }
0x8: {  	s11 =	smul.u32 $0xA0000, s6;
	_ =	strace $0x8000004A;
	s24 =	sshrl.u32 s8, $0x1  }
0x9: {  	s25 =	sshrl.u32 s9, $0x2;
	s15 =	sadd.s32 s26, s2;
	s20 =	sadd.s32 $0x2000, s26  }
0xa: {  	s23 =	sadd.s32 $0x4000, s26;
	s9 =	sadd.s32 $0x8000, s26;
	s4 =	sadd.s32 s7, s4  }
0xb: {  	s8 =	ssub.s32 s8, s24;
	s7 =	sshrl.u32 s7, $0x3;
	[dreg:$0x6] =	wrdreg s15  }
0xc: {  	s19 =	sadd.s32 s11, s26;
	s21 =	sadd.s32 s11, s20;
	s15 =	sadd.s32 s20, s2  }
0xd: {  	s24 =	sadd.s32 $0x6000, s26;
	s5 =	sshrl.u32 s4, $0x3;
	s4 =	sadd.s32 $0x6FA00, s0  }
0xe: {  	s1 =	sadd.s32 s1, s7;
	s16 =	smax.u32 s8, $0x1;
	s6 =	sshrl.u32 s19, $0x3  }
0xf: {  	s22 =	sshrl.u32 s21, $0x3;
	s19 =	sadd.s32 s24, s2;
	s21 =	sadd.s32 s9, s2  }
0x10: {  	s7 =	simm.s32 $0x0;
	s10 =	sadd.s32 s5, s0;
	[dreg:$0x4] =	wrdreg s1  }
0x11: {  	s0 =	sadd.s32 $0x97A00, s0;
	s5 =	sadd.s32 s25, s2;
	[dreg:$0x7] =	wrdreg s16  }
0x12: {  	s25 =	sadd.s32 s11, s24;
	s1 =	sadd.s32 s11, s9;
	s24 =	simm.s32 $0x5  }
0x13: {  	s10 =	sadd.s32 $0xBA00, s10;
	s17 =	sadd.s32 $0x2000, s5;
	s18 =	sadd.s32 $0x4000, s5  }
0x14: {  	s12 =	sadd.s32 $0x6000, s5;
	s13 =	sadd.s32 $0x8000, s5;
	s14 =	sadd.s32 s0, s6  }
0x15: {  	s16 =	sadd.s32 s0, s22;
	s6 =	sadd.s32 s11, s23;
	[dreg:$0x5] =	wrdreg s10  }
0x16: {  	s26 =	sshrl.u32 s25, $0x3;
	s1 =	sshrl.u32 s1, $0x3;
	[dreg:$0x8] =	wrdreg s17  }
0x17: {  	s25 =	simm.s32 $0x3;
	[dreg:$0x9] =	wrdreg s18;
	s17 =	sadd.s32 s23, s2  }
0x18: {  	s6 =	sshrl.u32 s6, $0x3;
	s20 =	sadd.s32 s0, s26;
	s22 =	sadd.s32 s0, s1  }
0x19: {  	s23 =	simm.s32 $0x12000;
	s26 =	simm.s32 $0x80;
	s1 =	simm.s32 $0x1  }
0x1a: {  	v0 =	vimm.f32 $0.0e+00;
	s18 =	sadd.s32 s0, s6;
	s0 =	simm.s32 $0x2;
	s6 =	simm.s32 $0x4  }
.LBB2_1:
0x1b: {  	s9 =	simm.s32 $0x100;
	s8 =	simm.s32 $0x0  }
.LBB2_2:
0x1c: {  	p0 =	sne.s32 s9, $0x7F00;
	[tilespmem:s8+$0x12030] =	vst v0;
	s10 =	smov.u32 s9;
	s9 =	sadd.s32 $0x100, s9  }
.Ltmp0:
0x1d: {  	[tilespmem:s8+$0x12020] =	vst v0;
	(pc) =	sbr.rel @p0 .LBB2_2-.Ltmp0, $3  }
0x1e: {  	[tilespmem:s8+$0x12000] =	vst v0  }
0x1f: {  	[tilespmem:s8+$0x12010] =	vst v0;
	_ =	sdelay $0x1  }
0x20: {  	s8 =	sshra.s32 s10, $0x2  }
0x21: {  	[tilespmem:s8+$0x12030] =	vst v0  }
0x22: {  	[tilespmem:s8+$0x12020] =	vst v0  }
0x23: {  	[tilespmem:s8+$0x12000] =	vst v0  }
0x24: {  	[tilespmem:s8+$0x12010] =	vst v0  }
0x25: {  	[spmem:s5] =	stream.linear.scatter [tilespmem:s23], [sflag:$0x5], $0x2000, $0x38;
	[tilespmem:$0x1E000] =	vst v63  }
0x26: {  	_ =	swait.ge [sflag:s24], $0x2000  }
0x27: {  	[sflag:s24] =	ssyncset.done $0x0  }
0x28: {  	s9 =	rddreg [dreg:$0x8];
	[sflag:s24] =	ssyncadd.s32 $0xFFFFE000  }
0x29: {  	[spmem:s9] =	stream.linear.scatter [tilespmem:s23], [sflag:$0x5], $0x2000, $0x38;
	[tilespmem:$0x1E000] =	vst v63  }
0x2a: {  	_ =	swait.ge [sflag:s24], $0x2000  }
0x2b: {  	[sflag:s24] =	ssyncset.done $0x0  }
0x2c: {  	s10 =	rddreg [dreg:$0x9];
	[sflag:s24] =	ssyncadd.s32 $0xFFFFE000  }
0x2d: {  	[spmem:s10] =	stream.linear.scatter [tilespmem:s23], [sflag:$0x5], $0x2000, $0x38;
	[tilespmem:$0x1E000] =	vst v63  }
0x2e: {  	_ =	swait.ge [sflag:s24], $0x2000  }
0x2f: {  	[sflag:s24] =	ssyncset.done $0x0  }
0x30: {  	[sflag:s24] =	ssyncadd.s32 $0xFFFFE000  }
0x31: {  	[spmem:s12] =	stream.linear.scatter [tilespmem:s23], [sflag:$0x5], $0x2000, $0x38;
	[tilespmem:$0x1E000] =	vst v63  }
0x32: {  	_ =	swait.ge [sflag:s24], $0x2000  }
0x33: {  	[sflag:s24] =	ssyncset.done $0x0  }
0x34: {  	[sflag:s24] =	ssyncadd.s32 $0xFFFFE000  }
0x35: {  	[spmem:s13] =	stream.linear.scatter [tilespmem:s23], [sflag:$0x5], $0x2000, $0x38;
	[tilespmem:$0x1E000] =	vst v63  }
0x36: {  	_ =	swait.ge [sflag:s24], $0x2000  }
0x37: {  	s8 =	simm.s32 $0x0;
	[sflag:s24] =	ssyncset.done $0x0  }
0x38: {  	s10 =	simm.s32 $0x5000;
	s9 =	rddreg [dreg:$0x4];
	[sflag:s24] =	ssyncadd.s32 $0xFFFFE000  }
0x39: {  	[tilespmem:s10], [sflag:$0x5] =	stream.linear.gather [hbm4b:s9+s8], $0x5000, $0x38;
	[tilespmem:$0x1E000] =	vst v63  }
0x3a: {  	_ =	swait.ge [sflag:s24], $0x5000  }
0x3b: {  	[sflag:s24] =	ssyncset.done $0x0  }
0x3c: {  	s11 =	rddreg [dreg:$0x5];
	[sflag:s24] =	ssyncadd.s32 $0xFFFFB000  }
0x3d: {  	[tilespmem:s8], [sflag:$0x5] =	stream.linear.gather [hbm4b:s11+s8], $0x5000, $0x38;
	[tilespmem:$0x1E000] =	vst v63  }
0x3e: {  	_ =	swait.ge [sflag:s24], $0x5000  }
0x3f: {  	[sflag:s24] =	ssyncset.done $0x0  }
0x40: {  	[sflag:s24] =	ssyncadd.s32 $0xFFFFB000  }
0x41: {  	s10 =	simm.s32 $0x0;
	[bflag:$0x0] =	sbarrier.arrive $0xFFFF  }
0x42: {  	[tilespmem:s28], [sflag:$0x1] =	stream.indirect.gather [hbm4b:s4+s26], $0x40, s10, s26, $0xb8;
	[tilespmem:$0x1E000] =	vst v63  }
0x43: {  	s11 =	simm.s32 $0x80  }
0x44: {  	[tilespmem:s29], [sflag:$0x2] =	stream.indirect.gather [hbm4b:s4+s26], $0x40, s11, s26, $0xb8;
	[tilespmem:$0x1E000] =	vst v63  }
0x45: {  	s9 =	simm.s32 $0x100  }
0x46: {  	[tilespmem:s30], [sflag:$0x3] =	stream.indirect.gather [hbm4b:s4+s26], $0x40, s9, s26, $0xb8;
	[tilespmem:$0x1E000] =	vst v63  }
0x47: {  	s10 =	simm.s32 $0x180  }
0x48: {  	[tilespmem:s31], [sflag:$0x4] =	stream.indirect.gather [hbm4b:s4+s26], $0x40, s10, s26, $0xb8;
	[tilespmem:$0x1E000] =	vst v63  }
0x49: {  	_ =	swait.ge [sflag:s1], $0x2000  }
0x4a: {  	[sflag:s1] =	ssyncset.done $0x0  }
0x4b: {  	s11 =	simm.s32 $0x5000;
	[sflag:s1] =	ssyncadd.s32 $0xFFFFE000  }
0x4c: {  	[spmem:s2] =	stream.indirect.scatter.add.f32 [tilespmem:s28], [sflag:$0x5], $0x40, s11, s26, $0xb8;
	[tilespmem:$0x1E000] =	vst v63  }
0x4d: {  	_ =	swait.ge [sflag:s24], $0x2000  }
0x4e: {  	[sflag:s24] =	ssyncset.done $0x0  }
0x4f: {  	[sflag:s24] =	ssyncadd.s32 $0xFFFFE000  }
0x50: {  	_ =	swait.ge [sflag:s0], $0x2000  }
0x51: {  	[sflag:s0] =	ssyncset.done $0x0  }
0x52: {  	s9 =	simm.s32 $0x5080;
	[sflag:s0] =	ssyncadd.s32 $0xFFFFE000  }
0x53: {  	[spmem:s2] =	stream.indirect.scatter.add.f32 [tilespmem:s29], [sflag:$0x5], $0x40, s9, s26, $0xb8;
	[tilespmem:$0x1E000] =	vst v63  }
0x54: {  	_ =	swait.ge [sflag:s24], $0x2000  }
0x55: {  	[sflag:s24] =	ssyncset.done $0x0  }
0x56: {  	[sflag:s24] =	ssyncadd.s32 $0xFFFFE000  }
0x57: {  	_ =	swait.ge [sflag:s25], $0x2000  }
0x58: {  	[sflag:s25] =	ssyncset.done $0x0  }
0x59: {  	s10 =	simm.s32 $0x5100;
	[sflag:s25] =	ssyncadd.s32 $0xFFFFE000  }
0x5a: {  	[spmem:s2] =	stream.indirect.scatter.add.f32 [tilespmem:s30], [sflag:$0x5], $0x40, s10, s26, $0xb8;
	[tilespmem:$0x1E000] =	vst v63  }
0x5b: {  	_ =	swait.ge [sflag:s24], $0x2000  }
0x5c: {  	[sflag:s24] =	ssyncset.done $0x0  }
0x5d: {  	[sflag:s24] =	ssyncadd.s32 $0xFFFFE000  }
0x5e: {  	_ =	swait.ge [sflag:s6], $0x2000  }
0x5f: {  	[sflag:s6] =	ssyncset.done $0x0  }
0x60: {  	s11 =	simm.s32 $0x5180;
	[sflag:s6] =	ssyncadd.s32 $0xFFFFE000  }
0x61: {  	[spmem:s2] =	stream.indirect.scatter.add.f32 [tilespmem:s31], [sflag:$0x5], $0x40, s11, s26, $0xb8;
	[tilespmem:$0x1E000] =	vst v63  }
0x62: {  	_ =	swait.ge [sflag:s24], $0x2000  }
0x63: {  	s8 =	simm.s32 $0x800;
	s9 =	simm.s32 $0x1000;
	[sflag:s24] =	ssyncset.done $0x0  }
.LBB2_4:
0x64: {  	s10 =	sshra.s32 s8, $0x2  }
0x65: {  	[sflag:s24] =	ssyncadd.s32 $0xFFFFE000;
	s8 =	smov.u32 s9;
	s11 =	sadd.s32 $0x800, s9  }
0x66: {  	[tilespmem:s28], [sflag:$0x1] =	stream.indirect.gather [hbm4b:s4+s26], $0x40, s10, s26, $0xb8;
	[tilespmem:$0x1E000] =	vst v63  }
0x67: {  	p0 =	sne.s32 s9, $0x13800;
	s9 =	sadd.s32 $0x80, s10  }
0x68: {  	[tilespmem:s29], [sflag:$0x2] =	stream.indirect.gather [hbm4b:s4+s26], $0x40, s9, s26, $0xb8;
	[tilespmem:$0x1E000] =	vst v63  }
0x69: {  	s9 =	sadd.s32 $0x100, s10  }
0x6a: {  	[tilespmem:s30], [sflag:$0x3] =	stream.indirect.gather [hbm4b:s4+s26], $0x40, s9, s26, $0xb8;
	[tilespmem:$0x1E000] =	vst v63  }
0x6b: {  	s9 =	sadd.s32 $0x180, s10  }
0x6c: {  	[tilespmem:s31], [sflag:$0x4] =	stream.indirect.gather [hbm4b:s4+s26], $0x40, s9, s26, $0xb8;
	[tilespmem:$0x1E000] =	vst v63  }
0x6d: {  	_ =	swait.ge [sflag:s1], $0x2000  }
0x6e: {  	[sflag:s1] =	ssyncset.done $0x0  }
0x6f: {  	s9 =	sadd.s32 $0x5000, s10;
	[sflag:s1] =	ssyncadd.s32 $0xFFFFE000  }
0x70: {  	[spmem:s2] =	stream.indirect.scatter.add.f32 [tilespmem:s28], [sflag:$0x5], $0x40, s9, s26, $0xb8;
	[tilespmem:$0x1E000] =	vst v63  }
0x71: {  	_ =	swait.ge [sflag:s24], $0x2000  }
0x72: {  	[sflag:s24] =	ssyncset.done $0x0  }
0x73: {  	[sflag:s24] =	ssyncadd.s32 $0xFFFFE000  }
0x74: {  	_ =	swait.ge [sflag:s0], $0x2000  }
0x75: {  	[sflag:s0] =	ssyncset.done $0x0  }
0x76: {  	s9 =	sadd.s32 $0x5080, s10;
	[sflag:s0] =	ssyncadd.s32 $0xFFFFE000  }
0x77: {  	[spmem:s2] =	stream.indirect.scatter.add.f32 [tilespmem:s29], [sflag:$0x5], $0x40, s9, s26, $0xb8;
	[tilespmem:$0x1E000] =	vst v63  }
0x78: {  	_ =	swait.ge [sflag:s24], $0x2000  }
0x79: {  	[sflag:s24] =	ssyncset.done $0x0  }
0x7a: {  	[sflag:s24] =	ssyncadd.s32 $0xFFFFE000  }
0x7b: {  	_ =	swait.ge [sflag:s25], $0x2000  }
0x7c: {  	[sflag:s25] =	ssyncset.done $0x0  }
0x7d: {  	s9 =	sadd.s32 $0x5100, s10;
	[sflag:s25] =	ssyncadd.s32 $0xFFFFE000  }
0x7e: {  	[spmem:s2] =	stream.indirect.scatter.add.f32 [tilespmem:s30], [sflag:$0x5], $0x40, s9, s26, $0xb8;
	[tilespmem:$0x1E000] =	vst v63  }
0x7f: {  	_ =	swait.ge [sflag:s24], $0x2000  }
0x80: {  	[sflag:s24] =	ssyncset.done $0x0  }
0x81: {  	[sflag:s24] =	ssyncadd.s32 $0xFFFFE000  }
0x82: {  	_ =	swait.ge [sflag:s6], $0x2000  }
.Ltmp1:
0x83: {  	[sflag:s6] =	ssyncset.done $0x0;
	(pc) =	sbr.rel @p0 .LBB2_4-.Ltmp1, $4  }
0x84: {  	s9 =	sadd.s32 $0x5180, s10;
	[sflag:s6] =	ssyncadd.s32 $0xFFFFE000  }
0x85: {  	[spmem:s2] =	stream.indirect.scatter.add.f32 [tilespmem:s31], [sflag:$0x5], $0x40, s9, s26, $0xb8;
	[tilespmem:$0x1E000] =	vst v63  }
0x86: {  	_ =	swait.ge [sflag:s24], $0x2000  }
0x87: {  	s9 =	smov.u32 s11;
	[sflag:s24] =	ssyncset.done $0x0  }
0x88: {  	s8 =	sshra.s32 s8, $0x2;
	[sflag:s24] =	ssyncadd.s32 $0xFFFFE000  }
0x89: {  	[tilespmem:s28], [sflag:$0x1] =	stream.indirect.gather [hbm4b:s4+s26], $0x40, s8, s26, $0xb8;
	[tilespmem:$0x1E000] =	vst v63  }
0x8a: {  	s9 =	sadd.s32 $0x80, s8  }
0x8b: {  	[tilespmem:s29], [sflag:$0x2] =	stream.indirect.gather [hbm4b:s4+s26], $0x40, s9, s26, $0xb8;
	[tilespmem:$0x1E000] =	vst v63  }
0x8c: {  	s11 =	sadd.s32 $0x100, s8  }
0x8d: {  	[tilespmem:s30], [sflag:$0x3] =	stream.indirect.gather [hbm4b:s4+s26], $0x40, s11, s26, $0xb8;
	[tilespmem:$0x1E000] =	vst v63  }
0x8e: {  	s10 =	sadd.s32 $0x180, s8  }
0x8f: {  	[tilespmem:s31], [sflag:$0x4] =	stream.indirect.gather [hbm4b:s4+s26], $0x40, s10, s26, $0xb8;
	[tilespmem:$0x1E000] =	vst v63  }
0x90: {  	_ =	swait.ge [sflag:s1], $0x2000  }
0x91: {  	[sflag:s1] =	ssyncset.done $0x0  }
0x92: {  	s11 =	sadd.s32 $0x5000, s8;
	[sflag:s1] =	ssyncadd.s32 $0xFFFFE000  }
0x93: {  	[spmem:s2] =	stream.indirect.scatter.add.f32 [tilespmem:s28], [sflag:$0x5], $0x40, s11, s26, $0xb8;
	[tilespmem:$0x1E000] =	vst v63  }
0x94: {  	_ =	swait.ge [sflag:s24], $0x2000  }
0x95: {  	[sflag:s24] =	ssyncset.done $0x0  }
0x96: {  	[sflag:s24] =	ssyncadd.s32 $0xFFFFE000  }
0x97: {  	_ =	swait.ge [sflag:s0], $0x2000  }
0x98: {  	[sflag:s0] =	ssyncset.done $0x0  }
0x99: {  	s10 =	sadd.s32 $0x5080, s8;
	[sflag:s0] =	ssyncadd.s32 $0xFFFFE000  }
0x9a: {  	[spmem:s2] =	stream.indirect.scatter.add.f32 [tilespmem:s29], [sflag:$0x5], $0x40, s10, s26, $0xb8;
	[tilespmem:$0x1E000] =	vst v63  }
0x9b: {  	_ =	swait.ge [sflag:s24], $0x2000  }
0x9c: {  	[sflag:s24] =	ssyncset.done $0x0  }
0x9d: {  	[sflag:s24] =	ssyncadd.s32 $0xFFFFE000  }
0x9e: {  	_ =	swait.ge [sflag:s25], $0x2000  }
0x9f: {  	[sflag:s25] =	ssyncset.done $0x0  }
0xa0: {  	s11 =	sadd.s32 $0x5100, s8;
	[sflag:s25] =	ssyncadd.s32 $0xFFFFE000  }
0xa1: {  	[spmem:s2] =	stream.indirect.scatter.add.f32 [tilespmem:s30], [sflag:$0x5], $0x40, s11, s26, $0xb8;
	[tilespmem:$0x1E000] =	vst v63  }
0xa2: {  	_ =	swait.ge [sflag:s24], $0x2000  }
0xa3: {  	[sflag:s24] =	ssyncset.done $0x0  }
0xa4: {  	[sflag:s24] =	ssyncadd.s32 $0xFFFFE000  }
0xa5: {  	_ =	swait.ge [sflag:s6], $0x2000  }
0xa6: {  	[sflag:s6] =	ssyncset.done $0x0  }
0xa7: {  	s8 =	sadd.s32 $0x5180, s8;
	[sflag:s6] =	ssyncadd.s32 $0xFFFFE000  }
0xa8: {  	[spmem:s2] =	stream.indirect.scatter.add.f32 [tilespmem:s31], [sflag:$0x5], $0x40, s8, s26, $0xb8;
	[tilespmem:$0x1E000] =	vst v63  }
0xa9: {  	_ =	swait.ge [sflag:s24], $0x2000  }
0xaa: {  	[sflag:s24] =	ssyncset.done $0x0  }
0xab: {  	[sflag:s24] =	ssyncadd.s32 $0xFFFFE000  }
0xac: {  	[bflag:$0x0] =	sbarrier.arrive $0xFFFF  }
0xad: {  	s10 =	rddreg [dreg:$0x6]  }
0xae: {  	[tilespmem:s23], [sflag:$0x5] =	stream.linear.gather [spmem:s10], $0x2000, $0x38;
	[tilespmem:$0x1E000] =	vst v63  }
0xaf: {  	_ =	swait.ge [sflag:s24], $0x2000  }
0xb0: {  	[sflag:s24] =	ssyncset.done $0x0  }
0xb1: {  	[sflag:s24] =	ssyncadd.s32 $0xFFFFE000  }
0xb2: {  	[hbm4b:s14+s3] =	stream.linear.scatter [tilespmem:s23], [sflag:$0x5], $0x2000, $0x38;
	[tilespmem:$0x1E000] =	vst v63  }
0xb3: {  	_ =	swait.ge [sflag:s24], $0x2000  }
0xb4: {  	[sflag:s24] =	ssyncset.done $0x0  }
0xb5: {  	[sflag:s24] =	ssyncadd.s32 $0xFFFFE000  }
0xb6: {  	[tilespmem:s23], [sflag:$0x5] =	stream.linear.gather [spmem:s15], $0x2000, $0x38;
	[tilespmem:$0x1E000] =	vst v63  }
0xb7: {  	_ =	swait.ge [sflag:s24], $0x2000  }
0xb8: {  	[sflag:s24] =	ssyncset.done $0x0  }
0xb9: {  	[sflag:s24] =	ssyncadd.s32 $0xFFFFE000  }
0xba: {  	[hbm4b:s16+s3] =	stream.linear.scatter [tilespmem:s23], [sflag:$0x5], $0x2000, $0x38;
	[tilespmem:$0x1E000] =	vst v63  }
0xbb: {  	_ =	swait.ge [sflag:s24], $0x2000  }
0xbc: {  	[sflag:s24] =	ssyncset.done $0x0  }
0xbd: {  	[sflag:s24] =	ssyncadd.s32 $0xFFFFE000  }
0xbe: {  	[tilespmem:s23], [sflag:$0x5] =	stream.linear.gather [spmem:s17], $0x2000, $0x38;
	[tilespmem:$0x1E000] =	vst v63  }
0xbf: {  	_ =	swait.ge [sflag:s24], $0x2000  }
0xc0: {  	[sflag:s24] =	ssyncset.done $0x0  }
0xc1: {  	[sflag:s24] =	ssyncadd.s32 $0xFFFFE000  }
0xc2: {  	[hbm4b:s18+s3] =	stream.linear.scatter [tilespmem:s23], [sflag:$0x5], $0x2000, $0x38;
	[tilespmem:$0x1E000] =	vst v63  }
0xc3: {  	_ =	swait.ge [sflag:s24], $0x2000  }
0xc4: {  	[sflag:s24] =	ssyncset.done $0x0  }
0xc5: {  	[sflag:s24] =	ssyncadd.s32 $0xFFFFE000  }
0xc6: {  	[tilespmem:s23], [sflag:$0x5] =	stream.linear.gather [spmem:s19], $0x2000, $0x38;
	[tilespmem:$0x1E000] =	vst v63  }
0xc7: {  	_ =	swait.ge [sflag:s24], $0x2000  }
0xc8: {  	[sflag:s24] =	ssyncset.done $0x0  }
0xc9: {  	[sflag:s24] =	ssyncadd.s32 $0xFFFFE000  }
0xca: {  	[hbm4b:s20+s3] =	stream.linear.scatter [tilespmem:s23], [sflag:$0x5], $0x2000, $0x38;
	[tilespmem:$0x1E000] =	vst v63  }
0xcb: {  	_ =	swait.ge [sflag:s24], $0x2000  }
0xcc: {  	[sflag:s24] =	ssyncset.done $0x0  }
0xcd: {  	[sflag:s24] =	ssyncadd.s32 $0xFFFFE000  }
0xce: {  	[tilespmem:s23], [sflag:$0x5] =	stream.linear.gather [spmem:s21], $0x2000, $0x38;
	[tilespmem:$0x1E000] =	vst v63  }
0xcf: {  	_ =	swait.ge [sflag:s24], $0x2000  }
0xd0: {  	[sflag:s24] =	ssyncset.done $0x0  }
0xd1: {  	[sflag:s24] =	ssyncadd.s32 $0xFFFFE000  }
0xd2: {  	[hbm4b:s22+s3] =	stream.linear.scatter [tilespmem:s23], [sflag:$0x5], $0x2000, $0x38;
	[tilespmem:$0x1E000] =	vst v63  }
0xd3: {  	_ =	swait.ge [sflag:s24], $0x2000  }
0xd4: {  	s7 =	sadd.s32 $0x1, s7;
	s11 =	rddreg [dreg:$0x7]  }
0xd5: {  	p0 =	sne.s32 s7, s11  }
.Ltmp2:
0xd6: {  	_ = 	snop;
	(pc) =	sbr.rel @p0 .LBB2_1-.Ltmp2, $3  }
0xd7: {  	_ =	sdelay $0x1  }
0xd8: {  	[sflag:s24] =	ssyncset.done $0x0  }
0xd9: {  	[sflag:s24] =	ssyncadd.s32 $0xFFFFE000  }
0xda: {  	_ =	sfence.sel $0x180000  }
0xdb: {  	[bflag:$0x0] =	sbarrier.arrive $0xFFFF  }
0xdc: {  	_ =	strace $0x9000004A  }
0xdd: {  	s0 =	stileid.u32;
	[bflag:$0x2] =	sbarrier.arrive $0xFFFF  }
0xde: {  	p0 =	sne.s32 s0, $0x0;
	s0 =	rddreg [dreg:$0x3]  }
0xdf: {  	s0 =	sadd.s32 @!p0 $0x100000, s0  }
0xe0: {  	[sflag:s0] =	ssyncadd.tile.s32 @!p0 $0x1;
	_ =	shalt  }
.Lfunc_end2:
_tile_overlayer_lowered:
.L_overlay_start_2:
0xe1: {  	(tag) =	ssettag $0x2  }
0xe2: {  	s0 =	rddreg [dreg:$0x0];
	s2 =	stileid.u32  }
0xe3: {  	s1 =	rddreg [dreg:$0x1];
	p0 =	sne.s32 s2, $0x0  }
0xe4: {  	s3 =	rddreg [dreg:$0x2];
	[bflag:$0x3] =	sbarrier.arrive $0xFFFF;
	s2 =	simm.s32 @!p0 $0x1C05  }
0xe5: {  	[timem:s3], [sflag:s2] =	dma.local @!p0 [hbm:s0], s1  }
0xe6: {  	s0 =	simm.s32 @!p0 $0x5  }
0xe7: {  	_ =	swait.ge @!p0 [sflag:s0], s1  }
0xe8: {  	s1 =	ssub.s32 @!p0 $0x0, s1;
	[sflag:s0] =	ssyncset.done @!p0 $0x0  }
0xe9: {  	[sflag:s0] =	ssyncadd.s32 @!p0 s1  }
0xea: {  	[bflag:$0x3] =	sbarrier.arrive $0xFFFF  }
0xeb: {  	_ =	shalt  }

// kernel: kernel.14.cloned.1.call-start
scs
__scs_entry_jumppad:
0x0: {  	(pc) =	sbr.rel $0x88, $3  }
0x1: {  	(tag) =	ssettag $0x0;
	lr =	simm.s32 $0x1  }
0x2: {  	[smem:$0x3F99] =	sst lr;
	_ =	strace $0xD0000000  }
0x3: {  	_ = 	snop  }
0x4: {  	_ = 	snop  }
0x5: {  	_ = 	snop  }
0x6: {  	_ = 	snop  }
0x7: {  	_ = 	snop  }
__scs_overlays_trampoline_lowered:
0x8: {  	[smem:$0x3FA8] =	sst s0  }
0x9: {  	[smem:$0x3FA9] =	sst s1  }
0xa: {  	[smem:$0x3FAA] =	sst s2  }
0xb: {  	[smem:$0x3FAB] =	sst s3  }
0xc: {  	[smem:$0x3FAC] =	sst s4  }
0xd: {  	[smem:$0x3FAD] =	sst s5  }
0xe: {  	[smem:$0x3FAE] =	sst s6  }
0xf: {  	[smem:$0x3FAF] =	sst s7  }
0x10: {  	[smem:$0x3FB0] =	sst s8  }
0x11: {  	[smem:$0x3FB1] =	sst s9;
	s0 =	simm.s32 @!p0 $0x0  }
0x12: {  	s1 =	sld [smem:$0x3F97];
	s0 =	simm.s32 @p0 $0x1  }
0x13: {  	[smem:$0x3FB2] =	sst s0;
	s0 =	simm.s32 @!p1 $0x0  }
0x14: {  	s2 =	sld [smem:$0x3F96];
	s0 =	simm.s32 @p1 $0x1  }
0x15: {  	[smem:$0x3FB3] =	sst s0;
	s0 =	simm.s32 @!p2 $0x0  }
0x16: {  	s3 =	sld [smem:$0x3FDB];
	s0 =	simm.s32 @p2 $0x1  }
0x17: {  	s4 =	simm.s32 $0x1BF5;
	[smem:$0x3FB5] =	sst s0  }
0x18: {  	s0 =	sld [smem:$0x3F98];
	_ =	swait.ge [sflag:s4], $0x0  }
0x19: {  	s7 =	sld [smem:$0x3F99]  }
0x1a: {  	s8 =	sadd.s32 $0xFFFFE003, lr  }
0x1b: {  	s9 =	sadd.s32 $0xFFFFFEF7, lr;
	s5 =	simm.s32 $0xFFFFFFFF;
	p2 =	slt.u32 s8, $0xFFFFF086  }
0x1c: {  	p1 =	slt.u32 s9, $0xF7A;
	s5 =	simm.s32 @!p2 $0x0  }
0x1d: {  	s5 =	simm.s32 @p1 $0x1;
	p0 =	seq.s32 s7, s2  }
0x1e: {  	s7 =	smul.u32 @!p0 $0xF7A, s2;
	p2 =	seq.s32 @!p0 s5, $0x0  }
0x1f: {  	s9 =	smul.u32 $0xF7A, s1;
	s8 =	simm.s32 @!p0 $0x1BF5;
	p2 =	por !p2, p0  }
0x20: {  	[sflag:s8] =	ssyncset.s32 @!p0 $0xFFFFF086;
	s6 =	sadd.s32 @!p0 s3, s7;
	s7 =	simm.s32 @!p0 $0x108  }
0x21: {  	s3 =	sadd.s32 s3, s9;
	s6 =	sadd.s32 @!p0 $0x88, s6;
	s7 =	simm.s32 @p2 $0x1082  }
0x22: {  	[simem:s7], [sflag:s8] =	dma.local @!p0 [hbm:s6], $0xF7A  }
0x23: {  	s9 =	sor.u32 $0xD0000000, s2;
	s6 =	simm.s32 $0x108;
	_ =	swait.ge @!p0 [sflag:s8], $0x0  }
0x24: {  	s3 =	sadd.s32 $0x88, s3;
	s6 =	simm.s32 @!p1 $0x1082;
	[sflag:s4] =	ssyncset.s32 $0xFFFFF086  }
0x25: {  	[simem:s6], [sflag:s4] =	dma.local [hbm:s3], $0xF7A  }
0x26: {  	[smem:$0x3F99] =	sst s1;
	(tag) =	ssettag s2;
	_ =	strace s9  }
0x27: {  	s1 =	sld [smem:$0x3FA9]  }
0x28: {  	s2 =	sld [smem:$0x3FAA]  }
0x29: {  	s4 =	sld [smem:$0x3FAC]  }
0x2a: {  	p0 =	seq.s32 s5, $0x0;
	s5 =	sld [smem:$0x3FAD]  }
0x2b: {  	s6 =	sld [smem:$0x3FAE]  }
0x2c: {  	s7 =	sld [smem:$0x3FAF]  }
0x2d: {  	s3 =	simm.s32 $0x108;
	s8 =	sld [smem:$0x3FB0]  }
0x2e: {  	s3 =	simm.s32 @!p0 $0x1082;
	s9 =	sld [smem:$0x3FB1]  }
0x2f: {  	lr =	sadd.s32 s0, s3;
	s0 =	sld [smem:$0x3FA8]  }
0x30: {  	s3 =	sld [smem:$0x3FAB]  }
0x31: {  	[smem:$0x3FB4] =	sst s10  }
0x32: {  	s10 =	sld [smem:$0x3FB2];
	_ =	sdelay $0x3  }
0x33: {  	p0 =	seq.s32 s10, $0x1;
	s10 =	sld [smem:$0x3FB4];
	_ =	sdelay $0x3  }
0x34: {  	[smem:$0x3FB4] =	sst s10  }
0x35: {  	s10 =	sld [smem:$0x3FB3];
	_ =	sdelay $0x3  }
0x36: {  	p1 =	seq.s32 s10, $0x1;
	s10 =	sld [smem:$0x3FB4];
	_ =	sdelay $0x3  }
0x37: {  	[smem:$0x3FB4] =	sst s10  }
0x38: {  	s10 =	sld [smem:$0x3FB5]  }
0x39: {  	_ = 	snop;
	(pc) =	sbr.ind lr, $3  }
0x3a: {  	_ = 	snop  }
0x3b: {  	_ = 	snop  }
0x3c: {  	p2 =	seq.s32 s10, $0x1;
	s10 =	sld [smem:$0x3FB4]  }
0x3d: {  	_ =	shalt  }
0x3e: {  	_ =	shalt  }
0x3f: {  	_ =	shalt  }
0x40: {  	_ =	shalt  }
0x41: {  	_ =	shalt  }
0x42: {  	_ =	shalt  }
0x43: {  	_ =	shalt  }
0x44: {  	_ =	shalt  }
0x45: {  	_ =	shalt  }
0x46: {  	_ =	shalt  }
0x47: {  	_ =	shalt  }
0x48: {  	_ =	shalt  }
0x49: {  	_ =	shalt  }
0x4a: {  	_ =	shalt  }
0x4b: {  	_ =	shalt  }
0x4c: {  	_ =	shalt  }
0x4d: {  	_ =	shalt  }
0x4e: {  	_ =	shalt  }
0x4f: {  	_ =	shalt  }
0x50: {  	_ =	shalt  }
0x51: {  	_ =	shalt  }
0x52: {  	_ =	shalt  }
0x53: {  	_ =	shalt  }
0x54: {  	_ =	shalt  }
0x55: {  	_ =	shalt  }
0x56: {  	_ =	shalt  }
0x57: {  	_ =	shalt  }
0x58: {  	_ =	shalt  }
0x59: {  	_ =	shalt  }
0x5a: {  	_ =	shalt  }
0x5b: {  	_ =	shalt  }
0x5c: {  	_ =	shalt  }
0x5d: {  	_ =	shalt  }
0x5e: {  	_ =	shalt  }
0x5f: {  	_ =	shalt  }
0x60: {  	_ =	shalt  }
0x61: {  	_ =	shalt  }
0x62: {  	_ =	shalt  }
0x63: {  	_ =	shalt  }
0x64: {  	_ =	shalt  }
0x65: {  	_ =	shalt  }
0x66: {  	_ =	shalt  }
0x67: {  	_ =	shalt  }
0x68: {  	_ =	shalt  }
0x69: {  	_ =	shalt  }
0x6a: {  	_ =	shalt  }
0x6b: {  	_ =	shalt  }
0x6c: {  	_ =	shalt  }
0x6d: {  	_ =	shalt  }
0x6e: {  	_ =	shalt  }
0x6f: {  	_ =	shalt  }
0x70: {  	_ =	shalt  }
0x71: {  	_ =	shalt  }
0x72: {  	_ =	shalt  }
0x73: {  	_ =	shalt  }
0x74: {  	_ =	shalt  }
0x75: {  	_ =	shalt  }
0x76: {  	_ =	shalt  }
0x77: {  	_ =	shalt  }
0x78: {  	_ =	shalt  }
0x79: {  	_ =	shalt  }
0x7a: {  	_ =	shalt  }
0x7b: {  	_ =	shalt  }
0x7c: {  	_ =	shalt  }
0x7d: {  	_ =	shalt  }
0x7e: {  	_ =	shalt  }
0x7f: {  	_ =	shalt  }
0x80: {  	_ =	shalt  }
0x81: {  	_ =	shalt  }
0x82: {  	_ =	shalt  }
0x83: {  	_ =	shalt  }
0x84: {  	_ =	shalt  }
0x85: {  	_ =	shalt  }
0x86: {  	_ =	shalt  }
0x87: {  	_ =	shalt  }
.Lfunc_end0:
.L_simem_size_0:
called_computation.2_lowered:
.L_overlay_start_0:
0x88: {  	s2 =	sld [smem:$0x3FD9]  }
0x89: {  	s3 =	sld [smem:$0x3FFE];
	_ =	sdelay $0x1  }
0x8a: {  	s1 =	srdreg.scid  }
0x8b: {  	s0 =	sand.u32 $0x1, s1  }
0x8c: {  	s17 =	sshll.u32 s0, $0xA;
	s2 =	sadd.s32 s3, s2  }
0x8d: {  	s2 =	sadd.s32 s2, s17  }
0x8e: {  	[smem:$0x3FC0] =	sst s2  }
0x8f: {  	_ = 	snop  }
0x90: {  	s2 =	sld [smem:$0x3FD0];
	(tm) =	ssettm $0x1  }
0x91: {  	s18 =	sld [smem:$0x3FFB];
	_ =	sdelay $0x3  }
0x92: {  	_ =	strace s18  }
0x93: {  	s3 =	sld [smem:$0x3FFC];
	_ =	sdelay $0x3  }
0x94: {  	_ =	strace s3  }
0x95: {  	s3 =	sld [smem:$0x3FFD];
	_ =	sdelay $0x3  }
0x96: {  	_ =	strace s3  }
0x97: {  	_ =	strace $0x8FFFFFFF  }
0x98: {  	s19 =	sld [smem:$0x3FDB];
	_ =	sdelay $0x1  }
0x99: {  	s4 =	simm.s32 $_scs_section_size  }
0x9a: {  	s5 =	simm.s32 $_size__tile_overlayer_lowered;
	s6 =	simm.s32 $_tile_overlayer_lowered  }
0x9b: {  	s22 =	simm.s32 $0x1BFF;
	s21 =	sshll.u32 s6, $0x1;
	s3 =	sadd.s32 s4, s19  }
0x9c: {  	s7 =	simm.s32 $0x0;
	s20 =	sshll.u32 s5, $0x1;
	s5 =	sadd.s32 s21, s3  }
0x9d: {  	[timem:s7], [sflag:s22] =	dma.local [hbm:s5], s20  }
0x9e: {  	_ =	swait.ge [sflag:s22], s20  }
0x9f: {  	s4 =	ssub.s32 $0x0, s20;
	[sflag:s22] =	ssyncset.done $0x0  }
0xa0: {  	[sflag:s22] =	ssyncadd.s32 s4;
	_ =	sdelay $0x1  }
0xa1: {  	s23 =	simm.s32 $0x1B8B  }
0xa2: {  	_ =	swait.ge [sflag:s23], $0x1  }
0xa3: {  	[sflag:s23] =	ssyncset.done $0x0  }
0xa4: {  	s25 =	simm.s32 $0x1B8E;
	s24 =	sld [smem:$0x3FFE];
	[sflag:s23] =	ssyncadd.s32 $0xFFFFFFFF  }
0xa5: {  	s26 =	simm.s32 $execute0_lowered;
	[smem:$0x3FD2] =	sst s25  }
0xa6: {  	s5 =	sshll.u32 s26, $0x1;
	_ =	strace $0x8000004C;
	[dreg:$0x1] =	wrdreg $0xFFFFFFFF  }
0xa7: {  	s28 =	simm.s32 $_size_execute0_lowered;
	s3 =	sadd.s32 s3, s5;
	[dreg:$0x0] =	wrdreg $0x0  }
0xa8: {  	s5 =	sshll.u32 s28, $0x1;
	[dreg:$0x2] =	wrdreg s3  }
0xa9: {  	[dreg:$0x3] =	wrdreg s5  }
0xaa: {  	[dreg:$0x4] =	wrdreg $0xC0  }
0xab: {  	_ =	task [dreg:s7], $0x5FFFF  }
0xac: {  	[dreg:$0x1] =	wrdreg $0xFFFFFFFF  }
0xad: {  	[dreg:$0x0] =	wrdreg $0x60  }
0xae: {  	[dreg:$0x2] =	wrdreg s24  }
0xaf: {  	[dreg:$0x3] =	wrdreg s2  }
0xb0: {  	[dreg:$0x4] =	wrdreg $0xC8000  }
0xb1: {  	[dreg:$0x5] =	wrdreg $0x140000  }
0xb2: {  	[dreg:$0x6] =	wrdreg $0x9  }
0xb3: {  	_ =	task.clear_ibuf [dreg:s7], $0x7FFFF;
	_ =	strace $0x9000004C  }
0xb4: {  	s29 =	simm.s32 $0x9;
	_ =	strace $0x8000004E  }
0xb5: {  	_ =	swait.ge [sflag:s29], $0x1  }
0xb6: {  	[sflag:s29] =	ssyncadd.s32 $0xFFFFFFFF  }
0xb7: {  	_ =	strace $0x9000004E  }
0xb8: {  	_ =	sfence  }
0xb9: {  	s30 =	sld [smem:$0x0];
	_ =	sdelay $0x2  }
0xba: {  	s31 =	sshll.u32 s1, $0xD;
	s1 =	sshrl.u32 s1, $0x2  }
0xbb: {  	s3 =	sand.u32 $0x4000, s31;
	s1 =	sadd.s32 s1, s30  }
0xbc: {  	s0 =	sor.u32 s3, s0;
	s1 =	sshll.u32 s1, $0x11  }
0xbd: {  	s0 =	sor.u32 s1, s0  }
0xbe: {  	s0 =	sadd.s32 $0x8F2B, s0  }
0xbf: {  	[sflag:s0] =	ssyncadd.remote.s32 $0x1  }
0xc0: {  	_ =	sfence.sel $0xFFFF  }
0xc1: {  	[dreg:$0x0] =	wrdreg $0xFFFFFFFF;
	(pc) =	sbr.abs _section_cstart, $3  }
0xc2: {  	[dreg:$0x1] =	wrdreg $0xFFFFFFFF  }
0xc3: {  	_ =	task.clear_ibuf [dreg:s7], $0x2FFFF;
	_ =	strace $0x9FFFFFFF  }
0xc4: {  	(tm) =	ssettm $0x7FFFFFFF  }
0xc5: {  	_ =	shalt  }
tec
execute0_lowered:
.L_overlay_start_1:
0x0: {  	(tag) =	ssettag $0x1  }
0x1: {  	s0 =	rddreg [dreg:$0x0]  }
0x2: {  	s1 =	rddreg [dreg:$0x1];
	s13 =	stileid.u32  }
0x3: {  	s2 =	rddreg [dreg:$0x2];
	s6 =	smul.u32 $0x5000, s13  }
0x4: {  	s4 =	srdreg.scid;
	s8 =	smul.u32 $0x280, s13  }
0x5: {  	s3 =	rddreg [dreg:$0x3];
	s5 =	sand.u32 $0x1, s4;
	s12 =	smul.u32 $0x7800, s13  }
0x6: {  	s4 =	simm.s32 $0x0;
	s21 =	sadd.s32 $0x6FA00, s0;
	s7 =	smul.u32 $0x2800, s5  }
0x7: {  	[smem:$0x7FF] =	sst s4;
	s10 =	ssub.s32 $0x2, s5;
	s5 =	smul.u32 $0x78000, s5  }
0x8: {  	_ =	strace $0x8000004D;
	s11 =	sshrl.u32 s10, $0x1;
	s8 =	sadd.s32 $0x80, s8  }
0x9: {  	s22 =	sshrl.u32 s12, $0x3;
	s6 =	sadd.s32 s7, s6;
	s10 =	ssub.s32 s10, s11  }
0xa: {  	s11 =	smul.u32 $0x1E000, s13;
	s13 =	sadd.s32 $0x4800, s12;
	s15 =	sadd.s32 s5, s12  }
0xb: {  	s6 =	sshrl.u32 s6, $0x3;
	s14 =	sshrl.u32 s13, $0x3;
	s7 =	sshrl.u32 s15, $0x3  }
0xc: {  	s18 =	sadd.s32 s5, s13;
	s30 =	sadd.s32 s13, s3;
	s31 =	sadd.s32 s13, s2  }
0xd: {  	s9 =	sadd.s32 s6, s0;
	s1 =	sadd.s32 s1, s6;
	s6 =	smul.u32 $0x30, s8  }
0xe: {  	s13 =	simm.s32 $0x2;
	s0 =	sadd.s32 $0x7EA00, s0;
	s8 =	smul.u32 $0xC0, s8  }
0xf: {  	s25 =	sadd.s32 s21, s14;
	s14 =	sadd.s32 $0x6000, s12;
	[dreg:$0x5] =	wrdreg s1  }
0x10: {  	s19 =	sshrl.u32 s18, $0x3;
	s9 =	sadd.s32 $0xBA00, s9;
	[dreg:$0xa] =	wrdreg s25  }
0x11: {  	s20 =	sshrl.u32 s11, $0x2;
	s1 =	sadd.s32 s21, s22;
	[dreg:$0x6] =	wrdreg s9  }
0x12: {  	s26 =	sshrl.u32 s14, $0x3;
	s25 =	sadd.s32 $0x18000, s11;
	[dreg:$0x7] =	wrdreg s1  }
0x13: {  	s23 =	sshrl.u32 s6, $0x3;
	s9 =	sadd.s32 $0x3000, s12;
	s16 =	sadd.s32 s5, s6  }
0x14: {  	s22 =	sshrl.u32 s8, $0x2;
	s8 =	simm.s32 $0x5000;
	s1 =	sadd.s32 s21, s23  }
0x15: {  	s24 =	sshrl.u32 s9, $0x3;
	s15 =	sshrl.u32 s16, $0x3;
	s17 =	sadd.s32 s5, s9  }
0x16: {  	s5 =	sadd.s32 s5, s14;
	s23 =	sadd.s32 $0xC000, s11;
	s28 =	sadd.s32 s9, s3  }
0x17: {  	s29 =	sadd.s32 s9, s2;
	s9 =	simm.s32 $0x6800;
	[dreg:$0x8] =	wrdreg s1  }
0x18: {  	s1 =	sadd.s32 s21, s24;
	s16 =	sadd.s32 s0, s15;
	s5 =	sshrl.u32 s5, $0x3  }
0x19: {  	s24 =	sadd.s32 $0x12000, s11;
	s11 =	simm.s32 $0x9800;
	[dreg:$0x9] =	wrdreg s1  }
0x1a: {  	s15 =	simm.s32 $0x4;
	s1 =	sadd.s32 s21, s26;
	[dreg:$0xd] =	wrdreg s16  }
0x1b: {  	s21 =	smax.u32 s10, $0x1;
	[dreg:$0xb] =	wrdreg s1;
	s1 =	sadd.s32 s0, s7  }
0x1c: {  	s26 =	sshrl.u32 s25, $0x2;
	[dreg:$0xc] =	wrdreg s1;
	s1 =	sshrl.u32 s17, $0x3  }
0x1d: {  	s25 =	sadd.s32 s6, s3;
	[dreg:$0x11] =	wrdreg s21;
	s1 =	sadd.s32 s0, s1  }
0x1e: {  	s10 =	simm.s32 $0x8000;
	[dreg:$0xe] =	wrdreg s1;
	s1 =	sadd.s32 s0, s19  }
0x1f: {  	s16 =	simm.s32 $0x0;
	s0 =	sadd.s32 s0, s5;
	[dreg:$0xf] =	wrdreg s1  }
0x20: {  	s7 =	simm.s32 $0x80;
	s5 =	simm.s32 $0xB000;
	[dreg:$0x10] =	wrdreg s0  }
0x21: {  	s0 =	sadd.s32 s20, s2;
	s1 =	sshrl.u32 s24, $0x2;
	s24 =	sadd.s32 s12, s3  }
0x22: {  	[dreg:$0x12] =	wrdreg s0;
	s0 =	sadd.s32 s22, s2;
	s21 =	sadd.s32 s1, s2  }
0x23: {  	s22 =	sadd.s32 s26, s2;
	s26 =	sadd.s32 s6, s2;
	s1 =	sadd.s32 s14, s3  }
0x24: {  	s6 =	simm.s32 $0x5;
	[dreg:$0x13] =	wrdreg s0;
	s0 =	sshrl.u32 s23, $0x2  }
0x25: {  	s23 =	sadd.s32 s12, s2;
	s12 =	simm.s32 $0x1;
	s0 =	sadd.s32 s0, s2  }
0x26: {  	v0 =	vimm.f32 $0.0e+00;
	[dreg:$0x14] =	wrdreg s0;
	s0 =	sadd.s32 s14, s2;
	s14 =	simm.s32 $0x3  }
.LBB2_1:
0x27: {  	s17 =	simm.s32 $0xC0;
	s18 =	simm.s32 $0x0  }
.LBB2_2:
0x28: {  	p0 =	sne.s32 s17, $0x5F40;
	[tilespmem:s18+$0xB020] =	vst v0;
	s19 =	smov.u32 s17;
	s17 =	sadd.s32 $0xC0, s17  }
.Ltmp0:
0x29: {  	[tilespmem:s18+$0xB000] =	vst v0;
	(pc) =	sbr.rel @p0 .LBB2_2-.Ltmp0, $2  }
0x2a: {  	[tilespmem:s18+$0xB010] =	vst v0;
	_ =	sdelay $0x2  }
0x2b: {  	s18 =	sshra.s32 s19, $0x2  }
0x2c: {  	[tilespmem:s18+$0xB020] =	vst v0  }
0x2d: {  	[tilespmem:s18+$0xB000] =	vst v0  }
0x2e: {  	[tilespmem:s18+$0xB010] =	vst v0;
	s17 =	rddreg [dreg:$0x12]  }
0x2f: {  	[spmem:s17] =	stream.linear.scatter [tilespmem:s5], [sflag:$0x5], $0x1800, $0x38;
	[tilespmem:$0x1B800] =	vst v63  }
0x30: {  	_ =	swait.ge [sflag:s6], $0x1800  }
0x31: {  	[sflag:s6] =	ssyncset.done $0x0  }
0x32: {  	s20 =	rddreg [dreg:$0x13];
	[sflag:s6] =	ssyncadd.s32 $0xFFFFE800  }
0x33: {  	[spmem:s20] =	stream.linear.scatter [tilespmem:s5], [sflag:$0x5], $0x1800, $0x38;
	[tilespmem:$0x1B800] =	vst v63  }
0x34: {  	_ =	swait.ge [sflag:s6], $0x1800  }
0x35: {  	[sflag:s6] =	ssyncset.done $0x0  }
0x36: {  	s18 =	rddreg [dreg:$0x14];
	[sflag:s6] =	ssyncadd.s32 $0xFFFFE800  }
0x37: {  	[spmem:s18] =	stream.linear.scatter [tilespmem:s5], [sflag:$0x5], $0x1800, $0x38;
	[tilespmem:$0x1B800] =	vst v63  }
0x38: {  	_ =	swait.ge [sflag:s6], $0x1800  }
0x39: {  	[sflag:s6] =	ssyncset.done $0x0  }
0x3a: {  	[sflag:s6] =	ssyncadd.s32 $0xFFFFE800  }
0x3b: {  	[spmem:s21] =	stream.linear.scatter [tilespmem:s5], [sflag:$0x5], $0x1800, $0x38;
	[tilespmem:$0x1B800] =	vst v63  }
0x3c: {  	_ =	swait.ge [sflag:s6], $0x1800  }
0x3d: {  	[sflag:s6] =	ssyncset.done $0x0  }
0x3e: {  	[sflag:s6] =	ssyncadd.s32 $0xFFFFE800  }
0x3f: {  	[spmem:s22] =	stream.linear.scatter [tilespmem:s5], [sflag:$0x5], $0x1800, $0x38;
	[tilespmem:$0x1B800] =	vst v63  }
0x40: {  	_ =	swait.ge [sflag:s6], $0x1800  }
0x41: {  	[sflag:s6] =	ssyncset.done $0x0  }
0x42: {  	s17 =	simm.s32 $0x0;
	s19 =	rddreg [dreg:$0x7];
	[sflag:s6] =	ssyncadd.s32 $0xFFFFE800  }
0x43: {  	[tilespmem:s5], [sflag:$0x5] =	stream.linear.gather [hbm4b:s19+s17], $0x1800, $0x38;
	[tilespmem:$0x1B800] =	vst v63  }
0x44: {  	_ =	swait.ge [sflag:s6], $0x1800  }
0x45: {  	[sflag:s6] =	ssyncset.done $0x0  }
0x46: {  	[sflag:s6] =	ssyncadd.s32 $0xFFFFE800  }
0x47: {  	[spmem:s24] =	stream.linear.scatter [tilespmem:s5], [sflag:$0x5], $0x1800, $0x38;
	[tilespmem:$0x1B800] =	vst v63  }
0x48: {  	_ =	swait.ge [sflag:s6], $0x1800  }
0x49: {  	[sflag:s6] =	ssyncset.done $0x0  }
0x4a: {  	s20 =	rddreg [dreg:$0x8];
	[sflag:s6] =	ssyncadd.s32 $0xFFFFE800  }
0x4b: {  	[tilespmem:s5], [sflag:$0x5] =	stream.linear.gather [hbm4b:s20+s17], $0x1800, $0x38;
	[tilespmem:$0x1B800] =	vst v63  }
0x4c: {  	_ =	swait.ge [sflag:s6], $0x1800  }
0x4d: {  	[sflag:s6] =	ssyncset.done $0x0  }
0x4e: {  	[sflag:s6] =	ssyncadd.s32 $0xFFFFE800  }
0x4f: {  	[spmem:s25] =	stream.linear.scatter [tilespmem:s5], [sflag:$0x5], $0x1800, $0x38;
	[tilespmem:$0x1B800] =	vst v63  }
0x50: {  	_ =	swait.ge [sflag:s6], $0x1800  }
0x51: {  	[sflag:s6] =	ssyncset.done $0x0  }
0x52: {  	s19 =	rddreg [dreg:$0x9];
	[sflag:s6] =	ssyncadd.s32 $0xFFFFE800  }
0x53: {  	[tilespmem:s5], [sflag:$0x5] =	stream.linear.gather [hbm4b:s19+s17], $0x1800, $0x38;
	[tilespmem:$0x1B800] =	vst v63  }
0x54: {  	_ =	swait.ge [sflag:s6], $0x1800  }
0x55: {  	[sflag:s6] =	ssyncset.done $0x0  }
0x56: {  	[sflag:s6] =	ssyncadd.s32 $0xFFFFE800  }
0x57: {  	[spmem:s28] =	stream.linear.scatter [tilespmem:s5], [sflag:$0x5], $0x1800, $0x38;
	[tilespmem:$0x1B800] =	vst v63  }
0x58: {  	_ =	swait.ge [sflag:s6], $0x1800  }
0x59: {  	[sflag:s6] =	ssyncset.done $0x0  }
0x5a: {  	s20 =	rddreg [dreg:$0xa];
	[sflag:s6] =	ssyncadd.s32 $0xFFFFE800  }
0x5b: {  	[tilespmem:s5], [sflag:$0x5] =	stream.linear.gather [hbm4b:s20+s17], $0x1800, $0x38;
	[tilespmem:$0x1B800] =	vst v63  }
0x5c: {  	_ =	swait.ge [sflag:s6], $0x1800  }
0x5d: {  	[sflag:s6] =	ssyncset.done $0x0  }
0x5e: {  	[sflag:s6] =	ssyncadd.s32 $0xFFFFE800  }
0x5f: {  	[spmem:s30] =	stream.linear.scatter [tilespmem:s5], [sflag:$0x5], $0x1800, $0x38;
	[tilespmem:$0x1B800] =	vst v63  }
0x60: {  	_ =	swait.ge [sflag:s6], $0x1800  }
0x61: {  	[sflag:s6] =	ssyncset.done $0x0  }
0x62: {  	s19 =	rddreg [dreg:$0xb];
	[sflag:s6] =	ssyncadd.s32 $0xFFFFE800  }
0x63: {  	[tilespmem:s5], [sflag:$0x5] =	stream.linear.gather [hbm4b:s19+s17], $0x1800, $0x38;
	[tilespmem:$0x1B800] =	vst v63  }
0x64: {  	_ =	swait.ge [sflag:s6], $0x1800  }
0x65: {  	[sflag:s6] =	ssyncset.done $0x0  }
0x66: {  	[sflag:s6] =	ssyncadd.s32 $0xFFFFE800  }
0x67: {  	[spmem:s1] =	stream.linear.scatter [tilespmem:s5], [sflag:$0x5], $0x1800, $0x38;
	[tilespmem:$0x1B800] =	vst v63  }
0x68: {  	_ =	swait.ge [sflag:s6], $0x1800  }
0x69: {  	[sflag:s6] =	ssyncset.done $0x0  }
0x6a: {  	s19 =	simm.s32 $0x2800;
	s20 =	rddreg [dreg:$0x5];
	[sflag:s6] =	ssyncadd.s32 $0xFFFFE800  }
0x6b: {  	[tilespmem:s19], [sflag:$0x5] =	stream.linear.gather [hbm4b:s20+s17], $0x2800, $0x38;
	[tilespmem:$0x1B800] =	vst v63  }
0x6c: {  	_ =	swait.ge [sflag:s6], $0x2800  }
0x6d: {  	[sflag:s6] =	ssyncset.done $0x0  }
0x6e: {  	s20 =	rddreg [dreg:$0x6];
	[sflag:s6] =	ssyncadd.s32 $0xFFFFD800  }
0x6f: {  	[tilespmem:s17], [sflag:$0x5] =	stream.linear.gather [hbm4b:s20+s17], $0x2800, $0x38;
	[tilespmem:$0x1B800] =	vst v63  }
0x70: {  	_ =	swait.ge [sflag:s6], $0x2800  }
0x71: {  	[sflag:s6] =	ssyncset.done $0x0  }
0x72: {  	[sflag:s6] =	ssyncadd.s32 $0xFFFFD800  }
0x73: {  	s19 =	simm.s32 $0x0;
	[bflag:$0x0] =	sbarrier.arrive $0xFFFF  }
0x74: {  	[tilespmem:s8], [sflag:$0x1] =	stream.indirect.gather [spmem:s3], $0x30, s19, s7, $0xb8;
	[tilespmem:$0x1B800] =	vst v63  }
0x75: {  	s20 =	simm.s32 $0x80  }
0x76: {  	[tilespmem:s9], [sflag:$0x2] =	stream.indirect.gather [spmem:s3], $0x30, s20, s7, $0xb8;
	[tilespmem:$0x1B800] =	vst v63  }
0x77: {  	s18 =	simm.s32 $0x100  }
0x78: {  	[tilespmem:s10], [sflag:$0x3] =	stream.indirect.gather [spmem:s3], $0x30, s18, s7, $0xb8;
	[tilespmem:$0x1B800] =	vst v63  }
0x79: {  	s19 =	simm.s32 $0x180  }
0x7a: {  	[tilespmem:s11], [sflag:$0x4] =	stream.indirect.gather [spmem:s3], $0x30, s19, s7, $0xb8;
	[tilespmem:$0x1B800] =	vst v63  }
0x7b: {  	_ =	swait.ge [sflag:s12], $0x1800  }
0x7c: {  	[sflag:s12] =	ssyncset.done $0x0  }
0x7d: {  	s20 =	simm.s32 $0x2800;
	[sflag:s12] =	ssyncadd.s32 $0xFFFFE800  }
0x7e: {  	[spmem:s2] =	stream.indirect.scatter.add.f32 [tilespmem:s8], [sflag:$0x5], $0x30, s20, s7, $0xb8;
	[tilespmem:$0x1B800] =	vst v63  }
0x7f: {  	_ =	swait.ge [sflag:s6], $0x1800  }
0x80: {  	[sflag:s6] =	ssyncset.done $0x0  }
0x81: {  	[sflag:s6] =	ssyncadd.s32 $0xFFFFE800  }
0x82: {  	_ =	swait.ge [sflag:s13], $0x1800  }
0x83: {  	[sflag:s13] =	ssyncset.done $0x0  }
0x84: {  	s18 =	simm.s32 $0x2880;
	[sflag:s13] =	ssyncadd.s32 $0xFFFFE800  }
0x85: {  	[spmem:s2] =	stream.indirect.scatter.add.f32 [tilespmem:s9], [sflag:$0x5], $0x30, s18, s7, $0xb8;
	[tilespmem:$0x1B800] =	vst v63  }
0x86: {  	_ =	swait.ge [sflag:s6], $0x1800  }
0x87: {  	[sflag:s6] =	ssyncset.done $0x0  }
0x88: {  	[sflag:s6] =	ssyncadd.s32 $0xFFFFE800  }
0x89: {  	_ =	swait.ge [sflag:s14], $0x1800  }
0x8a: {  	[sflag:s14] =	ssyncset.done $0x0  }
0x8b: {  	s19 =	simm.s32 $0x2900;
	[sflag:s14] =	ssyncadd.s32 $0xFFFFE800  }
0x8c: {  	[spmem:s2] =	stream.indirect.scatter.add.f32 [tilespmem:s10], [sflag:$0x5], $0x30, s19, s7, $0xb8;
	[tilespmem:$0x1B800] =	vst v63  }
0x8d: {  	_ =	swait.ge [sflag:s6], $0x1800  }
0x8e: {  	[sflag:s6] =	ssyncset.done $0x0  }
0x8f: {  	[sflag:s6] =	ssyncadd.s32 $0xFFFFE800  }
0x90: {  	_ =	swait.ge [sflag:s15], $0x1800  }
0x91: {  	[sflag:s15] =	ssyncset.done $0x0  }
0x92: {  	s20 =	simm.s32 $0x2980;
	[sflag:s15] =	ssyncadd.s32 $0xFFFFE800  }
0x93: {  	[spmem:s2] =	stream.indirect.scatter.add.f32 [tilespmem:s11], [sflag:$0x5], $0x30, s20, s7, $0xb8;
	[tilespmem:$0x1B800] =	vst v63  }
0x94: {  	_ =	swait.ge [sflag:s6], $0x1800  }
0x95: {  	s17 =	simm.s32 $0x800;
	s18 =	simm.s32 $0x1000;
	[sflag:s6] =	ssyncset.done $0x0  }
.LBB2_4:
0x96: {  	s19 =	sshra.s32 s17, $0x2  }
0x97: {  	[sflag:s6] =	ssyncadd.s32 $0xFFFFE800;
	s17 =	smov.u32 s18;
	s20 =	sadd.s32 $0x800, s18  }
0x98: {  	[tilespmem:s8], [sflag:$0x1] =	stream.indirect.gather [spmem:s3], $0x30, s19, s7, $0xb8;
	[tilespmem:$0x1B800] =	vst v63  }
0x99: {  	p0 =	sne.s32 s18, $0x9800;
	s18 =	sadd.s32 $0x80, s19  }
0x9a: {  	[tilespmem:s9], [sflag:$0x2] =	stream.indirect.gather [spmem:s3], $0x30, s18, s7, $0xb8;
	[tilespmem:$0x1B800] =	vst v63  }
0x9b: {  	s18 =	sadd.s32 $0x100, s19  }
0x9c: {  	[tilespmem:s10], [sflag:$0x3] =	stream.indirect.gather [spmem:s3], $0x30, s18, s7, $0xb8;
	[tilespmem:$0x1B800] =	vst v63  }
0x9d: {  	s18 =	sadd.s32 $0x180, s19  }
0x9e: {  	[tilespmem:s11], [sflag:$0x4] =	stream.indirect.gather [spmem:s3], $0x30, s18, s7, $0xb8;
	[tilespmem:$0x1B800] =	vst v63  }
0x9f: {  	_ =	swait.ge [sflag:s12], $0x1800  }
0xa0: {  	[sflag:s12] =	ssyncset.done $0x0  }
0xa1: {  	s18 =	sadd.s32 $0x2800, s19;
	[sflag:s12] =	ssyncadd.s32 $0xFFFFE800  }
0xa2: {  	[spmem:s2] =	stream.indirect.scatter.add.f32 [tilespmem:s8], [sflag:$0x5], $0x30, s18, s7, $0xb8;
	[tilespmem:$0x1B800] =	vst v63  }
0xa3: {  	_ =	swait.ge [sflag:s6], $0x1800  }
0xa4: {  	[sflag:s6] =	ssyncset.done $0x0  }
0xa5: {  	[sflag:s6] =	ssyncadd.s32 $0xFFFFE800  }
0xa6: {  	_ =	swait.ge [sflag:s13], $0x1800  }
0xa7: {  	[sflag:s13] =	ssyncset.done $0x0  }
0xa8: {  	s18 =	sadd.s32 $0x2880, s19;
	[sflag:s13] =	ssyncadd.s32 $0xFFFFE800  }
0xa9: {  	[spmem:s2] =	stream.indirect.scatter.add.f32 [tilespmem:s9], [sflag:$0x5], $0x30, s18, s7, $0xb8;
	[tilespmem:$0x1B800] =	vst v63  }
0xaa: {  	_ =	swait.ge [sflag:s6], $0x1800  }
0xab: {  	[sflag:s6] =	ssyncset.done $0x0  }
0xac: {  	[sflag:s6] =	ssyncadd.s32 $0xFFFFE800  }
0xad: {  	_ =	swait.ge [sflag:s14], $0x1800  }
0xae: {  	[sflag:s14] =	ssyncset.done $0x0  }
0xaf: {  	s18 =	sadd.s32 $0x2900, s19;
	[sflag:s14] =	ssyncadd.s32 $0xFFFFE800  }
0xb0: {  	[spmem:s2] =	stream.indirect.scatter.add.f32 [tilespmem:s10], [sflag:$0x5], $0x30, s18, s7, $0xb8;
	[tilespmem:$0x1B800] =	vst v63  }
0xb1: {  	_ =	swait.ge [sflag:s6], $0x1800  }
0xb2: {  	[sflag:s6] =	ssyncset.done $0x0  }
0xb3: {  	[sflag:s6] =	ssyncadd.s32 $0xFFFFE800  }
0xb4: {  	_ =	swait.ge [sflag:s15], $0x1800  }
.Ltmp1:
0xb5: {  	[sflag:s15] =	ssyncset.done $0x0;
	(pc) =	sbr.rel @p0 .LBB2_4-.Ltmp1, $4  }
0xb6: {  	s18 =	sadd.s32 $0x2980, s19;
	[sflag:s15] =	ssyncadd.s32 $0xFFFFE800  }
0xb7: {  	[spmem:s2] =	stream.indirect.scatter.add.f32 [tilespmem:s11], [sflag:$0x5], $0x30, s18, s7, $0xb8;
	[tilespmem:$0x1B800] =	vst v63  }
0xb8: {  	_ =	swait.ge [sflag:s6], $0x1800  }
0xb9: {  	s18 =	smov.u32 s20;
	[sflag:s6] =	ssyncset.done $0x0  }
0xba: {  	s17 =	sshra.s32 s17, $0x2;
	[sflag:s6] =	ssyncadd.s32 $0xFFFFE800  }
0xbb: {  	[tilespmem:s8], [sflag:$0x1] =	stream.indirect.gather [spmem:s3], $0x30, s17, s7, $0xb8;
	[tilespmem:$0x1B800] =	vst v63  }
0xbc: {  	s18 =	sadd.s32 $0x80, s17  }
0xbd: {  	[tilespmem:s9], [sflag:$0x2] =	stream.indirect.gather [spmem:s3], $0x30, s18, s7, $0xb8;
	[tilespmem:$0x1B800] =	vst v63  }
0xbe: {  	s20 =	sadd.s32 $0x100, s17  }
0xbf: {  	[tilespmem:s10], [sflag:$0x3] =	stream.indirect.gather [spmem:s3], $0x30, s20, s7, $0xb8;
	[tilespmem:$0x1B800] =	vst v63  }
0xc0: {  	s19 =	sadd.s32 $0x180, s17  }
0xc1: {  	[tilespmem:s11], [sflag:$0x4] =	stream.indirect.gather [spmem:s3], $0x30, s19, s7, $0xb8;
	[tilespmem:$0x1B800] =	vst v63  }
0xc2: {  	_ =	swait.ge [sflag:s12], $0x1800  }
0xc3: {  	[sflag:s12] =	ssyncset.done $0x0  }
0xc4: {  	s20 =	sadd.s32 $0x2800, s17;
	[sflag:s12] =	ssyncadd.s32 $0xFFFFE800  }
0xc5: {  	[spmem:s2] =	stream.indirect.scatter.add.f32 [tilespmem:s8], [sflag:$0x5], $0x30, s20, s7, $0xb8;
	[tilespmem:$0x1B800] =	vst v63  }
0xc6: {  	_ =	swait.ge [sflag:s6], $0x1800  }
0xc7: {  	[sflag:s6] =	ssyncset.done $0x0  }
0xc8: {  	[sflag:s6] =	ssyncadd.s32 $0xFFFFE800  }
0xc9: {  	_ =	swait.ge [sflag:s13], $0x1800  }
0xca: {  	[sflag:s13] =	ssyncset.done $0x0  }
0xcb: {  	s19 =	sadd.s32 $0x2880, s17;
	[sflag:s13] =	ssyncadd.s32 $0xFFFFE800  }
0xcc: {  	[spmem:s2] =	stream.indirect.scatter.add.f32 [tilespmem:s9], [sflag:$0x5], $0x30, s19, s7, $0xb8;
	[tilespmem:$0x1B800] =	vst v63  }
0xcd: {  	_ =	swait.ge [sflag:s6], $0x1800  }
0xce: {  	[sflag:s6] =	ssyncset.done $0x0  }
0xcf: {  	[sflag:s6] =	ssyncadd.s32 $0xFFFFE800  }
0xd0: {  	_ =	swait.ge [sflag:s14], $0x1800  }
0xd1: {  	[sflag:s14] =	ssyncset.done $0x0  }
0xd2: {  	s20 =	sadd.s32 $0x2900, s17;
	[sflag:s14] =	ssyncadd.s32 $0xFFFFE800  }
0xd3: {  	[spmem:s2] =	stream.indirect.scatter.add.f32 [tilespmem:s10], [sflag:$0x5], $0x30, s20, s7, $0xb8;
	[tilespmem:$0x1B800] =	vst v63  }
0xd4: {  	_ =	swait.ge [sflag:s6], $0x1800  }
0xd5: {  	[sflag:s6] =	ssyncset.done $0x0  }
0xd6: {  	[sflag:s6] =	ssyncadd.s32 $0xFFFFE800  }
0xd7: {  	_ =	swait.ge [sflag:s15], $0x1800  }
0xd8: {  	[sflag:s15] =	ssyncset.done $0x0  }
0xd9: {  	s17 =	sadd.s32 $0x2980, s17;
	[sflag:s15] =	ssyncadd.s32 $0xFFFFE800  }
0xda: {  	[spmem:s2] =	stream.indirect.scatter.add.f32 [tilespmem:s11], [sflag:$0x5], $0x30, s17, s7, $0xb8;
	[tilespmem:$0x1B800] =	vst v63  }
0xdb: {  	_ =	swait.ge [sflag:s6], $0x1800  }
0xdc: {  	[sflag:s6] =	ssyncset.done $0x0  }
0xdd: {  	[sflag:s6] =	ssyncadd.s32 $0xFFFFE800  }
0xde: {  	[bflag:$0x0] =	sbarrier.arrive $0xFFFF  }
0xdf: {  	[tilespmem:s5], [sflag:$0x5] =	stream.linear.gather [spmem:s23], $0x1800, $0x38;
	[tilespmem:$0x1B800] =	vst v63  }
0xe0: {  	_ =	swait.ge [sflag:s6], $0x1800  }
0xe1: {  	[sflag:s6] =	ssyncset.done $0x0  }
0xe2: {  	s18 =	rddreg [dreg:$0xc];
	[sflag:s6] =	ssyncadd.s32 $0xFFFFE800  }
0xe3: {  	[hbm4b:s18+s4] =	stream.linear.scatter [tilespmem:s5], [sflag:$0x5], $0x1800, $0x38;
	[tilespmem:$0x1B800] =	vst v63  }
0xe4: {  	_ =	swait.ge [sflag:s6], $0x1800  }
0xe5: {  	[sflag:s6] =	ssyncset.done $0x0  }
0xe6: {  	[sflag:s6] =	ssyncadd.s32 $0xFFFFE800  }
0xe7: {  	[tilespmem:s5], [sflag:$0x5] =	stream.linear.gather [spmem:s26], $0x1800, $0x38;
	[tilespmem:$0x1B800] =	vst v63  }
0xe8: {  	_ =	swait.ge [sflag:s6], $0x1800  }
0xe9: {  	[sflag:s6] =	ssyncset.done $0x0  }
0xea: {  	s19 =	rddreg [dreg:$0xd];
	[sflag:s6] =	ssyncadd.s32 $0xFFFFE800  }
0xeb: {  	[hbm4b:s19+s4] =	stream.linear.scatter [tilespmem:s5], [sflag:$0x5], $0x1800, $0x38;
	[tilespmem:$0x1B800] =	vst v63  }
0xec: {  	_ =	swait.ge [sflag:s6], $0x1800  }
0xed: {  	[sflag:s6] =	ssyncset.done $0x0  }
0xee: {  	[sflag:s6] =	ssyncadd.s32 $0xFFFFE800  }
0xef: {  	[tilespmem:s5], [sflag:$0x5] =	stream.linear.gather [spmem:s29], $0x1800, $0x38;
	[tilespmem:$0x1B800] =	vst v63  }
0xf0: {  	_ =	swait.ge [sflag:s6], $0x1800  }
0xf1: {  	[sflag:s6] =	ssyncset.done $0x0  }
0xf2: {  	s20 =	rddreg [dreg:$0xe];
	[sflag:s6] =	ssyncadd.s32 $0xFFFFE800  }
0xf3: {  	[hbm4b:s20+s4] =	stream.linear.scatter [tilespmem:s5], [sflag:$0x5], $0x1800, $0x38;
	[tilespmem:$0x1B800] =	vst v63  }
0xf4: {  	_ =	swait.ge [sflag:s6], $0x1800  }
0xf5: {  	[sflag:s6] =	ssyncset.done $0x0  }
0xf6: {  	[sflag:s6] =	ssyncadd.s32 $0xFFFFE800  }
0xf7: {  	[tilespmem:s5], [sflag:$0x5] =	stream.linear.gather [spmem:s31], $0x1800, $0x38;
	[tilespmem:$0x1B800] =	vst v63  }
0xf8: {  	_ =	swait.ge [sflag:s6], $0x1800  }
0xf9: {  	[sflag:s6] =	ssyncset.done $0x0  }
0xfa: {  	s18 =	rddreg [dreg:$0xf];
	[sflag:s6] =	ssyncadd.s32 $0xFFFFE800  }
0xfb: {  	[hbm4b:s18+s4] =	stream.linear.scatter [tilespmem:s5], [sflag:$0x5], $0x1800, $0x38;
	[tilespmem:$0x1B800] =	vst v63  }
0xfc: {  	_ =	swait.ge [sflag:s6], $0x1800  }
0xfd: {  	[sflag:s6] =	ssyncset.done $0x0  }
0xfe: {  	[sflag:s6] =	ssyncadd.s32 $0xFFFFE800  }
0xff: {  	[tilespmem:s5], [sflag:$0x5] =	stream.linear.gather [spmem:s0], $0x1800, $0x38;
	[tilespmem:$0x1B800] =	vst v63  }
0x100: {  	_ =	swait.ge [sflag:s6], $0x1800  }
0x101: {  	[sflag:s6] =	ssyncset.done $0x0  }
0x102: {  	s19 =	rddreg [dreg:$0x10];
	[sflag:s6] =	ssyncadd.s32 $0xFFFFE800  }
0x103: {  	[hbm4b:s19+s4] =	stream.linear.scatter [tilespmem:s5], [sflag:$0x5], $0x1800, $0x38;
	[tilespmem:$0x1B800] =	vst v63  }
0x104: {  	_ =	swait.ge [sflag:s6], $0x1800  }
0x105: {  	s16 =	sadd.s32 $0x1, s16;
	s20 =	rddreg [dreg:$0x11]  }
0x106: {  	p0 =	sne.s32 s16, s20  }
.Ltmp2:
0x107: {  	_ = 	snop;
	(pc) =	sbr.rel @p0 .LBB2_1-.Ltmp2, $3  }
0x108: {  	_ =	sdelay $0x1  }
0x109: {  	[sflag:s6] =	ssyncset.done $0x0  }
0x10a: {  	[sflag:s6] =	ssyncadd.s32 $0xFFFFE800  }
0x10b: {  	_ =	sfence.sel $0x180000  }
0x10c: {  	[bflag:$0x0] =	sbarrier.arrive $0xFFFF  }
0x10d: {  	_ =	strace $0x9000004D  }
0x10e: {  	s0 =	stileid.u32;
	[bflag:$0x2] =	sbarrier.arrive $0xFFFF  }
0x10f: {  	p0 =	sne.s32 s0, $0x0;
	s0 =	rddreg [dreg:$0x4]  }
0x110: {  	s0 =	sadd.s32 @!p0 $0x100000, s0  }
0x111: {  	[sflag:s0] =	ssyncadd.tile.s32 @!p0 $0x1;
	_ =	shalt  }
.Lfunc_end2:
_tile_overlayer_lowered:
.L_overlay_start_2:
0x112: {  	(tag) =	ssettag $0x2  }
0x113: {  	s0 =	rddreg [dreg:$0x0];
	s2 =	stileid.u32  }
0x114: {  	s1 =	rddreg [dreg:$0x1];
	p0 =	sne.s32 s2, $0x0  }
0x115: {  	s3 =	rddreg [dreg:$0x2];
	[bflag:$0x3] =	sbarrier.arrive $0xFFFF;
	s2 =	simm.s32 @!p0 $0x1C05  }
0x116: {  	[timem:s3], [sflag:s2] =	dma.local @!p0 [hbm:s0], s1  }
0x117: {  	s0 =	simm.s32 @!p0 $0x5  }
0x118: {  	_ =	swait.ge @!p0 [sflag:s0], s1  }
0x119: {  	s1 =	ssub.s32 @!p0 $0x0, s1;
	[sflag:s0] =	ssyncset.done @!p0 $0x0  }
0x11a: {  	[sflag:s0] =	ssyncadd.s32 @!p0 s1  }
0x11b: {  	[bflag:$0x3] =	sbarrier.arrive $0xFFFF  }
0x11c: {  	_ =	shalt  }

// kernel: kernel.8.cloned.1.call-start
scs
__scs_entry_jumppad:
0x0: {  	(pc) =	sbr.rel $0x88, $3  }
0x1: {  	(tag) =	ssettag $0x0;
	lr =	simm.s32 $0x1  }
0x2: {  	[smem:$0x3F99] =	sst lr;
	_ =	strace $0xD0000000  }
0x3: {  	_ = 	snop  }
0x4: {  	_ = 	snop  }
0x5: {  	_ = 	snop  }
0x6: {  	_ = 	snop  }
0x7: {  	_ = 	snop  }
__scs_overlays_trampoline_lowered:
0x8: {  	[smem:$0x3FA8] =	sst s0  }
0x9: {  	[smem:$0x3FA9] =	sst s1  }
0xa: {  	[smem:$0x3FAA] =	sst s2  }
0xb: {  	[smem:$0x3FAB] =	sst s3  }
0xc: {  	[smem:$0x3FAC] =	sst s4  }
0xd: {  	[smem:$0x3FAD] =	sst s5  }
0xe: {  	[smem:$0x3FAE] =	sst s6  }
0xf: {  	[smem:$0x3FAF] =	sst s7  }
0x10: {  	[smem:$0x3FB0] =	sst s8  }
0x11: {  	[smem:$0x3FB1] =	sst s9;
	s0 =	simm.s32 @!p0 $0x0  }
0x12: {  	s1 =	sld [smem:$0x3F97];
	s0 =	simm.s32 @p0 $0x1  }
0x13: {  	[smem:$0x3FB2] =	sst s0;
	s0 =	simm.s32 @!p1 $0x0  }
0x14: {  	s2 =	sld [smem:$0x3F96];
	s0 =	simm.s32 @p1 $0x1  }
0x15: {  	[smem:$0x3FB3] =	sst s0;
	s0 =	simm.s32 @!p2 $0x0  }
0x16: {  	s3 =	sld [smem:$0x3FDB];
	s0 =	simm.s32 @p2 $0x1  }
0x17: {  	s4 =	simm.s32 $0x1BF5;
	[smem:$0x3FB5] =	sst s0  }
0x18: {  	s0 =	sld [smem:$0x3F98];
	_ =	swait.ge [sflag:s4], $0x0  }
0x19: {  	s7 =	sld [smem:$0x3F99]  }
0x1a: {  	s8 =	sadd.s32 $0xFFFFE003, lr  }
0x1b: {  	s9 =	sadd.s32 $0xFFFFFEF7, lr;
	s5 =	simm.s32 $0xFFFFFFFF;
	p2 =	slt.u32 s8, $0xFFFFF086  }
0x1c: {  	p1 =	slt.u32 s9, $0xF7A;
	s5 =	simm.s32 @!p2 $0x0  }
0x1d: {  	s5 =	simm.s32 @p1 $0x1;
	p0 =	seq.s32 s7, s2  }
0x1e: {  	s7 =	smul.u32 @!p0 $0xF7A, s2;
	p2 =	seq.s32 @!p0 s5, $0x0  }
0x1f: {  	s9 =	smul.u32 $0xF7A, s1;
	s8 =	simm.s32 @!p0 $0x1BF5;
	p2 =	por !p2, p0  }
0x20: {  	[sflag:s8] =	ssyncset.s32 @!p0 $0xFFFFF086;
	s6 =	sadd.s32 @!p0 s3, s7;
	s7 =	simm.s32 @!p0 $0x108  }
0x21: {  	s3 =	sadd.s32 s3, s9;
	s6 =	sadd.s32 @!p0 $0x88, s6;
	s7 =	simm.s32 @p2 $0x1082  }
0x22: {  	[simem:s7], [sflag:s8] =	dma.local @!p0 [hbm:s6], $0xF7A  }
0x23: {  	s9 =	sor.u32 $0xD0000000, s2;
	s6 =	simm.s32 $0x108;
	_ =	swait.ge @!p0 [sflag:s8], $0x0  }
0x24: {  	s3 =	sadd.s32 $0x88, s3;
	s6 =	simm.s32 @!p1 $0x1082;
	[sflag:s4] =	ssyncset.s32 $0xFFFFF086  }
0x25: {  	[simem:s6], [sflag:s4] =	dma.local [hbm:s3], $0xF7A  }
0x26: {  	[smem:$0x3F99] =	sst s1;
	(tag) =	ssettag s2;
	_ =	strace s9  }
0x27: {  	s1 =	sld [smem:$0x3FA9]  }
0x28: {  	s2 =	sld [smem:$0x3FAA]  }
0x29: {  	s4 =	sld [smem:$0x3FAC]  }
0x2a: {  	p0 =	seq.s32 s5, $0x0;
	s5 =	sld [smem:$0x3FAD]  }
0x2b: {  	s6 =	sld [smem:$0x3FAE]  }
0x2c: {  	s7 =	sld [smem:$0x3FAF]  }
0x2d: {  	s3 =	simm.s32 $0x108;
	s8 =	sld [smem:$0x3FB0]  }
0x2e: {  	s3 =	simm.s32 @!p0 $0x1082;
	s9 =	sld [smem:$0x3FB1]  }
0x2f: {  	lr =	sadd.s32 s0, s3;
	s0 =	sld [smem:$0x3FA8]  }
0x30: {  	s3 =	sld [smem:$0x3FAB]  }
0x31: {  	[smem:$0x3FB4] =	sst s10  }
0x32: {  	s10 =	sld [smem:$0x3FB2];
	_ =	sdelay $0x3  }
0x33: {  	p0 =	seq.s32 s10, $0x1;
	s10 =	sld [smem:$0x3FB4];
	_ =	sdelay $0x3  }
0x34: {  	[smem:$0x3FB4] =	sst s10  }
0x35: {  	s10 =	sld [smem:$0x3FB3];
	_ =	sdelay $0x3  }
0x36: {  	p1 =	seq.s32 s10, $0x1;
	s10 =	sld [smem:$0x3FB4];
	_ =	sdelay $0x3  }
0x37: {  	[smem:$0x3FB4] =	sst s10  }
0x38: {  	s10 =	sld [smem:$0x3FB5]  }
0x39: {  	_ = 	snop;
	(pc) =	sbr.ind lr, $3  }
0x3a: {  	_ = 	snop  }
0x3b: {  	_ = 	snop  }
0x3c: {  	p2 =	seq.s32 s10, $0x1;
	s10 =	sld [smem:$0x3FB4]  }
0x3d: {  	_ =	shalt  }
0x3e: {  	_ =	shalt  }
0x3f: {  	_ =	shalt  }
0x40: {  	_ =	shalt  }
0x41: {  	_ =	shalt  }
0x42: {  	_ =	shalt  }
0x43: {  	_ =	shalt  }
0x44: {  	_ =	shalt  }
0x45: {  	_ =	shalt  }
0x46: {  	_ =	shalt  }
0x47: {  	_ =	shalt  }
0x48: {  	_ =	shalt  }
0x49: {  	_ =	shalt  }
0x4a: {  	_ =	shalt  }
0x4b: {  	_ =	shalt  }
0x4c: {  	_ =	shalt  }
0x4d: {  	_ =	shalt  }
0x4e: {  	_ =	shalt  }
0x4f: {  	_ =	shalt  }
0x50: {  	_ =	shalt  }
0x51: {  	_ =	shalt  }
0x52: {  	_ =	shalt  }
0x53: {  	_ =	shalt  }
0x54: {  	_ =	shalt  }
0x55: {  	_ =	shalt  }
0x56: {  	_ =	shalt  }
0x57: {  	_ =	shalt  }
0x58: {  	_ =	shalt  }
0x59: {  	_ =	shalt  }
0x5a: {  	_ =	shalt  }
0x5b: {  	_ =	shalt  }
0x5c: {  	_ =	shalt  }
0x5d: {  	_ =	shalt  }
0x5e: {  	_ =	shalt  }
0x5f: {  	_ =	shalt  }
0x60: {  	_ =	shalt  }
0x61: {  	_ =	shalt  }
0x62: {  	_ =	shalt  }
0x63: {  	_ =	shalt  }
0x64: {  	_ =	shalt  }
0x65: {  	_ =	shalt  }
0x66: {  	_ =	shalt  }
0x67: {  	_ =	shalt  }
0x68: {  	_ =	shalt  }
0x69: {  	_ =	shalt  }
0x6a: {  	_ =	shalt  }
0x6b: {  	_ =	shalt  }
0x6c: {  	_ =	shalt  }
0x6d: {  	_ =	shalt  }
0x6e: {  	_ =	shalt  }
0x6f: {  	_ =	shalt  }
0x70: {  	_ =	shalt  }
0x71: {  	_ =	shalt  }
0x72: {  	_ =	shalt  }
0x73: {  	_ =	shalt  }
0x74: {  	_ =	shalt  }
0x75: {  	_ =	shalt  }
0x76: {  	_ =	shalt  }
0x77: {  	_ =	shalt  }
0x78: {  	_ =	shalt  }
0x79: {  	_ =	shalt  }
0x7a: {  	_ =	shalt  }
0x7b: {  	_ =	shalt  }
0x7c: {  	_ =	shalt  }
0x7d: {  	_ =	shalt  }
0x7e: {  	_ =	shalt  }
0x7f: {  	_ =	shalt  }
0x80: {  	_ =	shalt  }
0x81: {  	_ =	shalt  }
0x82: {  	_ =	shalt  }
0x83: {  	_ =	shalt  }
0x84: {  	_ =	shalt  }
0x85: {  	_ =	shalt  }
0x86: {  	_ =	shalt  }
0x87: {  	_ =	shalt  }
.Lfunc_end0:
.L_simem_size_0:
called_computation_lowered:
.L_overlay_start_0:
0x88: {  	s2 =	sld [smem:$0x3FD9]  }
0x89: {  	s3 =	sld [smem:$0x3FFE];
	_ =	sdelay $0x1  }
0x8a: {  	s1 =	srdreg.scid  }
0x8b: {  	s0 =	sand.u32 $0x1, s1  }
0x8c: {  	s17 =	sshll.u32 s0, $0xA;
	s2 =	sadd.s32 s3, s2  }
0x8d: {  	s2 =	sadd.s32 s2, s17  }
0x8e: {  	[smem:$0x3FC0] =	sst s2  }
0x8f: {  	_ = 	snop  }
0x90: {  	s2 =	sld [smem:$0x3FD0];
	(tm) =	ssettm $0x1  }
0x91: {  	s18 =	sld [smem:$0x3FFB];
	_ =	sdelay $0x3  }
0x92: {  	_ =	strace s18  }
0x93: {  	s3 =	sld [smem:$0x3FFC];
	_ =	sdelay $0x3  }
0x94: {  	_ =	strace s3  }
0x95: {  	s3 =	sld [smem:$0x3FFD];
	_ =	sdelay $0x3  }
0x96: {  	_ =	strace s3  }
0x97: {  	_ =	strace $0x8FFFFFFF  }
0x98: {  	s19 =	sld [smem:$0x3FDB];
	_ =	sdelay $0x1  }
0x99: {  	s4 =	simm.s32 $_scs_section_size  }
0x9a: {  	s5 =	simm.s32 $_size__tile_overlayer_lowered;
	s6 =	simm.s32 $_tile_overlayer_lowered  }
0x9b: {  	s22 =	simm.s32 $0x1BFF;
	s21 =	sshll.u32 s6, $0x1;
	s3 =	sadd.s32 s4, s19  }
0x9c: {  	s7 =	simm.s32 $0x0;
	s20 =	sshll.u32 s5, $0x1;
	s5 =	sadd.s32 s21, s3  }
0x9d: {  	[timem:s7], [sflag:s22] =	dma.local [hbm:s5], s20  }
0x9e: {  	_ =	swait.ge [sflag:s22], s20  }
0x9f: {  	s4 =	ssub.s32 $0x0, s20;
	[sflag:s22] =	ssyncset.done $0x0  }
0xa0: {  	[sflag:s22] =	ssyncadd.s32 s4;
	_ =	sdelay $0x1  }
0xa1: {  	s23 =	simm.s32 $0x1B8B  }
0xa2: {  	_ =	swait.ge [sflag:s23], $0x1  }
0xa3: {  	[sflag:s23] =	ssyncset.done $0x0  }
0xa4: {  	s25 =	simm.s32 $0x1B8E;
	s24 =	sld [smem:$0x3FFE];
	[sflag:s23] =	ssyncadd.s32 $0xFFFFFFFF  }
0xa5: {  	s26 =	simm.s32 $execute0_lowered;
	[smem:$0x3FD2] =	sst s25  }
0xa6: {  	s5 =	sshll.u32 s26, $0x1;
	_ =	strace $0x80000046;
	[dreg:$0x1] =	wrdreg $0xFFFFFFFF  }
0xa7: {  	s28 =	simm.s32 $_size_execute0_lowered;
	s3 =	sadd.s32 s3, s5;
	[dreg:$0x0] =	wrdreg $0x0  }
0xa8: {  	s5 =	sshll.u32 s28, $0x1;
	[dreg:$0x2] =	wrdreg s3  }
0xa9: {  	[dreg:$0x3] =	wrdreg s5  }
0xaa: {  	[dreg:$0x4] =	wrdreg $0xC0  }
0xab: {  	_ =	task [dreg:s7], $0x5FFFF  }
0xac: {  	[dreg:$0x1] =	wrdreg $0xFFFFFFFF  }
0xad: {  	[dreg:$0x0] =	wrdreg $0x60  }
0xae: {  	[dreg:$0x2] =	wrdreg s2  }
0xaf: {  	[dreg:$0x3] =	wrdreg s24  }
0xb0: {  	[dreg:$0x4] =	wrdreg $0x50000  }
0xb1: {  	[dreg:$0x5] =	wrdreg $0x9  }
0xb2: {  	_ =	task.clear_ibuf [dreg:s7], $0x6FFFF;
	_ =	strace $0x90000046  }
0xb3: {  	s29 =	simm.s32 $0x9;
	_ =	strace $0x80000048  }
0xb4: {  	_ =	swait.ge [sflag:s29], $0x1  }
0xb5: {  	[sflag:s29] =	ssyncadd.s32 $0xFFFFFFFF  }
0xb6: {  	_ =	strace $0x90000048  }
0xb7: {  	_ =	sfence  }
0xb8: {  	s30 =	sld [smem:$0x0];
	_ =	sdelay $0x2  }
0xb9: {  	s31 =	sshll.u32 s1, $0xD;
	s1 =	sshrl.u32 s1, $0x2  }
0xba: {  	s3 =	sand.u32 $0x4000, s31;
	s1 =	sadd.s32 s1, s30  }
0xbb: {  	s0 =	sor.u32 s3, s0;
	s1 =	sshll.u32 s1, $0x11  }
0xbc: {  	s0 =	sor.u32 s1, s0  }
0xbd: {  	s0 =	sadd.s32 $0x8F2B, s0  }
0xbe: {  	[sflag:s0] =	ssyncadd.remote.s32 $0x1  }
0xbf: {  	_ =	sfence.sel $0xFFFF  }
0xc0: {  	[dreg:$0x0] =	wrdreg $0xFFFFFFFF;
	(pc) =	sbr.abs _section_cstart, $3  }
0xc1: {  	[dreg:$0x1] =	wrdreg $0xFFFFFFFF  }
0xc2: {  	_ =	task.clear_ibuf [dreg:s7], $0x2FFFF;
	_ =	strace $0x9FFFFFFF  }
0xc3: {  	(tm) =	ssettm $0x7FFFFFFF  }
tec
execute0_lowered:
.L_overlay_start_1:
0x0: {  	(tag) =	ssettag $0x1  }
0x1: {  	s5 =	rddreg [dreg:$0x0]  }
0x2: {  	s4 =	rddreg [dreg:$0x1]  }
0x3: {  	s2 =	rddreg [dreg:$0x2]  }
0x4: {  	s0 =	rddreg [dreg:$0x3]  }
0x5: {  	s1 =	stileid.u32;
	s6 =	srdreg.scid;
	s3 =	simm.s32 $0x0  }
0x6: {  	s23 =	simm.s32 $0x80;
	s24 =	simm.s32 $0x2800;
	s7 =	smul.u32 $0xA000, s1  }
0x7: {  	s25 =	simm.s32 $0x0;
	s6 =	sand.u32 $0x1, s6;
	s8 =	smul.u32 $0x5000, s1  }
0x8: {  	[smem:$0x7FF] =	sst s3;
	s20 =	sadd.s32 $0x1A00, s4;
	s17 =	smul.u32 $0x2800, s1  }
0x9: {  	s9 =	ssub.s32 $0x2, s6;
	s10 =	smul.u32 $0x2800, s6;
	_ =	strace $0x80000047  }
0xa: {  	s18 =	smul.u32 $0x28000, s6;
	s28 =	sshrl.u32 s9, $0x1;
	s7 =	sshrl.u32 s7, $0x2  }
0xb: {  	s6 =	sadd.s32 s17, s2;
	s13 =	sadd.s32 $0x800, s17;
	s15 =	sadd.s32 $0x1000, s17  }
0xc: {  	s19 =	sadd.s32 $0x1800, s17;
	s22 =	sadd.s32 $0x2000, s17;
	s8 =	sadd.s32 s10, s8  }
0xd: {  	s9 =	ssub.s32 s9, s28;
	s4 =	sadd.s32 s7, s2;
	s12 =	sadd.s32 s18, s17  }
0xe: {  	s14 =	sadd.s32 s18, s13;
	s13 =	sadd.s32 s13, s2;
	s16 =	sadd.s32 s18, s15  }
0xf: {  	s15 =	sadd.s32 s15, s2;
	s21 =	sadd.s32 s18, s19;
	s17 =	sadd.s32 s19, s2  }
0x10: {  	s31 =	sadd.s32 s18, s22;
	s19 =	sadd.s32 s22, s2;
	s22 =	simm.s32 $0x1  }
0x11: {  	s29 =	sshrl.u32 s8, $0x3;
	s7 =	smax.u32 s9, $0x1;
	s8 =	sadd.s32 $0x800, s4  }
0x12: {  	s9 =	sadd.s32 $0x1000, s4;
	s10 =	sadd.s32 $0x1800, s4;
	s11 =	sadd.s32 $0x2000, s4  }
0x13: {  	s12 =	sshrl.u32 s12, $0x3;
	s14 =	sshrl.u32 s14, $0x3;
	s16 =	sshrl.u32 s16, $0x3  }
0x14: {  	s30 =	sshrl.u32 s21, $0x3;
	s21 =	sshrl.u32 s31, $0x3;
	s5 =	sadd.s32 s5, s29  }
0x15: {  	s12 =	sadd.s32 s20, s12;
	s14 =	sadd.s32 s20, s14;
	s16 =	sadd.s32 s20, s16  }
0x16: {  	v0 =	vimm.f32 $0.0e+00;
	v1 =	vimm.f32 $1.000000000e+00;
	s18 =	sadd.s32 s20, s30;
	s20 =	sadd.s32 s20, s21;
	s21 =	simm.s32 $0x4800  }
.LBB2_1:
0x17: {  	s26 =	simm.s32 $0x0  }
.LBB2_2:
0x18: {  	p0 =	sne.s32 s26, $0x1FC0  }
.Ltmp0:
0x19: {  	_ = 	snop;
	(pc) =	sbr.rel @p0 .LBB2_2-.Ltmp0, $3  }
0x1a: {  	_ =	sdelay $0x1  }
0x1b: {  	s28 =	sshra.s32 s26, $0x2  }
0x1c: {  	s26 =	sadd.s32 $0x40, s26;
	[tilespmem:s28+$0x4800] =	vst v0  }
0x1d: {  	s26 =	simm.s32 $0x40;
	s28 =	simm.s32 $0x0  }
.LBB2_4:
0x1e: {  	p0 =	sne.s32 s26, $0x1FC0;
	[tilespmem:s28+$0x2800] =	vst v1;
	s28 =	smov.u32 s26;
	s26 =	sadd.s32 $0x40, s26  }
.Ltmp1:
0x1f: {  	(pc) =	sbr.rel @p0 .LBB2_4-.Ltmp1, $2  }
0x20: {  	_ =	sdelay $0x2  }
0x21: {  	s28 =	sshra.s32 s28, $0x2  }
0x22: {  	[tilespmem:s28+$0x2800] =	vst v1  }
0x23: {  	[spmem:s4] =	stream.linear.scatter [tilespmem:s21], [sflag:$0x1], $0x800, $0x38;
	[tilespmem:$0x7800] =	vst v63  }
0x24: {  	_ =	swait.ge [sflag:s22], $0x800  }
0x25: {  	[sflag:s22] =	ssyncset.done $0x0  }
0x26: {  	[sflag:s22] =	ssyncadd.s32 $0xFFFFF800  }
0x27: {  	[spmem:s8] =	stream.linear.scatter [tilespmem:s21], [sflag:$0x1], $0x800, $0x38;
	[tilespmem:$0x7800] =	vst v63  }
0x28: {  	_ =	swait.ge [sflag:s22], $0x800  }
0x29: {  	[sflag:s22] =	ssyncset.done $0x0  }
0x2a: {  	[sflag:s22] =	ssyncadd.s32 $0xFFFFF800  }
0x2b: {  	[spmem:s9] =	stream.linear.scatter [tilespmem:s21], [sflag:$0x1], $0x800, $0x38;
	[tilespmem:$0x7800] =	vst v63  }
0x2c: {  	_ =	swait.ge [sflag:s22], $0x800  }
0x2d: {  	[sflag:s22] =	ssyncset.done $0x0  }
0x2e: {  	[sflag:s22] =	ssyncadd.s32 $0xFFFFF800  }
0x2f: {  	[spmem:s10] =	stream.linear.scatter [tilespmem:s21], [sflag:$0x1], $0x800, $0x38;
	[tilespmem:$0x7800] =	vst v63  }
0x30: {  	_ =	swait.ge [sflag:s22], $0x800  }
0x31: {  	[sflag:s22] =	ssyncset.done $0x0  }
0x32: {  	[sflag:s22] =	ssyncadd.s32 $0xFFFFF800  }
0x33: {  	[spmem:s11] =	stream.linear.scatter [tilespmem:s21], [sflag:$0x1], $0x800, $0x38;
	[tilespmem:$0x7800] =	vst v63  }
0x34: {  	_ =	swait.ge [sflag:s22], $0x800  }
0x35: {  	[sflag:s22] =	ssyncset.done $0x0  }
0x36: {  	s26 =	simm.s32 $0x0;
	[sflag:s22] =	ssyncadd.s32 $0xFFFFF800  }
0x37: {  	[tilespmem:s26], [sflag:$0x1] =	stream.linear.gather [hbm4b:s5+s26], $0x2800, $0x38;
	[tilespmem:$0x7800] =	vst v63  }
0x38: {  	_ =	swait.ge [sflag:s22], $0x2800  }
0x39: {  	[sflag:s22] =	ssyncset.done $0x0  }
0x3a: {  	[sflag:s22] =	ssyncadd.s32 $0xFFFFD800  }
0x3b: {  	s31 =	simm.s32 $0x0;
	[bflag:$0x0] =	sbarrier.arrive $0xFFFF  }
0x3c: {  	[spmem:s2] =	stream.indirect.scatter.add.f32 [tilespmem:s24], [sflag:$0x1], $0x10, s31, s23, $0xb8;
	[tilespmem:$0x7800] =	vst v63  }
0x3d: {  	_ =	swait.ge [sflag:s22], $0x800  }
0x3e: {  	s26 =	simm.s32 $0x200;
	[sflag:s22] =	ssyncset.done $0x0  }
.LBB2_6:
0x3f: {  	s28 =	sshra.s32 s26, $0x2;
	[sflag:s22] =	ssyncadd.s32 $0xFFFFF800;
	p0 =	sne.s32 s26, $0x9E00  }
0x40: {  	[spmem:s2] =	stream.indirect.scatter.add.f32 [tilespmem:s24], [sflag:$0x1], $0x10, s28, s23, $0xb8;
	[tilespmem:$0x7800] =	vst v63  }
.Ltmp2:
0x41: {  	_ = 	snop;
	(pc) =	sbr.rel @p0 .LBB2_6-.Ltmp2, $4  }
0x42: {  	_ = 	snop  }
0x43: {  	s26 =	sadd.s32 $0x200, s26  }
0x44: {  	_ =	swait.ge [sflag:s22], $0x800  }
0x45: {  	[sflag:s22] =	ssyncset.done $0x0  }
0x46: {  	[sflag:s22] =	ssyncadd.s32 $0xFFFFF800  }
0x47: {  	[bflag:$0x0] =	sbarrier.arrive $0xFFFF  }
0x48: {  	[tilespmem:s21], [sflag:$0x1] =	stream.linear.gather [spmem:s6], $0x800, $0x38;
	[tilespmem:$0x7800] =	vst v63  }
0x49: {  	_ =	swait.ge [sflag:s22], $0x800  }
0x4a: {  	[sflag:s22] =	ssyncset.done $0x0  }
0x4b: {  	[sflag:s22] =	ssyncadd.s32 $0xFFFFF800  }
0x4c: {  	[hbm4b:s12+s3] =	stream.linear.scatter [tilespmem:s21], [sflag:$0x1], $0x800, $0x38;
	[tilespmem:$0x7800] =	vst v63  }
0x4d: {  	_ =	swait.ge [sflag:s22], $0x800  }
0x4e: {  	[sflag:s22] =	ssyncset.done $0x0  }
0x4f: {  	[sflag:s22] =	ssyncadd.s32 $0xFFFFF800  }
0x50: {  	[tilespmem:s21], [sflag:$0x1] =	stream.linear.gather [spmem:s13], $0x800, $0x38;
	[tilespmem:$0x7800] =	vst v63  }
0x51: {  	_ =	swait.ge [sflag:s22], $0x800  }
0x52: {  	[sflag:s22] =	ssyncset.done $0x0  }
0x53: {  	[sflag:s22] =	ssyncadd.s32 $0xFFFFF800  }
0x54: {  	[hbm4b:s14+s3] =	stream.linear.scatter [tilespmem:s21], [sflag:$0x1], $0x800, $0x38;
	[tilespmem:$0x7800] =	vst v63  }
0x55: {  	_ =	swait.ge [sflag:s22], $0x800  }
0x56: {  	[sflag:s22] =	ssyncset.done $0x0  }
0x57: {  	[sflag:s22] =	ssyncadd.s32 $0xFFFFF800  }
0x58: {  	[tilespmem:s21], [sflag:$0x1] =	stream.linear.gather [spmem:s15], $0x800, $0x38;
	[tilespmem:$0x7800] =	vst v63  }
0x59: {  	_ =	swait.ge [sflag:s22], $0x800  }
0x5a: {  	[sflag:s22] =	ssyncset.done $0x0  }
0x5b: {  	[sflag:s22] =	ssyncadd.s32 $0xFFFFF800  }
0x5c: {  	[hbm4b:s16+s3] =	stream.linear.scatter [tilespmem:s21], [sflag:$0x1], $0x800, $0x38;
	[tilespmem:$0x7800] =	vst v63  }
0x5d: {  	_ =	swait.ge [sflag:s22], $0x800  }
0x5e: {  	[sflag:s22] =	ssyncset.done $0x0  }
0x5f: {  	[sflag:s22] =	ssyncadd.s32 $0xFFFFF800  }
0x60: {  	[tilespmem:s21], [sflag:$0x1] =	stream.linear.gather [spmem:s17], $0x800, $0x38;
	[tilespmem:$0x7800] =	vst v63  }
0x61: {  	_ =	swait.ge [sflag:s22], $0x800  }
0x62: {  	[sflag:s22] =	ssyncset.done $0x0  }
0x63: {  	[sflag:s22] =	ssyncadd.s32 $0xFFFFF800  }
0x64: {  	[hbm4b:s18+s3] =	stream.linear.scatter [tilespmem:s21], [sflag:$0x1], $0x800, $0x38;
	[tilespmem:$0x7800] =	vst v63  }
0x65: {  	_ =	swait.ge [sflag:s22], $0x800  }
0x66: {  	[sflag:s22] =	ssyncset.done $0x0  }
0x67: {  	[sflag:s22] =	ssyncadd.s32 $0xFFFFF800  }
0x68: {  	[tilespmem:s21], [sflag:$0x1] =	stream.linear.gather [spmem:s19], $0x800, $0x38;
	[tilespmem:$0x7800] =	vst v63  }
0x69: {  	s25 =	sadd.s32 $0x1, s25;
	_ =	swait.ge [sflag:s22], $0x800  }
0x6a: {  	p0 =	sne.s32 s25, s7;
	[sflag:s22] =	ssyncset.done $0x0  }
.Ltmp3:
0x6b: {  	[sflag:s22] =	ssyncadd.s32 $0xFFFFF800;
	(pc) =	sbr.rel @p0 .LBB2_1-.Ltmp3, $4  }
0x6c: {  	[hbm4b:s20+s3] =	stream.linear.scatter [tilespmem:s21], [sflag:$0x1], $0x800, $0x38;
	[tilespmem:$0x7800] =	vst v63  }
0x6d: {  	_ =	swait.ge [sflag:s22], $0x800  }
0x6e: {  	[sflag:s22] =	ssyncset.done $0x0  }
0x6f: {  	[sflag:s22] =	ssyncadd.s32 $0xFFFFF800  }
0x70: {  	_ =	sfence.sel $0x180000  }
0x71: {  	[bflag:$0x0] =	sbarrier.arrive $0xFFFF  }
0x72: {  	p0 =	sne.s32 s1, $0x0;
	_ =	strace $0x90000047  }
0x73: {  	s0 =	sadd.s32 @!p0 $0x100000, s0;
	[bflag:$0x2] =	sbarrier.arrive $0xFFFF  }
0x74: {  	[sflag:s0] =	ssyncadd.tile.s32 @!p0 $0x1;
	_ =	shalt  }
.Lfunc_end2:
_tile_overlayer_lowered:
.L_overlay_start_2:
0x75: {  	(tag) =	ssettag $0x2  }
0x76: {  	s0 =	rddreg [dreg:$0x0];
	s2 =	stileid.u32  }
0x77: {  	s1 =	rddreg [dreg:$0x1];
	p0 =	sne.s32 s2, $0x0  }
0x78: {  	s3 =	rddreg [dreg:$0x2];
	[bflag:$0x3] =	sbarrier.arrive $0xFFFF;
	s2 =	simm.s32 @!p0 $0x1C01  }
0x79: {  	[timem:s3], [sflag:s2] =	dma.local @!p0 [hbm:s0], s1  }
0x7a: {  	s0 =	simm.s32 @!p0 $0x1  }
0x7b: {  	_ =	swait.ge @!p0 [sflag:s0], s1  }
0x7c: {  	s1 =	ssub.s32 @!p0 $0x0, s1;
	[sflag:s0] =	ssyncset.done @!p0 $0x0  }
0x7d: {  	[sflag:s0] =	ssyncadd.s32 @!p0 s1  }
0x7e: {  	[bflag:$0x3] =	sbarrier.arrive $0xFFFF  }
0x7f: {  	_ =	shalt  }

</sc_bundles>
